<compile_context>
chip_gen: v7x
topology: tpu7x:2x2x1
jax: 0.10.2.dev20260603
libtpu: 0.0.44.dev20260713+nightly
codegen_flags: <defaults>
</compile_context>

<pallas_src>
import functools

import jax
import jax.numpy as jnp
from jax import lax
from jax.experimental import pallas as pl
from jax.experimental.pallas import tpu as pltpu
from jax.experimental.pallas import tpu_sc as plsc

N_USERS = 100000
N_ITEMS = 100000
K = 128
B = 4096
U_MEAN = 3.5

NC = 2
NS = 16
L = 16
NW = NC * NS
BPW = B // NW
NCH = BPW // L
HALF = BPW // 2

_mesh = plsc.VectorSubcoreMesh(core_axis_name="c", subcore_axis_name="s")


@functools.partial(
    pl.kernel,
    mesh=_mesh,
    out_type=jax.ShapeDtypeStruct((B,), jnp.float32),
    scratch_types=[
        pltpu.VMEM((BPW,), jnp.int32),
        pltpu.VMEM((BPW,), jnp.int32),
        pltpu.VMEM((BPW,), jnp.float32),
        pltpu.VMEM((BPW,), jnp.float32),
        pltpu.VMEM((BPW,), jnp.float32),
        pltpu.VMEM((BPW, K), jnp.float32),
        pltpu.VMEM((BPW, K), jnp.float32),
        pltpu.VMEM((BPW,), jnp.float32),
        pltpu.SemaphoreType.DMA,
    ],
)
def _svdpp(u_h, i_h, bu_h, bi_h, pu_h, qit_h, ru_h, out_h,
           u_v, i_v, bu_v, bi_v, ru_v, pu_v, qt_v, res_v, sem):
    wid = lax.axis_index("s") * NC + lax.axis_index("c")
    base = wid * BPW

    cp_u = pltpu.async_copy(u_h.at[pl.ds(base, BPW)], u_v, sem)
    cp_i = pltpu.async_copy(i_h.at[pl.ds(base, BPW)], i_v, sem)
    cp_u.wait()
    cp_i.wait()

    cp_pu = pltpu.async_copy(pu_h.at[u_v], pu_v, sem)
    cp_qt = pltpu.async_copy(qit_h.at[i_v], qt_v, sem)
    cp_bu = pltpu.async_copy(bu_h.at[u_v], bu_v, sem)
    cp_bi = pltpu.async_copy(bi_h.at[i_v], bi_v, sem)
    cp_ru = pltpu.async_copy(ru_h.at[u_v], ru_v, sem)

    lane = lax.iota(jnp.int32, L)
    zero = jnp.zeros((L,), jnp.float32)
    perm8 = (lane + 8) & (L - 1)

    cp_pu.wait()
    cp_qt.wait()
    cp_bu.wait()
    cp_bi.wait()
    cp_ru.wait()

    @plsc.parallel_loop(0, NCH)
    def group_body(g):
        sl = pl.ds(g * L, L)
        ruv = ru_v[sl]
        acc = zero
        for jj in range(L):
            j = g * L + jj
            rbc = lax.broadcast(ruv[jj], (L,))
            pa = zero
            for c in range(K // L):
                csl = pl.ds(c * L, L)
                pa = pa + (pu_v[j, csl] + rbc) * qt_v[j, csl]
            pa = pa + pa.at[perm8].get(mode="promise_in_bounds")
            s01 = pa[0] + pa[1]
            s23 = pa[2] + pa[3]
            s45 = pa[4] + pa[5]
            s67 = pa[6] + pa[7]
            s = (s01 + s23) + (s45 + s67)
            acc = jnp.where(lane == jj, lax.broadcast(s, (L,)), acc)
        res_v[sl] = bu_v[sl] + bi_v[sl] + U_MEAN + acc


    pltpu.sync_copy(res_v, out_h.at[pl.ds(base, BPW)])


def kernel(u, i, bu, bi, pu, qi, Ru):
    return _svdpp(
        u.astype(jnp.int32),
        i.astype(jnp.int32),
        bu,
        bi,
        pu,
        qi.T,
        Ru.reshape(-1),
    )

# --- scband reference (transcript-rebuilt; emitter-appended) ---
"""Pipeline reference for scband-svd-plus-plus-61100204753595 (READ-ONLY COPY).

The authoritative reference and input builder live on the scoring server;
editing this copy changes nothing except your own understanding.
"""

import jax, jax.numpy as jnp
import numpy as np

N_USERS = 100000
N_ITEMS = 100000
K = 128
B = 4096
U_MEAN = 3.5  # global mean rating (self.U in the original module)


def setup_inputs(seed: int = 0) -> dict:
    key = jax.random.key(seed)
    k1, k2, k3, k4, k5, k6, k7 = jax.random.split(key, 7)
    u = jax.random.randint(k1, (B,), 0, N_USERS, dtype=jnp.int64 if jax.config.jax_enable_x64 else jnp.int32)
    i = jax.random.randint(k2, (B,), 0, N_ITEMS, dtype=jnp.int64 if jax.config.jax_enable_x64 else jnp.int32)
    bu = jax.random.normal(k3, (N_USERS,), dtype=jnp.float32) * 0.01
    bi = jax.random.normal(k4, (N_ITEMS,), dtype=jnp.float32) * 0.01
    pu = jax.random.normal(k5, (N_USERS, K), dtype=jnp.float32) * 0.05
    qi = jax.random.normal(k6, (K, N_ITEMS), dtype=jnp.float32) * 0.05
    # Ru in the module is (|R(u)| / sqrt(n_items)) per user, shape [N_USERS, 1]
    Ru = jax.random.uniform(k7, (N_USERS, 1), dtype=jnp.float32)
    return {"u": u, "i": i, "bu": bu, "bi": bi, "pu": pu, "qi": qi, "Ru": Ru}


def reference(u, i, bu, bi, pu, qi, Ru):
    # r_hat = U + bi[i] + bu[u] + diag((pu[u,:] + Ru[u]) @ qi[:, i])
    user_vec = pu[u, :] + Ru[u]            # [B, K] (broadcast of [B,1])
    item_mat = qi[:, i]                    # [K, B]
    interaction = jnp.diagonal(jnp.matmul(user_vec, item_mat))  # [B]
    r_hat = U_MEAN + bi[i] + bu[u] + interaction
    return r_hat

if __name__ == "__main__":
    import jax
    _d = setup_inputs()
    print(jax.jit(kernel)(*tuple(_d.values())))

</pallas_src>

<mosaic_0001>
#map = affine_map<(d0, d1) -> (0)>
#map1 = affine_map<(d0, d1) -> (0, 0)>
module attributes {stable_mosaic.version = 14 : i64} {
  func.func @_svdpp(%arg0: i32, %arg1: i32, %arg2: memref<4096xi32, #tpu.memory_space<hbm>>, %arg3: memref<4096xi32, #tpu.memory_space<hbm>>, %arg4: memref<100000xf32, #tpu.memory_space<hbm>>, %arg5: memref<100000xf32, #tpu.memory_space<hbm>>, %arg6: memref<100000x128xf32, #tpu.memory_space<hbm>>, %arg7: memref<100000x128xf32, #tpu.memory_space<hbm>>, %arg8: memref<100000xf32, #tpu.memory_space<hbm>>, %arg9: memref<4096xf32, #tpu.memory_space<hbm>>, %arg10: memref<128xi32, #tpu.memory_space<vmem>>, %arg11: memref<128xi32, #tpu.memory_space<vmem>>, %arg12: memref<128xf32, #tpu.memory_space<vmem>>, %arg13: memref<128xf32, #tpu.memory_space<vmem>>, %arg14: memref<128xf32, #tpu.memory_space<vmem>>, %arg15: memref<128x128xf32, #tpu.memory_space<vmem>>, %arg16: memref<128x128xf32, #tpu.memory_space<vmem>>, %arg17: memref<128xf32, #tpu.memory_space<vmem>>, %arg18: memref<!tpu.dma_semaphore, #tpu.memory_space<semaphore_mem>>) attributes {dimension_semantics = [#tpu.dimension_semantics<core_parallel>, #tpu.dimension_semantics<subcore_parallel>], iteration_bounds = array<i64: 2, 16>, scalar_prefetch = 0 : i64, scratch_operands = 9 : i64, tpu.core_type = #tpu.core_type<sc_vector_subcore>, window_params = [{transform_indices = #map}, {transform_indices = #map}, {transform_indices = #map}, {transform_indices = #map}, {transform_indices = #map1}, {transform_indices = #map1}, {transform_indices = #map}, {transform_indices = #map}]} {
    %mul3A = arith.constant 2 : i32
    %mul3A_0 = arith.muli %arg1, %mul3A : i32
    %add3A = arith.addi %mul3A_0, %arg0 : i32
    %mul3A_1 = arith.constant 128 : i32
    %mul3A_2 = arith.muli %add3A, %mul3A_1 : i32
    %dma_start3A = tpu.memref_slice %arg2[%mul3A_2] : memref<4096xi32, #tpu.memory_space<hbm>> -> memref<128xi32, #tpu.memory_space<hbm>>
    %dma_start3A_3 = tpu.memref_slice %arg2[%mul3A_2] : memref<4096xi32, #tpu.memory_space<hbm>> -> memref<128xi32, #tpu.memory_space<hbm>>
    tpu.enqueue_dma source(%dma_start3A_3 : memref<128xi32, #tpu.memory_space<hbm>>) target(%arg10 : memref<128xi32, #tpu.memory_space<vmem>>) target_semaphore(%arg18 : memref<!tpu.dma_semaphore, #tpu.memory_space<semaphore_mem>>)
    %dma_start3A_4 = tpu.memref_slice %arg3[%mul3A_2] : memref<4096xi32, #tpu.memory_space<hbm>> -> memref<128xi32, #tpu.memory_space<hbm>>
    %dma_start3A_5 = tpu.memref_slice %arg3[%mul3A_2] : memref<4096xi32, #tpu.memory_space<hbm>> -> memref<128xi32, #tpu.memory_space<hbm>>
    tpu.enqueue_dma source(%dma_start3A_5 : memref<128xi32, #tpu.memory_space<hbm>>) target(%arg11 : memref<128xi32, #tpu.memory_space<vmem>>) target_semaphore(%arg18 : memref<!tpu.dma_semaphore, #tpu.memory_space<semaphore_mem>>)
    %dma_wait3A = tpu.memref_slice %arg2[%mul3A_2] : memref<4096xi32, #tpu.memory_space<hbm>> -> memref<128xi32, #tpu.memory_space<hbm>>
    %dma_wait3A_6 = tpu.memref_slice %arg2[%mul3A_2] : memref<4096xi32, #tpu.memory_space<hbm>> -> memref<128xi32, #tpu.memory_space<hbm>>
    tpu.wait_dma2 semaphore(%arg18 : memref<!tpu.dma_semaphore, #tpu.memory_space<semaphore_mem>>) src(%dma_wait3A_6 : memref<128xi32, #tpu.memory_space<hbm>>) dst(%arg10 : memref<128xi32, #tpu.memory_space<vmem>>)
    %dma_wait3A_7 = tpu.memref_slice %arg3[%mul3A_2] : memref<4096xi32, #tpu.memory_space<hbm>> -> memref<128xi32, #tpu.memory_space<hbm>>
    %dma_wait3A_8 = tpu.memref_slice %arg3[%mul3A_2] : memref<4096xi32, #tpu.memory_space<hbm>> -> memref<128xi32, #tpu.memory_space<hbm>>
    tpu.wait_dma2 semaphore(%arg18 : memref<!tpu.dma_semaphore, #tpu.memory_space<semaphore_mem>>) src(%dma_wait3A_8 : memref<128xi32, #tpu.memory_space<hbm>>) dst(%arg11 : memref<128xi32, #tpu.memory_space<vmem>>)
    %dma_start3A_9 = arith.constant 0 : i32
    %dma_start3A_10 = arith.constant 0 : i32
    %dma_start3A_11 = tpu.memref_slice %arg6[%dma_start3A_9, %dma_start3A_10] : memref<100000x128xf32, #tpu.memory_space<hbm>> -> memref<100000x128xf32, #tpu.memory_space<hbm>>
    tpu.enqueue_indirect_dma source(%dma_start3A_11 : memref<100000x128xf32, #tpu.memory_space<hbm>>) target(%arg15 : memref<128x128xf32, #tpu.memory_space<vmem>>) offsets(%arg10 : memref<128xi32, #tpu.memory_space<vmem>>) semaphore(%arg18 : memref<!tpu.dma_semaphore, #tpu.memory_space<semaphore_mem>>)
    %dma_start3A_12 = arith.constant 0 : i32
    %dma_start3A_13 = arith.constant 0 : i32
    %dma_start3A_14 = tpu.memref_slice %arg7[%dma_start3A_12, %dma_start3A_13] : memref<100000x128xf32, #tpu.memory_space<hbm>> -> memref<100000x128xf32, #tpu.memory_space<hbm>>
    tpu.enqueue_indirect_dma source(%dma_start3A_14 : memref<100000x128xf32, #tpu.memory_space<hbm>>) target(%arg16 : memref<128x128xf32, #tpu.memory_space<vmem>>) offsets(%arg11 : memref<128xi32, #tpu.memory_space<vmem>>) semaphore(%arg18 : memref<!tpu.dma_semaphore, #tpu.memory_space<semaphore_mem>>)
    %dma_start3A_15 = arith.constant 0 : i32
    %dma_start3A_16 = tpu.memref_slice %arg4[%dma_start3A_15] : memref<100000xf32, #tpu.memory_space<hbm>> -> memref<100000xf32, #tpu.memory_space<hbm>>
    tpu.enqueue_indirect_dma source(%dma_start3A_16 : memref<100000xf32, #tpu.memory_space<hbm>>) target(%arg12 : memref<128xf32, #tpu.memory_space<vmem>>) offsets(%arg10 : memref<128xi32, #tpu.memory_space<vmem>>) semaphore(%arg18 : memref<!tpu.dma_semaphore, #tpu.memory_space<semaphore_mem>>)
    %dma_start3A_17 = arith.constant 0 : i32
    %dma_start3A_18 = tpu.memref_slice %arg5[%dma_start3A_17] : memref<100000xf32, #tpu.memory_space<hbm>> -> memref<100000xf32, #tpu.memory_space<hbm>>
    tpu.enqueue_indirect_dma source(%dma_start3A_18 : memref<100000xf32, #tpu.memory_space<hbm>>) target(%arg13 : memref<128xf32, #tpu.memory_space<vmem>>) offsets(%arg11 : memref<128xi32, #tpu.memory_space<vmem>>) semaphore(%arg18 : memref<!tpu.dma_semaphore, #tpu.memory_space<semaphore_mem>>)
    %dma_start3A_19 = arith.constant 0 : i32
    %dma_start3A_20 = tpu.memref_slice %arg8[%dma_start3A_19] : memref<100000xf32, #tpu.memory_space<hbm>> -> memref<100000xf32, #tpu.memory_space<hbm>>
    tpu.enqueue_indirect_dma source(%dma_start3A_20 : memref<100000xf32, #tpu.memory_space<hbm>>) target(%arg14 : memref<128xf32, #tpu.memory_space<vmem>>) offsets(%arg10 : memref<128xi32, #tpu.memory_space<vmem>>) semaphore(%arg18 : memref<!tpu.dma_semaphore, #tpu.memory_space<semaphore_mem>>)
    %iota3A = tpu.iota {dimensions = array<i32: 0>} : vector<16xi32>
    %broadcast_in_dim3A = arith.constant 0.000000e+00 : f32
    %broadcast_in_dim3A_21 = vector.broadcast %broadcast_in_dim3A : f32 to vector<16xf32>
    %add3A_22 = arith.constant 8 : i32
    %add3A_23 = vector.broadcast %add3A_22 : i32 to vector<16xi32>
    %add3A_24 = arith.addi %iota3A, %add3A_23 : vector<16xi32>
    %and3A = arith.constant 15 : i32
    %and3A_25 = vector.broadcast %and3A : i32 to vector<16xi32>
    %and3A_26 = arith.andi %add3A_24, %and3A_25 : vector<16xi32>
    %dma_wait3A_27 = arith.constant 0 : i32
    %dma_wait3A_28 = arith.constant 0 : i32
    %dma_wait3A_29 = tpu.memref_slice %arg6[%dma_wait3A_27, %dma_wait3A_28] : memref<100000x128xf32, #tpu.memory_space<hbm>> -> memref<100000x128xf32, #tpu.memory_space<hbm>>
    tpu.wait_indirect_dma semaphore(%arg18 : memref<!tpu.dma_semaphore, #tpu.memory_space<semaphore_mem>>) src(%dma_wait3A_29 : memref<100000x128xf32, #tpu.memory_space<hbm>>) dst(%arg15 : memref<128x128xf32, #tpu.memory_space<vmem>>)
    %dma_wait3A_30 = arith.constant 0 : i32
    %dma_wait3A_31 = arith.constant 0 : i32
    %dma_wait3A_32 = tpu.memref_slice %arg7[%dma_wait3A_30, %dma_wait3A_31] : memref<100000x128xf32, #tpu.memory_space<hbm>> -> memref<100000x128xf32, #tpu.memory_space<hbm>>
    tpu.wait_indirect_dma semaphore(%arg18 : memref<!tpu.dma_semaphore, #tpu.memory_space<semaphore_mem>>) src(%dma_wait3A_32 : memref<100000x128xf32, #tpu.memory_space<hbm>>) dst(%arg16 : memref<128x128xf32, #tpu.memory_space<vmem>>)
    %dma_wait3A_33 = arith.constant 0 : i32
    %dma_wait3A_34 = tpu.memref_slice %arg4[%dma_wait3A_33] : memref<100000xf32, #tpu.memory_space<hbm>> -> memref<100000xf32, #tpu.memory_space<hbm>>
    tpu.wait_indirect_dma semaphore(%arg18 : memref<!tpu.dma_semaphore, #tpu.memory_space<semaphore_mem>>) src(%dma_wait3A_34 : memref<100000xf32, #tpu.memory_space<hbm>>) dst(%arg12 : memref<128xf32, #tpu.memory_space<vmem>>)
    %dma_wait3A_35 = arith.constant 0 : i32
    %dma_wait3A_36 = tpu.memref_slice %arg5[%dma_wait3A_35] : memref<100000xf32, #tpu.memory_space<hbm>> -> memref<100000xf32, #tpu.memory_space<hbm>>
    tpu.wait_indirect_dma semaphore(%arg18 : memref<!tpu.dma_semaphore, #tpu.memory_space<semaphore_mem>>) src(%dma_wait3A_36 : memref<100000xf32, #tpu.memory_space<hbm>>) dst(%arg13 : memref<128xf32, #tpu.memory_space<vmem>>)
    %dma_wait3A_37 = arith.constant 0 : i32
    %dma_wait3A_38 = tpu.memref_slice %arg8[%dma_wait3A_37] : memref<100000xf32, #tpu.memory_space<hbm>> -> memref<100000xf32, #tpu.memory_space<hbm>>
    tpu.wait_indirect_dma semaphore(%arg18 : memref<!tpu.dma_semaphore, #tpu.memory_space<semaphore_mem>>) src(%dma_wait3A_38 : memref<100000xf32, #tpu.memory_space<hbm>>) dst(%arg14 : memref<128xf32, #tpu.memory_space<vmem>>)
    %parallel_loop3A = arith.constant 0 : i32
    %parallel_loop3A_39 = arith.constant 8 : i32
    %parallel_loop3A_40 = arith.constant 1 : i32
    scf.for %parallel_loop3A_41 = %parallel_loop3A to %parallel_loop3A_39 step %parallel_loop3A_40  : i32 {
      %parallel_loop3A_42 = arith.constant 16 : i32
      %parallel_loop3A_43 = arith.muli %parallel_loop3A_41, %parallel_loop3A_42 : i32
      %parallel_loop3A_44 = arith.index_cast %parallel_loop3A_43 : i32 to index
      %parallel_loop3A_45 = tpu.vector_load %arg14[%parallel_loop3A_44] {strides = array<i32>} : memref<128xf32, #tpu.memory_space<vmem>>, vector<16xf32>,
      %parallel_loop3A_46 = vector.shape_cast %parallel_loop3A_45 : vector<16xf32> to vector<16xf32>
      %parallel_loop3A_47 = arith.constant 16 : i32
      %parallel_loop3A_48 = arith.muli %parallel_loop3A_41, %parallel_loop3A_47 : i32
      %parallel_loop3A_49 = arith.constant 0 : i32
      %parallel_loop3A_50 = arith.addi %parallel_loop3A_48, %parallel_loop3A_49 : i32
      %parallel_loop3A_51 = vector.extract_strided_slice %parallel_loop3A_46 {offsets = [0], sizes = [1], strides = [1]} : vector<16xf32> to vector<1xf32>
      %parallel_loop3A_52 = vector.extract %parallel_loop3A_51[0] : f32 from vector<1xf32>
      %parallel_loop3A_53 = vector.broadcast %parallel_loop3A_52 : f32 to vector<16xf32>
      %parallel_loop3A_54 = arith.index_cast %parallel_loop3A_50 : i32 to index
      %parallel_loop3A_55 = arith.constant 0 : index
      %parallel_loop3A_56 = tpu.vector_load %arg15[%parallel_loop3A_54, %parallel_loop3A_55] {strides = array<i32>} : memref<128x128xf32, #tpu.memory_space<vmem>>, vector<1x16xf32>,
      %parallel_loop3A_57 = vector.shape_cast %parallel_loop3A_56 : vector<1x16xf32> to vector<16xf32>
      %parallel_loop3A_58 = arith.addf %parallel_loop3A_57, %parallel_loop3A_53 : vector<16xf32>
      %parallel_loop3A_59 = arith.index_cast %parallel_loop3A_50 : i32 to index
      %parallel_loop3A_60 = arith.constant 0 : index
      %parallel_loop3A_61 = tpu.vector_load %arg16[%parallel_loop3A_59, %parallel_loop3A_60] {strides = array<i32>} : memref<128x128xf32, #tpu.memory_space<vmem>>, vector<1x16xf32>,
      %parallel_loop3A_62 = vector.shape_cast %parallel_loop3A_61 : vector<1x16xf32> to vector<16xf32>
      %parallel_loop3A_63 = arith.mulf %parallel_loop3A_58, %parallel_loop3A_62 : vector<16xf32>
      %parallel_loop3A_64 = arith.addf %broadcast_in_dim3A_21, %parallel_loop3A_63 : vector<16xf32>
      %parallel_loop3A_65 = arith.index_cast %parallel_loop3A_50 : i32 to index
      %parallel_loop3A_66 = arith.constant 16 : index
      %parallel_loop3A_67 = tpu.vector_load %arg15[%parallel_loop3A_65, %parallel_loop3A_66] {strides = array<i32>} : memref<128x128xf32, #tpu.memory_space<vmem>>, vector<1x16xf32>,
      %parallel_loop3A_68 = vector.shape_cast %parallel_loop3A_67 : vector<1x16xf32> to vector<16xf32>
      %parallel_loop3A_69 = arith.addf %parallel_loop3A_68, %parallel_loop3A_53 : vector<16xf32>
      %parallel_loop3A_70 = arith.index_cast %parallel_loop3A_50 : i32 to index
      %parallel_loop3A_71 = arith.constant 16 : index
      %parallel_loop3A_72 = tpu.vector_load %arg16[%parallel_loop3A_70, %parallel_loop3A_71] {strides = array<i32>} : memref<128x128xf32, #tpu.memory_space<vmem>>, vector<1x16xf32>,
      %parallel_loop3A_73 = vector.shape_cast %parallel_loop3A_72 : vector<1x16xf32> to vector<16xf32>
      %parallel_loop3A_74 = arith.mulf %parallel_loop3A_69, %parallel_loop3A_73 : vector<16xf32>
      %parallel_loop3A_75 = arith.addf %parallel_loop3A_64, %parallel_loop3A_74 : vector<16xf32>
      %parallel_loop3A_76 = arith.index_cast %parallel_loop3A_50 : i32 to index
      %parallel_loop3A_77 = arith.constant 32 : index
      %parallel_loop3A_78 = tpu.vector_load %arg15[%parallel_loop3A_76, %parallel_loop3A_77] {strides = array<i32>} : memref<128x128xf32, #tpu.memory_space<vmem>>, vector<1x16xf32>,
      %parallel_loop3A_79 = vector.shape_cast %parallel_loop3A_78 : vector<1x16xf32> to vector<16xf32>
      %parallel_loop3A_80 = arith.addf %parallel_loop3A_79, %parallel_loop3A_53 : vector<16xf32>
      %parallel_loop3A_81 = arith.index_cast %parallel_loop3A_50 : i32 to index
      %parallel_loop3A_82 = arith.constant 32 : index
      %parallel_loop3A_83 = tpu.vector_load %arg16[%parallel_loop3A_81, %parallel_loop3A_82] {strides = array<i32>} : memref<128x128xf32, #tpu.memory_space<vmem>>, vector<1x16xf32>,
      %parallel_loop3A_84 = vector.shape_cast %parallel_loop3A_83 : vector<1x16xf32> to vector<16xf32>
      %parallel_loop3A_85 = arith.mulf %parallel_loop3A_80, %parallel_loop3A_84 : vector<16xf32>
      %parallel_loop3A_86 = arith.addf %parallel_loop3A_75, %parallel_loop3A_85 : vector<16xf32>
      %parallel_loop3A_87 = arith.index_cast %parallel_loop3A_50 : i32 to index
      %parallel_loop3A_88 = arith.constant 48 : index
      %parallel_loop3A_89 = tpu.vector_load %arg15[%parallel_loop3A_87, %parallel_loop3A_88] {strides = array<i32>} : memref<128x128xf32, #tpu.memory_space<vmem>>, vector<1x16xf32>,
      %parallel_loop3A_90 = vector.shape_cast %parallel_loop3A_89 : vector<1x16xf32> to vector<16xf32>
      %parallel_loop3A_91 = arith.addf %parallel_loop3A_90, %parallel_loop3A_53 : vector<16xf32>
      %parallel_loop3A_92 = arith.index_cast %parallel_loop3A_50 : i32 to index
      %parallel_loop3A_93 = arith.constant 48 : index
      %parallel_loop3A_94 = tpu.vector_load %arg16[%parallel_loop3A_92, %parallel_loop3A_93] {strides = array<i32>} : memref<128x128xf32, #tpu.memory_space<vmem>>, vector<1x16xf32>,
      %parallel_loop3A_95 = vector.shape_cast %parallel_loop3A_94 : vector<1x16xf32> to vector<16xf32>
      %parallel_loop3A_96 = arith.mulf %parallel_loop3A_91, %parallel_loop3A_95 : vector<16xf32>
      %parallel_loop3A_97 = arith.addf %parallel_loop3A_86, %parallel_loop3A_96 : vector<16xf32>
      %parallel_loop3A_98 = arith.index_cast %parallel_loop3A_50 : i32 to index
      %parallel_loop3A_99 = arith.constant 64 : index
      %parallel_loop3A_100 = tpu.vector_load %arg15[%parallel_loop3A_98, %parallel_loop3A_99] {strides = array<i32>} : memref<128x128xf32, #tpu.memory_space<vmem>>, vector<1x16xf32>,
      %parallel_loop3A_101 = vector.shape_cast %parallel_loop3A_100 : vector<1x16xf32> to vector<16xf32>
      %parallel_loop3A_102 = arith.addf %parallel_loop3A_101, %parallel_loop3A_53 : vector<16xf32>
      %parallel_loop3A_103 = arith.index_cast %parallel_loop3A_50 : i32 to index
      %parallel_loop3A_104 = arith.constant 64 : index
      %parallel_loop3A_105 = tpu.vector_load %arg16[%parallel_loop3A_103, %parallel_loop3A_104] {strides = array<i32>} : memref<128x128xf32, #tpu.memory_space<vmem>>, vector<1x16xf32>,
      %parallel_loop3A_106 = vector.shape_cast %parallel_loop3A_105 : vector<1x16xf32> to vector<16xf32>
      %parallel_loop3A_107 = arith.mulf %parallel_loop3A_102, %parallel_loop3A_106 : vector<16xf32>
      %parallel_loop3A_108 = arith.addf %parallel_loop3A_97, %parallel_loop3A_107 : vector<16xf32>
      %parallel_loop3A_109 = arith.index_cast %parallel_loop3A_50 : i32 to index
      %parallel_loop3A_110 = arith.constant 80 : index
      %parallel_loop3A_111 = tpu.vector_load %arg15[%parallel_loop3A_109, %parallel_loop3A_110] {strides = array<i32>} : memref<128x128xf32, #tpu.memory_space<vmem>>, vector<1x16xf32>,
      %parallel_loop3A_112 = vector.shape_cast %parallel_loop3A_111 : vector<1x16xf32> to vector<16xf32>
      %parallel_loop3A_113 = arith.addf %parallel_loop3A_112, %parallel_loop3A_53 : vector<16xf32>
      %parallel_loop3A_114 = arith.index_cast %parallel_loop3A_50 : i32 to index
      %parallel_loop3A_115 = arith.constant 80 : index
      %parallel_loop3A_116 = tpu.vector_load %arg16[%parallel_loop3A_114, %parallel_loop3A_115] {strides = array<i32>} : memref<128x128xf32, #tpu.memory_space<vmem>>, vector<1x16xf32>,
      %parallel_loop3A_117 = vector.shape_cast %parallel_loop3A_116 : vector<1x16xf32> to vector<16xf32>
      %parallel_loop3A_118 = arith.mulf %parallel_loop3A_113, %parallel_loop3A_117 : vector<16xf32>
      %parallel_loop3A_119 = arith.addf %parallel_loop3A_108, %parallel_loop3A_118 : vector<16xf32>
      %parallel_loop3A_120 = arith.index_cast %parallel_loop3A_50 : i32 to index
      %parallel_loop3A_121 = arith.constant 96 : index
      %parallel_loop3A_122 = tpu.vector_load %arg15[%parallel_loop3A_120, %parallel_loop3A_121] {strides = array<i32>} : memref<128x128xf32, #tpu.memory_space<vmem>>, vector<1x16xf32>,
      %parallel_loop3A_123 = vector.shape_cast %parallel_loop3A_122 : vector<1x16xf32> to vector<16xf32>
      %parallel_loop3A_124 = arith.addf %parallel_loop3A_123, %parallel_loop3A_53 : vector<16xf32>
      %parallel_loop3A_125 = arith.index_cast %parallel_loop3A_50 : i32 to index
      %parallel_loop3A_126 = arith.constant 96 : index
      %parallel_loop3A_127 = tpu.vector_load %arg16[%parallel_loop3A_125, %parallel_loop3A_126] {strides = array<i32>} : memref<128x128xf32, #tpu.memory_space<vmem>>, vector<1x16xf32>,
      %parallel_loop3A_128 = vector.shape_cast %parallel_loop3A_127 : vector<1x16xf32> to vector<16xf32>
      %parallel_loop3A_129 = arith.mulf %parallel_loop3A_124, %parallel_loop3A_128 : vector<16xf32>
      %parallel_loop3A_130 = arith.addf %parallel_loop3A_119, %parallel_loop3A_129 : vector<16xf32>
      %parallel_loop3A_131 = arith.index_cast %parallel_loop3A_50 : i32 to index
      %parallel_loop3A_132 = arith.constant 112 : index
      %parallel_loop3A_133 = tpu.vector_load %arg15[%parallel_loop3A_131, %parallel_loop3A_132] {strides = array<i32>} : memref<128x128xf32, #tpu.memory_space<vmem>>, vector<1x16xf32>,
      %parallel_loop3A_134 = vector.shape_cast %parallel_loop3A_133 : vector<1x16xf32> to vector<16xf32>
      %parallel_loop3A_135 = arith.addf %parallel_loop3A_134, %parallel_loop3A_53 : vector<16xf32>
      %parallel_loop3A_136 = arith.index_cast %parallel_loop3A_50 : i32 to index
      %parallel_loop3A_137 = arith.constant 112 : index
      %parallel_loop3A_138 = tpu.vector_load %arg16[%parallel_loop3A_136, %parallel_loop3A_137] {strides = array<i32>} : memref<128x128xf32, #tpu.memory_space<vmem>>, vector<1x16xf32>,
      %parallel_loop3A_139 = vector.shape_cast %parallel_loop3A_138 : vector<1x16xf32> to vector<16xf32>
      %parallel_loop3A_140 = arith.mulf %parallel_loop3A_135, %parallel_loop3A_139 : vector<16xf32>
      %parallel_loop3A_141 = arith.addf %parallel_loop3A_130, %parallel_loop3A_140 : vector<16xf32>
      %parallel_loop3A_142 = arith.constant 0 : i32
      %parallel_loop3A_143 = vector.broadcast %parallel_loop3A_142 : i32 to vector<16xi32>
      %parallel_loop3A_144 = arith.cmpi slt, %and3A_26, %parallel_loop3A_143 : vector<16xi32>
      %parallel_loop3A_145 = arith.constant 16 : i32
      %parallel_loop3A_146 = vector.broadcast %parallel_loop3A_145 : i32 to vector<16xi32>
      %parallel_loop3A_147 = arith.addi %and3A_26, %parallel_loop3A_146 : vector<16xi32>
      %parallel_loop3A_148 = arith.select %parallel_loop3A_144, %parallel_loop3A_147, %and3A_26 : vector<16xi1>, vector<16xi32>
      %parallel_loop3A_149 = vector.shape_cast %parallel_loop3A_148 : vector<16xi32> to vector<16x1xi32>
      %parallel_loop3A_150 = vector.shape_cast %parallel_loop3A_149 : vector<16x1xi32> to vector<16xi32>
      %parallel_loop3A_151 = tpu.dynamic_gather %parallel_loop3A_141[%parallel_loop3A_150] in [0] : vector<16xf32>, vector<16xi32> -> vector<16xf32>
      %parallel_loop3A_152 = arith.addf %parallel_loop3A_141, %parallel_loop3A_151 : vector<16xf32>
      %parallel_loop3A_153 = vector.extract_strided_slice %parallel_loop3A_152 {offsets = [0], sizes = [1], strides = [1]} : vector<16xf32> to vector<1xf32>
      %parallel_loop3A_154 = vector.extract %parallel_loop3A_153[0] : f32 from vector<1xf32>
      %parallel_loop3A_155 = vector.extract_strided_slice %parallel_loop3A_152 {offsets = [1], sizes = [1], strides = [1]} : vector<16xf32> to vector<1xf32>
      %parallel_loop3A_156 = vector.extract %parallel_loop3A_155[0] : f32 from vector<1xf32>
      %parallel_loop3A_157 = arith.addf %parallel_loop3A_154, %parallel_loop3A_156 : f32
      %parallel_loop3A_158 = vector.extract_strided_slice %parallel_loop3A_152 {offsets = [2], sizes = [1], strides = [1]} : vector<16xf32> to vector<1xf32>
      %parallel_loop3A_159 = vector.extract %parallel_loop3A_158[0] : f32 from vector<1xf32>
      %parallel_loop3A_160 = vector.extract_strided_slice %parallel_loop3A_152 {offsets = [3], sizes = [1], strides = [1]} : vector<16xf32> to vector<1xf32>
      %parallel_loop3A_161 = vector.extract %parallel_loop3A_160[0] : f32 from vector<1xf32>
      %parallel_loop3A_162 = arith.addf %parallel_loop3A_159, %parallel_loop3A_161 : f32
      %parallel_loop3A_163 = vector.extract_strided_slice %parallel_loop3A_152 {offsets = [4], sizes = [1], strides = [1]} : vector<16xf32> to vector<1xf32>
      %parallel_loop3A_164 = vector.extract %parallel_loop3A_163[0] : f32 from vector<1xf32>
      %parallel_loop3A_165 = vector.extract_strided_slice %parallel_loop3A_152 {offsets = [5], sizes = [1], strides = [1]} : vector<16xf32> to vector<1xf32>
      %parallel_loop3A_166 = vector.extract %parallel_loop3A_165[0] : f32 from vector<1xf32>
      %parallel_loop3A_167 = arith.addf %parallel_loop3A_164, %parallel_loop3A_166 : f32
      %parallel_loop3A_168 = vector.extract_strided_slice %parallel_loop3A_152 {offsets = [6], sizes = [1], strides = [1]} : vector<16xf32> to vector<1xf32>
      %parallel_loop3A_169 = vector.extract %parallel_loop3A_168[0] : f32 from vector<1xf32>
      %parallel_loop3A_170 = vector.extract_strided_slice %parallel_loop3A_152 {offsets = [7], sizes = [1], strides = [1]} : vector<16xf32> to vector<1xf32>
      %parallel_loop3A_171 = vector.extract %parallel_loop3A_170[0] : f32 from vector<1xf32>
      %parallel_loop3A_172 = arith.addf %parallel_loop3A_169, %parallel_loop3A_171 : f32
      %parallel_loop3A_173 = arith.addf %parallel_loop3A_157, %parallel_loop3A_162 : f32
      %parallel_loop3A_174 = arith.addf %parallel_loop3A_167, %parallel_loop3A_172 : f32
      %parallel_loop3A_175 = arith.addf %parallel_loop3A_173, %parallel_loop3A_174 : f32
      %parallel_loop3A_176 = arith.constant 0 : i32
      %parallel_loop3A_177 = vector.broadcast %parallel_loop3A_176 : i32 to vector<16xi32>
      %parallel_loop3A_178 = arith.cmpi eq, %iota3A, %parallel_loop3A_177 : vector<16xi32>
      %parallel_loop3A_179 = vector.broadcast %parallel_loop3A_175 : f32 to vector<16xf32>
      %parallel_loop3A_180 = arith.select %parallel_loop3A_178, %parallel_loop3A_179, %broadcast_in_dim3A_21 : vector<16xi1>, vector<16xf32>
      %parallel_loop3A_181 = arith.constant 16 : i32
      %parallel_loop3A_182 = arith.muli %parallel_loop3A_41, %parallel_loop3A_181 : i32
      %parallel_loop3A_183 = arith.constant 1 : i32
      %parallel_loop3A_184 = arith.addi %parallel_loop3A_182, %parallel_loop3A_183 : i32
      %parallel_loop3A_185 = vector.extract_strided_slice %parallel_loop3A_46 {offsets = [1], sizes = [1], strides = [1]} : vector<16xf32> to vector<1xf32>
      %parallel_loop3A_186 = vector.extract %parallel_loop3A_185[0] : f32 from vector<1xf32>
      %parallel_loop3A_187 = vector.broadcast %parallel_loop3A_186 : f32 to vector<16xf32>
      %parallel_loop3A_188 = arith.index_cast %parallel_loop3A_184 : i32 to index
      %parallel_loop3A_189 = arith.constant 0 : index
      %parallel_loop3A_190 = tpu.vector_load %arg15[%parallel_loop3A_188, %parallel_loop3A_189] {strides = array<i32>} : memref<128x128xf32, #tpu.memory_space<vmem>>, vector<1x16xf32>,
      %parallel_loop3A_191 = vector.shape_cast %parallel_loop3A_190 : vector<1x16xf32> to vector<16xf32>
      %parallel_loop3A_192 = arith.addf %parallel_loop3A_191, %parallel_loop3A_187 : vector<16xf32>
      %parallel_loop3A_193 = arith.index_cast %parallel_loop3A_184 : i32 to index
      %parallel_loop3A_194 = arith.constant 0 : index
      %parallel_loop3A_195 = tpu.vector_load %arg16[%parallel_loop3A_193, %parallel_loop3A_194] {strides = array<i32>} : memref<128x128xf32, #tpu.memory_space<vmem>>, vector<1x16xf32>,
      %parallel_loop3A_196 = vector.shape_cast %parallel_loop3A_195 : vector<1x16xf32> to vector<16xf32>
      %parallel_loop3A_197 = arith.mulf %parallel_loop3A_192, %parallel_loop3A_196 : vector<16xf32>
      %parallel_loop3A_198 = arith.addf %broadcast_in_dim3A_21, %parallel_loop3A_197 : vector<16xf32>
      %parallel_loop3A_199 = arith.index_cast %parallel_loop3A_184 : i32 to index
      %parallel_loop3A_200 = arith.constant 16 : index
      %parallel_loop3A_201 = tpu.vector_load %arg15[%parallel_loop3A_199, %parallel_loop3A_200] {strides = array<i32>} : memref<128x128xf32, #tpu.memory_space<vmem>>, vector<1x16xf32>,
      %parallel_loop3A_202 = vector.shape_cast %parallel_loop3A_201 : vector<1x16xf32> to vector<16xf32>
      %parallel_loop3A_203 = arith.addf %parallel_loop3A_202, %parallel_loop3A_187 : vector<16xf32>
      %parallel_loop3A_204 = arith.index_cast %parallel_loop3A_184 : i32 to index
      %parallel_loop3A_205 = arith.constant 16 : index
      %parallel_loop3A_206 = tpu.vector_load %arg16[%parallel_loop3A_204, %parallel_loop3A_205] {strides = array<i32>} : memref<128x128xf32, #tpu.memory_space<vmem>>, vector<1x16xf32>,
      %parallel_loop3A_207 = vector.shape_cast %parallel_loop3A_206 : vector<1x16xf32> to vector<16xf32>
      %parallel_loop3A_208 = arith.mulf %parallel_loop3A_203, %parallel_loop3A_207 : vector<16xf32>
      %parallel_loop3A_209 = arith.addf %parallel_loop3A_198, %parallel_loop3A_208 : vector<16xf32>
      %parallel_loop3A_210 = arith.index_cast %parallel_loop3A_184 : i32 to index
      %parallel_loop3A_211 = arith.constant 32 : index
      %parallel_loop3A_212 = tpu.vector_load %arg15[%parallel_loop3A_210, %parallel_loop3A_211] {strides = array<i32>} : memref<128x128xf32, #tpu.memory_space<vmem>>, vector<1x16xf32>,
      %parallel_loop3A_213 = vector.shape_cast %parallel_loop3A_212 : vector<1x16xf32> to vector<16xf32>
      %parallel_loop3A_214 = arith.addf %parallel_loop3A_213, %parallel_loop3A_187 : vector<16xf32>
      %parallel_loop3A_215 = arith.index_cast %parallel_loop3A_184 : i32 to index
      %parallel_loop3A_216 = arith.constant 32 : index
      %parallel_loop3A_217 = tpu.vector_load %arg16[%parallel_loop3A_215, %parallel_loop3A_216] {strides = array<i32>} : memref<128x128xf32, #tpu.memory_space<vmem>>, vector<1x16xf32>,
      %parallel_loop3A_218 = vector.shape_cast %parallel_loop3A_217 : vector<1x16xf32> to vector<16xf32>
      %parallel_loop3A_219 = arith.mulf %parallel_loop3A_214, %parallel_loop3A_218 : vector<16xf32>
      %parallel_loop3A_220 = arith.addf %parallel_loop3A_209, %parallel_loop3A_219 : vector<16xf32>
      %parallel_loop3A_221 = arith.index_cast %parallel_loop3A_184 : i32 to index
      %parallel_loop3A_222 = arith.constant 48 : index
      %parallel_loop3A_223 = tpu.vector_load %arg15[%parallel_loop3A_221, %parallel_loop3A_222] {strides = array<i32>} : memref<128x128xf32, #tpu.memory_space<vmem>>, vector<1x16xf32>,
      %parallel_loop3A_224 = vector.shape_cast %parallel_loop3A_223 : vector<1x16xf32> to vector<16xf32>
      %parallel_loop3A_225 = arith.addf %parallel_loop3A_224, %parallel_loop3A_187 : vector<16xf32>
      %parallel_loop3A_226 = arith.index_cast %parallel_loop3A_184 : i32 to index
      %parallel_loop3A_227 = arith.constant 48 : index
      %parallel_loop3A_228 = tpu.vector_load %arg16[%parallel_loop3A_226, %parallel_loop3A_227] {strides = array<i32>} : memref<128x128xf32, #tpu.memory_space<vmem>>, vector<1x16xf32>,
      %parallel_loop3A_229 = vector.shape_cast %parallel_loop3A_228 : vector<1x16xf32> to vector<16xf32>
      %parallel_loop3A_230 = arith.mulf %parallel_loop3A_225, %parallel_loop3A_229 : vector<16xf32>
      %parallel_loop3A_231 = arith.addf %parallel_loop3A_220, %parallel_loop3A_230 : vector<16xf32>
      %parallel_loop3A_232 = arith.index_cast %parallel_loop3A_184 : i32 to index
      %parallel_loop3A_233 = arith.constant 64 : index
      %parallel_loop3A_234 = tpu.vector_load %arg15[%parallel_loop3A_232, %parallel_loop3A_233] {strides = array<i32>} : memref<128x128xf32, #tpu.memory_space<vmem>>, vector<1x16xf32>,
      %parallel_loop3A_235 = vector.shape_cast %parallel_loop3A_234 : vector<1x16xf32> to vector<16xf32>
      %parallel_loop3A_236 = arith.addf %parallel_loop3A_235, %parallel_loop3A_187 : vector<16xf32>
      %parallel_loop3A_237 = arith.index_cast %parallel_loop3A_184 : i32 to index
      %parallel_loop3A_238 = arith.constant 64 : index
      %parallel_loop3A_239 = tpu.vector_load %arg16[%parallel_loop3A_237, %parallel_loop3A_238] {strides = array<i32>} : memref<128x128xf32, #tpu.memory_space<vmem>>, vector<1x16xf32>,
      %parallel_loop3A_240 = vector.shape_cast %parallel_loop3A_239 : vector<1x16xf32> to vector<16xf32>
      %parallel_loop3A_241 = arith.mulf %parallel_loop3A_236, %parallel_loop3A_240 : vector<16xf32>
      %parallel_loop3A_242 = arith.addf %parallel_loop3A_231, %parallel_loop3A_241 : vector<16xf32>
      %parallel_loop3A_243 = arith.index_cast %parallel_loop3A_184 : i32 to index
      %parallel_loop3A_244 = arith.constant 80 : index
      %parallel_loop3A_245 = tpu.vector_load %arg15[%parallel_loop3A_243, %parallel_loop3A_244] {strides = array<i32>} : memref<128x128xf32, #tpu.memory_space<vmem>>, vector<1x16xf32>,
      %parallel_loop3A_246 = vector.shape_cast %parallel_loop3A_245 : vector<1x16xf32> to vector<16xf32>
      %parallel_loop3A_247 = arith.addf %parallel_loop3A_246, %parallel_loop3A_187 : vector<16xf32>
      %parallel_loop3A_248 = arith.index_cast %parallel_loop3A_184 : i32 to index
      %parallel_loop3A_249 = arith.constant 80 : index
      %parallel_loop3A_250 = tpu.vector_load %arg16[%parallel_loop3A_248, %parallel_loop3A_249] {strides = array<i32>} : memref<128x128xf32, #tpu.memory_space<vmem>>, vector<1x16xf32>,
      %parallel_loop3A_251 = vector.shape_cast %parallel_loop3A_250 : vector<1x16xf32> to vector<16xf32>
      %parallel_loop3A_252 = arith.mulf %parallel_loop3A_247, %parallel_loop3A_251 : vector<16xf32>
      %parallel_loop3A_253 = arith.addf %parallel_loop3A_242, %parallel_loop3A_252 : vector<16xf32>
      %parallel_loop3A_254 = arith.index_cast %parallel_loop3A_184 : i32 to index
      %parallel_loop3A_255 = arith.constant 96 : index
      %parallel_loop3A_256 = tpu.vector_load %arg15[%parallel_loop3A_254, %parallel_loop3A_255] {strides = array<i32>} : memref<128x128xf32, #tpu.memory_space<vmem>>, vector<1x16xf32>,
      %parallel_loop3A_257 = vector.shape_cast %parallel_loop3A_256 : vector<1x16xf32> to vector<16xf32>
      %parallel_loop3A_258 = arith.addf %parallel_loop3A_257, %parallel_loop3A_187 : vector<16xf32>
      %parallel_loop3A_259 = arith.index_cast %parallel_loop3A_184 : i32 to index
      %parallel_loop3A_260 = arith.constant 96 : index
      %parallel_loop3A_261 = tpu.vector_load %arg16[%parallel_loop3A_259, %parallel_loop3A_260] {strides = array<i32>} : memref<128x128xf32, #tpu.memory_space<vmem>>, vector<1x16xf32>,
      %parallel_loop3A_262 = vector.shape_cast %parallel_loop3A_261 : vector<1x16xf32> to vector<16xf32>
      %parallel_loop3A_263 = arith.mulf %parallel_loop3A_258, %parallel_loop3A_262 : vector<16xf32>
      %parallel_loop3A_264 = arith.addf %parallel_loop3A_253, %parallel_loop3A_263 : vector<16xf32>
      %parallel_loop3A_265 = arith.index_cast %parallel_loop3A_184 : i32 to index
      %parallel_loop3A_266 = arith.constant 112 : index
      %parallel_loop3A_267 = tpu.vector_load %arg15[%parallel_loop3A_265, %parallel_loop3A_266] {strides = array<i32>} : memref<128x128xf32, #tpu.memory_space<vmem>>, vector<1x16xf32>,
      %parallel_loop3A_268 = vector.shape_cast %parallel_loop3A_267 : vector<1x16xf32> to vector<16xf32>
      %parallel_loop3A_269 = arith.addf %parallel_loop3A_268, %parallel_loop3A_187 : vector<16xf32>
      %parallel_loop3A_270 = arith.index_cast %parallel_loop3A_184 : i32 to index
      %parallel_loop3A_271 = arith.constant 112 : index
      %parallel_loop3A_272 = tpu.vector_load %arg16[%parallel_loop3A_270, %parallel_loop3A_271] {strides = array<i32>} : memref<128x128xf32, #tpu.memory_space<vmem>>, vector<1x16xf32>,
      %parallel_loop3A_273 = vector.shape_cast %parallel_loop3A_272 : vector<1x16xf32> to vector<16xf32>
      %parallel_loop3A_274 = arith.mulf %parallel_loop3A_269, %parallel_loop3A_273 : vector<16xf32>
      %parallel_loop3A_275 = arith.addf %parallel_loop3A_264, %parallel_loop3A_274 : vector<16xf32>
      %parallel_loop3A_276 = arith.constant 0 : i32
      %parallel_loop3A_277 = vector.broadcast %parallel_loop3A_276 : i32 to vector<16xi32>
      %parallel_loop3A_278 = arith.cmpi slt, %and3A_26, %parallel_loop3A_277 : vector<16xi32>
      %parallel_loop3A_279 = arith.constant 16 : i32
      %parallel_loop3A_280 = vector.broadcast %parallel_loop3A_279 : i32 to vector<16xi32>
      %parallel_loop3A_281 = arith.addi %and3A_26, %parallel_loop3A_280 : vector<16xi32>
      %parallel_loop3A_282 = arith.select %parallel_loop3A_278, %parallel_loop3A_281, %and3A_26 : vector<16xi1>, vector<16xi32>
      %parallel_loop3A_283 = vector.shape_cast %parallel_loop3A_282 : vector<16xi32> to vector<16x1xi32>
      %parallel_loop3A_284 = vector.shape_cast %parallel_loop3A_283 : vector<16x1xi32> to vector<16xi32>
      %parallel_loop3A_285 = tpu.dynamic_gather %parallel_loop3A_275[%parallel_loop3A_284] in [0] : vector<16xf32>, vector<16xi32> -> vector<16xf32>
      %parallel_loop3A_286 = arith.addf %parallel_loop3A_275, %parallel_loop3A_285 : vector<16xf32>
      %parallel_loop3A_287 = vector.extract_strided_slice %parallel_loop3A_286 {offsets = [0], sizes = [1], strides = [1]} : vector<16xf32> to vector<1xf32>
      %parallel_loop3A_288 = vector.extract %parallel_loop3A_287[0] : f32 from vector<1xf32>
      %parallel_loop3A_289 = vector.extract_strided_slice %parallel_loop3A_286 {offsets = [1], sizes = [1], strides = [1]} : vector<16xf32> to vector<1xf32>
      %parallel_loop3A_290 = vector.extract %parallel_loop3A_289[0] : f32 from vector<1xf32>
      %parallel_loop3A_291 = arith.addf %parallel_loop3A_288, %parallel_loop3A_290 : f32
      %parallel_loop3A_292 = vector.extract_strided_slice %parallel_loop3A_286 {offsets = [2], sizes = [1], strides = [1]} : vector<16xf32> to vector<1xf32>
      %parallel_loop3A_293 = vector.extract %parallel_loop3A_292[0] : f32 from vector<1xf32>
      %parallel_loop3A_294 = vector.extract_strided_slice %parallel_loop3A_286 {offsets = [3], sizes = [1], strides = [1]} : vector<16xf32> to vector<1xf32>
      %parallel_loop3A_295 = vector.extract %parallel_loop3A_294[0] : f32 from vector<1xf32>
      %parallel_loop3A_296 = arith.addf %parallel_loop3A_293, %parallel_loop3A_295 : f32
      %parallel_loop3A_297 = vector.extract_strided_slice %parallel_loop3A_286 {offsets = [4], sizes = [1], strides = [1]} : vector<16xf32> to vector<1xf32>
      %parallel_loop3A_298 = vector.extract %parallel_loop3A_297[0] : f32 from vector<1xf32>
      %parallel_loop3A_299 = vector.extract_strided_slice %parallel_loop3A_286 {offsets = [5], sizes = [1], strides = [1]} : vector<16xf32> to vector<1xf32>
      %parallel_loop3A_300 = vector.extract %parallel_loop3A_299[0] : f32 from vector<1xf32>
      %parallel_loop3A_301 = arith.addf %parallel_loop3A_298, %parallel_loop3A_300 : f32
      %parallel_loop3A_302 = vector.extract_strided_slice %parallel_loop3A_286 {offsets = [6], sizes = [1], strides = [1]} : vector<16xf32> to vector<1xf32>
      %parallel_loop3A_303 = vector.extract %parallel_loop3A_302[0] : f32 from vector<1xf32>
      %parallel_loop3A_304 = vector.extract_strided_slice %parallel_loop3A_286 {offsets = [7], sizes = [1], strides = [1]} : vector<16xf32> to vector<1xf32>
      %parallel_loop3A_305 = vector.extract %parallel_loop3A_304[0] : f32 from vector<1xf32>
      %parallel_loop3A_306 = arith.addf %parallel_loop3A_303, %parallel_loop3A_305 : f32
      %parallel_loop3A_307 = arith.addf %parallel_loop3A_291, %parallel_loop3A_296 : f32
      %parallel_loop3A_308 = arith.addf %parallel_loop3A_301, %parallel_loop3A_306 : f32
      %parallel_loop3A_309 = arith.addf %parallel_loop3A_307, %parallel_loop3A_308 : f32
      %parallel_loop3A_310 = arith.constant 1 : i32
      %parallel_loop3A_311 = vector.broadcast %parallel_loop3A_310 : i32 to vector<16xi32>
      %parallel_loop3A_312 = arith.cmpi eq, %iota3A, %parallel_loop3A_311 : vector<16xi32>
      %parallel_loop3A_313 = vector.broadcast %parallel_loop3A_309 : f32 to vector<16xf32>
      %parallel_loop3A_314 = arith.select %parallel_loop3A_312, %parallel_loop3A_313, %parallel_loop3A_180 : vector<16xi1>, vector<16xf32>
      %parallel_loop3A_315 = arith.constant 16 : i32
      %parallel_loop3A_316 = arith.muli %parallel_loop3A_41, %parallel_loop3A_315 : i32
      %parallel_loop3A_317 = arith.constant 2 : i32
      %parallel_loop3A_318 = arith.addi %parallel_loop3A_316, %parallel_loop3A_317 : i32
      %parallel_loop3A_319 = vector.extract_strided_slice %parallel_loop3A_46 {offsets = [2], sizes = [1], strides = [1]} : vector<16xf32> to vector<1xf32>
      %parallel_loop3A_320 = vector.extract %parallel_loop3A_319[0] : f32 from vector<1xf32>
      %parallel_loop3A_321 = vector.broadcast %parallel_loop3A_320 : f32 to vector<16xf32>
      %parallel_loop3A_322 = arith.index_cast %parallel_loop3A_318 : i32 to index
      %parallel_loop3A_323 = arith.constant 0 : index
      %parallel_loop3A_324 = tpu.vector_load %arg15[%parallel_loop3A_322, %parallel_loop3A_323] {strides = array<i32>} : memref<128x128xf32, #tpu.memory_space<vmem>>, vector<1x16xf32>,
      %parallel_loop3A_325 = vector.shape_cast %parallel_loop3A_324 : vector<1x16xf32> to vector<16xf32>
      %parallel_loop3A_326 = arith.addf %parallel_loop3A_325, %parallel_loop3A_321 : vector<16xf32>
      %parallel_loop3A_327 = arith.index_cast %parallel_loop3A_318 : i32 to index
      %parallel_loop3A_328 = arith.constant 0 : index
      %parallel_loop3A_329 = tpu.vector_load %arg16[%parallel_loop3A_327, %parallel_loop3A_328] {strides = array<i32>} : memref<128x128xf32, #tpu.memory_space<vmem>>, vector<1x16xf32>,
      %parallel_loop3A_330 = vector.shape_cast %parallel_loop3A_329 : vector<1x16xf32> to vector<16xf32>
      %parallel_loop3A_331 = arith.mulf %parallel_loop3A_326, %parallel_loop3A_330 : vector<16xf32>
      %parallel_loop3A_332 = arith.addf %broadcast_in_dim3A_21, %parallel_loop3A_331 : vector<16xf32>
      %parallel_loop3A_333 = arith.index_cast %parallel_loop3A_318 : i32 to index
      %parallel_loop3A_334 = arith.constant 16 : index
      %parallel_loop3A_335 = tpu.vector_load %arg15[%parallel_loop3A_333, %parallel_loop3A_334] {strides = array<i32>} : memref<128x128xf32, #tpu.memory_space<vmem>>, vector<1x16xf32>,
      %parallel_loop3A_336 = vector.shape_cast %parallel_loop3A_335 : vector<1x16xf32> to vector<16xf32>
      %parallel_loop3A_337 = arith.addf %parallel_loop3A_336, %parallel_loop3A_321 : vector<16xf32>
      %parallel_loop3A_338 = arith.index_cast %parallel_loop3A_318 : i32 to index
      %parallel_loop3A_339 = arith.constant 16 : index
      %parallel_loop3A_340 = tpu.vector_load %arg16[%parallel_loop3A_338, %parallel_loop3A_339] {strides = array<i32>} : memref<128x128xf32, #tpu.memory_space<vmem>>, vector<1x16xf32>,
      %parallel_loop3A_341 = vector.shape_cast %parallel_loop3A_340 : vector<1x16xf32> to vector<16xf32>
      %parallel_loop3A_342 = arith.mulf %parallel_loop3A_337, %parallel_loop3A_341 : vector<16xf32>
      %parallel_loop3A_343 = arith.addf %parallel_loop3A_332, %parallel_loop3A_342 : vector<16xf32>
      %parallel_loop3A_344 = arith.index_cast %parallel_loop3A_318 : i32 to index
      %parallel_loop3A_345 = arith.constant 32 : index
      %parallel_loop3A_346 = tpu.vector_load %arg15[%parallel_loop3A_344, %parallel_loop3A_345] {strides = array<i32>} : memref<128x128xf32, #tpu.memory_space<vmem>>, vector<1x16xf32>,
      %parallel_loop3A_347 = vector.shape_cast %parallel_loop3A_346 : vector<1x16xf32> to vector<16xf32>
      %parallel_loop3A_348 = arith.addf %parallel_loop3A_347, %parallel_loop3A_321 : vector<16xf32>
      %parallel_loop3A_349 = arith.index_cast %parallel_loop3A_318 : i32 to index
      %parallel_loop3A_350 = arith.constant 32 : index
      %parallel_loop3A_351 = tpu.vector_load %arg16[%parallel_loop3A_349, %parallel_loop3A_350] {strides = array<i32>} : memref<128x128xf32, #tpu.memory_space<vmem>>, vector<1x16xf32>,
      %parallel_loop3A_352 = vector.shape_cast %parallel_loop3A_351 : vector<1x16xf32> to vector<16xf32>
      %parallel_loop3A_353 = arith.mulf %parallel_loop3A_348, %parallel_loop3A_352 : vector<16xf32>
      %parallel_loop3A_354 = arith.addf %parallel_loop3A_343, %parallel_loop3A_353 : vector<16xf32>
      %parallel_loop3A_355 = arith.index_cast %parallel_loop3A_318 : i32 to index
      %parallel_loop3A_356 = arith.constant 48 : index
      %parallel_loop3A_357 = tpu.vector_load %arg15[%parallel_loop3A_355, %parallel_loop3A_356] {strides = array<i32>} : memref<128x128xf32, #tpu.memory_space<vmem>>, vector<1x16xf32>,
      %parallel_loop3A_358 = vector.shape_cast %parallel_loop3A_357 : vector<1x16xf32> to vector<16xf32>
      %parallel_loop3A_359 = arith.addf %parallel_loop3A_358, %parallel_loop3A_321 : vector<16xf32>
      %parallel_loop3A_360 = arith.index_cast %parallel_loop3A_318 : i32 to index
      %parallel_loop3A_361 = arith.constant 48 : index
      %parallel_loop3A_362 = tpu.vector_load %arg16[%parallel_loop3A_360, %parallel_loop3A_361] {strides = array<i32>} : memref<128x128xf32, #tpu.memory_space<vmem>>, vector<1x16xf32>,
      %parallel_loop3A_363 = vector.shape_cast %parallel_loop3A_362 : vector<1x16xf32> to vector<16xf32>
      %parallel_loop3A_364 = arith.mulf %parallel_loop3A_359, %parallel_loop3A_363 : vector<16xf32>
      %parallel_loop3A_365 = arith.addf %parallel_loop3A_354, %parallel_loop3A_364 : vector<16xf32>
      %parallel_loop3A_366 = arith.index_cast %parallel_loop3A_318 : i32 to index
      %parallel_loop3A_367 = arith.constant 64 : index
      %parallel_loop3A_368 = tpu.vector_load %arg15[%parallel_loop3A_366, %parallel_loop3A_367] {strides = array<i32>} : memref<128x128xf32, #tpu.memory_space<vmem>>, vector<1x16xf32>,
      %parallel_loop3A_369 = vector.shape_cast %parallel_loop3A_368 : vector<1x16xf32> to vector<16xf32>
      %parallel_loop3A_370 = arith.addf %parallel_loop3A_369, %parallel_loop3A_321 : vector<16xf32>
      %parallel_loop3A_371 = arith.index_cast %parallel_loop3A_318 : i32 to index
      %parallel_loop3A_372 = arith.constant 64 : index
      %parallel_loop3A_373 = tpu.vector_load %arg16[%parallel_loop3A_371, %parallel_loop3A_372] {strides = array<i32>} : memref<128x128xf32, #tpu.memory_space<vmem>>, vector<1x16xf32>,
      %parallel_loop3A_374 = vector.shape_cast %parallel_loop3A_373 : vector<1x16xf32> to vector<16xf32>
      %parallel_loop3A_375 = arith.mulf %parallel_loop3A_370, %parallel_loop3A_374 : vector<16xf32>
      %parallel_loop3A_376 = arith.addf %parallel_loop3A_365, %parallel_loop3A_375 : vector<16xf32>
      %parallel_loop3A_377 = arith.index_cast %parallel_loop3A_318 : i32 to index
      %parallel_loop3A_378 = arith.constant 80 : index
      %parallel_loop3A_379 = tpu.vector_load %arg15[%parallel_loop3A_377, %parallel_loop3A_378] {strides = array<i32>} : memref<128x128xf32, #tpu.memory_space<vmem>>, vector<1x16xf32>,
      %parallel_loop3A_380 = vector.shape_cast %parallel_loop3A_379 : vector<1x16xf32> to vector<16xf32>
      %parallel_loop3A_381 = arith.addf %parallel_loop3A_380, %parallel_loop3A_321 : vector<16xf32>
      %parallel_loop3A_382 = arith.index_cast %parallel_loop3A_318 : i32 to index
      %parallel_loop3A_383 = arith.constant 80 : index
      %parallel_loop3A_384 = tpu.vector_load %arg16[%parallel_loop3A_382, %parallel_loop3A_383] {strides = array<i32>} : memref<128x128xf32, #tpu.memory_space<vmem>>, vector<1x16xf32>,
      %parallel_loop3A_385 = vector.shape_cast %parallel_loop3A_384 : vector<1x16xf32> to vector<16xf32>
      %parallel_loop3A_386 = arith.mulf %parallel_loop3A_381, %parallel_loop3A_385 : vector<16xf32>
      %parallel_loop3A_387 = arith.addf %parallel_loop3A_376, %parallel_loop3A_386 : vector<16xf32>
      %parallel_loop3A_388 = arith.index_cast %parallel_loop3A_318 : i32 to index
      %parallel_loop3A_389 = arith.constant 96 : index
      %parallel_loop3A_390 = tpu.vector_load %arg15[%parallel_loop3A_388, %parallel_loop3A_389] {strides = array<i32>} : memref<128x128xf32, #tpu.memory_space<vmem>>, vector<1x16xf32>,
      %parallel_loop3A_391 = vector.shape_cast %parallel_loop3A_390 : vector<1x16xf32> to vector<16xf32>
      %parallel_loop3A_392 = arith.addf %parallel_loop3A_391, %parallel_loop3A_321 : vector<16xf32>
      %parallel_loop3A_393 = arith.index_cast %parallel_loop3A_318 : i32 to index
      %parallel_loop3A_394 = arith.constant 96 : index
      %parallel_loop3A_395 = tpu.vector_load %arg16[%parallel_loop3A_393, %parallel_loop3A_394] {strides = array<i32>} : memref<128x128xf32, #tpu.memory_space<vmem>>, vector<1x16xf32>,
      %parallel_loop3A_396 = vector.shape_cast %parallel_loop3A_395 : vector<1x16xf32> to vector<16xf32>
      %parallel_loop3A_397 = arith.mulf %parallel_loop3A_392, %parallel_loop3A_396 : vector<16xf32>
      %parallel_loop3A_398 = arith.addf %parallel_loop3A_387, %parallel_loop3A_397 : vector<16xf32>
      %parallel_loop3A_399 = arith.index_cast %parallel_loop3A_318 : i32 to index
      %parallel_loop3A_400 = arith.constant 112 : index
      %parallel_loop3A_401 = tpu.vector_load %arg15[%parallel_loop3A_399, %parallel_loop3A_400] {strides = array<i32>} : memref<128x128xf32, #tpu.memory_space<vmem>>, vector<1x16xf32>,
      %parallel_loop3A_402 = vector.shape_cast %parallel_loop3A_401 : vector<1x16xf32> to vector<16xf32>
      %parallel_loop3A_403 = arith.addf %parallel_loop3A_402, %parallel_loop3A_321 : vector<16xf32>
      %parallel_loop3A_404 = arith.index_cast %parallel_loop3A_318 : i32 to index
      %parallel_loop3A_405 = arith.constant 112 : index
      %parallel_loop3A_406 = tpu.vector_load %arg16[%parallel_loop3A_404, %parallel_loop3A_405] {strides = array<i32>} : memref<128x128xf32, #tpu.memory_space<vmem>>, vector<1x16xf32>,
      %parallel_loop3A_407 = vector.shape_cast %parallel_loop3A_406 : vector<1x16xf32> to vector<16xf32>
      %parallel_loop3A_408 = arith.mulf %parallel_loop3A_403, %parallel_loop3A_407 : vector<16xf32>
      %parallel_loop3A_409 = arith.addf %parallel_loop3A_398, %parallel_loop3A_408 : vector<16xf32>
      %parallel_loop3A_410 = arith.constant 0 : i32
      %parallel_loop3A_411 = vector.broadcast %parallel_loop3A_410 : i32 to vector<16xi32>
      %parallel_loop3A_412 = arith.cmpi slt, %and3A_26, %parallel_loop3A_411 : vector<16xi32>
      %parallel_loop3A_413 = arith.constant 16 : i32
      %parallel_loop3A_414 = vector.broadcast %parallel_loop3A_413 : i32 to vector<16xi32>
      %parallel_loop3A_415 = arith.addi %and3A_26, %parallel_loop3A_414 : vector<16xi32>
      %parallel_loop3A_416 = arith.select %parallel_loop3A_412, %parallel_loop3A_415, %and3A_26 : vector<16xi1>, vector<16xi32>
      %parallel_loop3A_417 = vector.shape_cast %parallel_loop3A_416 : vector<16xi32> to vector<16x1xi32>
      %parallel_loop3A_418 = vector.shape_cast %parallel_loop3A_417 : vector<16x1xi32> to vector<16xi32>
      %parallel_loop3A_419 = tpu.dynamic_gather %parallel_loop3A_409[%parallel_loop3A_418] in [0] : vector<16xf32>, vector<16xi32> -> vector<16xf32>
      %parallel_loop3A_420 = arith.addf %parallel_loop3A_409, %parallel_loop3A_419 : vector<16xf32>
      %parallel_loop3A_421 = vector.extract_strided_slice %parallel_loop3A_420 {offsets = [0], sizes = [1], strides = [1]} : vector<16xf32> to vector<1xf32>
      %parallel_loop3A_422 = vector.extract %parallel_loop3A_421[0] : f32 from vector<1xf32>
      %parallel_loop3A_423 = vector.extract_strided_slice %parallel_loop3A_420 {offsets = [1], sizes = [1], strides = [1]} : vector<16xf32> to vector<1xf32>
      %parallel_loop3A_424 = vector.extract %parallel_loop3A_423[0] : f32 from vector<1xf32>
      %parallel_loop3A_425 = arith.addf %parallel_loop3A_422, %parallel_loop3A_424 : f32
      %parallel_loop3A_426 = vector.extract_strided_slice %parallel_loop3A_420 {offsets = [2], sizes = [1], strides = [1]} : vector<16xf32> to vector<1xf32>
      %parallel_loop3A_427 = vector.extract %parallel_loop3A_426[0] : f32 from vector<1xf32>
      %parallel_loop3A_428 = vector.extract_strided_slice %parallel_loop3A_420 {offsets = [3], sizes = [1], strides = [1]} : vector<16xf32> to vector<1xf32>
      %parallel_loop3A_429 = vector.extract %parallel_loop3A_428[0] : f32 from vector<1xf32>
      %parallel_loop3A_430 = arith.addf %parallel_loop3A_427, %parallel_loop3A_429 : f32
      %parallel_loop3A_431 = vector.extract_strided_slice %parallel_loop3A_420 {offsets = [4], sizes = [1], strides = [1]} : vector<16xf32> to vector<1xf32>
      %parallel_loop3A_432 = vector.extract %parallel_loop3A_431[0] : f32 from vector<1xf32>
      %parallel_loop3A_433 = vector.extract_strided_slice %parallel_loop3A_420 {offsets = [5], sizes = [1], strides = [1]} : vector<16xf32> to vector<1xf32>
      %parallel_loop3A_434 = vector.extract %parallel_loop3A_433[0] : f32 from vector<1xf32>
      %parallel_loop3A_435 = arith.addf %parallel_loop3A_432, %parallel_loop3A_434 : f32
      %parallel_loop3A_436 = vector.extract_strided_slice %parallel_loop3A_420 {offsets = [6], sizes = [1], strides = [1]} : vector<16xf32> to vector<1xf32>
      %parallel_loop3A_437 = vector.extract %parallel_loop3A_436[0] : f32 from vector<1xf32>
      %parallel_loop3A_438 = vector.extract_strided_slice %parallel_loop3A_420 {offsets = [7], sizes = [1], strides = [1]} : vector<16xf32> to vector<1xf32>
      %parallel_loop3A_439 = vector.extract %parallel_loop3A_438[0] : f32 from vector<1xf32>
      %parallel_loop3A_440 = arith.addf %parallel_loop3A_437, %parallel_loop3A_439 : f32
      %parallel_loop3A_441 = arith.addf %parallel_loop3A_425, %parallel_loop3A_430 : f32
      %parallel_loop3A_442 = arith.addf %parallel_loop3A_435, %parallel_loop3A_440 : f32
      %parallel_loop3A_443 = arith.addf %parallel_loop3A_441, %parallel_loop3A_442 : f32
      %parallel_loop3A_444 = arith.constant 2 : i32
      %parallel_loop3A_445 = vector.broadcast %parallel_loop3A_444 : i32 to vector<16xi32>
      %parallel_loop3A_446 = arith.cmpi eq, %iota3A, %parallel_loop3A_445 : vector<16xi32>
      %parallel_loop3A_447 = vector.broadcast %parallel_loop3A_443 : f32 to vector<16xf32>
      %parallel_loop3A_448 = arith.select %parallel_loop3A_446, %parallel_loop3A_447, %parallel_loop3A_314 : vector<16xi1>, vector<16xf32>
      %parallel_loop3A_449 = arith.constant 16 : i32
      %parallel_loop3A_450 = arith.muli %parallel_loop3A_41, %parallel_loop3A_449 : i32
      %parallel_loop3A_451 = arith.constant 3 : i32
      %parallel_loop3A_452 = arith.addi %parallel_loop3A_450, %parallel_loop3A_451 : i32
      %parallel_loop3A_453 = vector.extract_strided_slice %parallel_loop3A_46 {offsets = [3], sizes = [1], strides = [1]} : vector<16xf32> to vector<1xf32>
      %parallel_loop3A_454 = vector.extract %parallel_loop3A_453[0] : f32 from vector<1xf32>
      %parallel_loop3A_455 = vector.broadcast %parallel_loop3A_454 : f32 to vector<16xf32>
      %parallel_loop3A_456 = arith.index_cast %parallel_loop3A_452 : i32 to index
      %parallel_loop3A_457 = arith.constant 0 : index
      %parallel_loop3A_458 = tpu.vector_load %arg15[%parallel_loop3A_456, %parallel_loop3A_457] {strides = array<i32>} : memref<128x128xf32, #tpu.memory_space<vmem>>, vector<1x16xf32>,
      %parallel_loop3A_459 = vector.shape_cast %parallel_loop3A_458 : vector<1x16xf32> to vector<16xf32>
      %parallel_loop3A_460 = arith.addf %parallel_loop3A_459, %parallel_loop3A_455 : vector<16xf32>
      %parallel_loop3A_461 = arith.index_cast %parallel_loop3A_452 : i32 to index
      %parallel_loop3A_462 = arith.constant 0 : index
      %parallel_loop3A_463 = tpu.vector_load %arg16[%parallel_loop3A_461, %parallel_loop3A_462] {strides = array<i32>} : memref<128x128xf32, #tpu.memory_space<vmem>>, vector<1x16xf32>,
      %parallel_loop3A_464 = vector.shape_cast %parallel_loop3A_463 : vector<1x16xf32> to vector<16xf32>
      %parallel_loop3A_465 = arith.mulf %parallel_loop3A_460, %parallel_loop3A_464 : vector<16xf32>
      %parallel_loop3A_466 = arith.addf %broadcast_in_dim3A_21, %parallel_loop3A_465 : vector<16xf32>
      %parallel_loop3A_467 = arith.index_cast %parallel_loop3A_452 : i32 to index
      %parallel_loop3A_468 = arith.constant 16 : index
      %parallel_loop3A_469 = tpu.vector_load %arg15[%parallel_loop3A_467, %parallel_loop3A_468] {strides = array<i32>} : memref<128x128xf32, #tpu.memory_space<vmem>>, vector<1x16xf32>,
      %parallel_loop3A_470 = vector.shape_cast %parallel_loop3A_469 : vector<1x16xf32> to vector<16xf32>
      %parallel_loop3A_471 = arith.addf %parallel_loop3A_470, %parallel_loop3A_455 : vector<16xf32>
      %parallel_loop3A_472 = arith.index_cast %parallel_loop3A_452 : i32 to index
      %parallel_loop3A_473 = arith.constant 16 : index
      %parallel_loop3A_474 = tpu.vector_load %arg16[%parallel_loop3A_472, %parallel_loop3A_473] {strides = array<i32>} : memref<128x128xf32, #tpu.memory_space<vmem>>, vector<1x16xf32>,
      %parallel_loop3A_475 = vector.shape_cast %parallel_loop3A_474 : vector<1x16xf32> to vector<16xf32>
      %parallel_loop3A_476 = arith.mulf %parallel_loop3A_471, %parallel_loop3A_475 : vector<16xf32>
      %parallel_loop3A_477 = arith.addf %parallel_loop3A_466, %parallel_loop3A_476 : vector<16xf32>
      %parallel_loop3A_478 = arith.index_cast %parallel_loop3A_452 : i32 to index
      %parallel_loop3A_479 = arith.constant 32 : index
      %parallel_loop3A_480 = tpu.vector_load %arg15[%parallel_loop3A_478, %parallel_loop3A_479] {strides = array<i32>} : memref<128x128xf32, #tpu.memory_space<vmem>>, vector<1x16xf32>,
      %parallel_loop3A_481 = vector.shape_cast %parallel_loop3A_480 : vector<1x16xf32> to vector<16xf32>
      %parallel_loop3A_482 = arith.addf %parallel_loop3A_481, %parallel_loop3A_455 : vector<16xf32>
      %parallel_loop3A_483 = arith.index_cast %parallel_loop3A_452 : i32 to index
      %parallel_loop3A_484 = arith.constant 32 : index
      %parallel_loop3A_485 = tpu.vector_load %arg16[%parallel_loop3A_483, %parallel_loop3A_484] {strides = array<i32>} : memref<128x128xf32, #tpu.memory_space<vmem>>, vector<1x16xf32>,
      %parallel_loop3A_486 = vector.shape_cast %parallel_loop3A_485 : vector<1x16xf32> to vector<16xf32>
      %parallel_loop3A_487 = arith.mulf %parallel_loop3A_482, %parallel_loop3A_486 : vector<16xf32>
      %parallel_loop3A_488 = arith.addf %parallel_loop3A_477, %parallel_loop3A_487 : vector<16xf32>
      %parallel_loop3A_489 = arith.index_cast %parallel_loop3A_452 : i32 to index
      %parallel_loop3A_490 = arith.constant 48 : index
      %parallel_loop3A_491 = tpu.vector_load %arg15[%parallel_loop3A_489, %parallel_loop3A_490] {strides = array<i32>} : memref<128x128xf32, #tpu.memory_space<vmem>>, vector<1x16xf32>,
      %parallel_loop3A_492 = vector.shape_cast %parallel_loop3A_491 : vector<1x16xf32> to vector<16xf32>
      %parallel_loop3A_493 = arith.addf %parallel_loop3A_492, %parallel_loop3A_455 : vector<16xf32>
      %parallel_loop3A_494 = arith.index_cast %parallel_loop3A_452 : i32 to index
      %parallel_loop3A_495 = arith.constant 48 : index
      %parallel_loop3A_496 = tpu.vector_load %arg16[%parallel_loop3A_494, %parallel_loop3A_495] {strides = array<i32>} : memref<128x128xf32, #tpu.memory_space<vmem>>, vector<1x16xf32>,
      %parallel_loop3A_497 = vector.shape_cast %parallel_loop3A_496 : vector<1x16xf32> to vector<16xf32>
      %parallel_loop3A_498 = arith.mulf %parallel_loop3A_493, %parallel_loop3A_497 : vector<16xf32>
      %parallel_loop3A_499 = arith.addf %parallel_loop3A_488, %parallel_loop3A_498 : vector<16xf32>
      %parallel_loop3A_500 = arith.index_cast %parallel_loop3A_452 : i32 to index
      %parallel_loop3A_501 = arith.constant 64 : index
      %parallel_loop3A_502 = tpu.vector_load %arg15[%parallel_loop3A_500, %parallel_loop3A_501] {strides = array<i32>} : memref<128x128xf32, #tpu.memory_space<vmem>>, vector<1x16xf32>,
      %parallel_loop3A_503 = vector.shape_cast %parallel_loop3A_502 : vector<1x16xf32> to vector<16xf32>
      %parallel_loop3A_504 = arith.addf %parallel_loop3A_503, %parallel_loop3A_455 : vector<16xf32>
      %parallel_loop3A_505 = arith.index_cast %parallel_loop3A_452 : i32 to index
      %parallel_loop3A_506 = arith.constant 64 : index
      %parallel_loop3A_507 = tpu.vector_load %arg16[%parallel_loop3A_505, %parallel_loop3A_506] {strides = array<i32>} : memref<128x128xf32, #tpu.memory_space<vmem>>, vector<1x16xf32>,
      %parallel_loop3A_508 = vector.shape_cast %parallel_loop3A_507 : vector<1x16xf32> to vector<16xf32>
      %parallel_loop3A_509 = arith.mulf %parallel_loop3A_504, %parallel_loop3A_508 : vector<16xf32>
      %parallel_loop3A_510 = arith.addf %parallel_loop3A_499, %parallel_loop3A_509 : vector<16xf32>
      %parallel_loop3A_511 = arith.index_cast %parallel_loop3A_452 : i32 to index
      %parallel_loop3A_512 = arith.constant 80 : index
      %parallel_loop3A_513 = tpu.vector_load %arg15[%parallel_loop3A_511, %parallel_loop3A_512] {strides = array<i32>} : memref<128x128xf32, #tpu.memory_space<vmem>>, vector<1x16xf32>,
      %parallel_loop3A_514 = vector.shape_cast %parallel_loop3A_513 : vector<1x16xf32> to vector<16xf32>
      %parallel_loop3A_515 = arith.addf %parallel_loop3A_514, %parallel_loop3A_455 : vector<16xf32>
      %parallel_loop3A_516 = arith.index_cast %parallel_loop3A_452 : i32 to index
      %parallel_loop3A_517 = arith.constant 80 : index
      %parallel_loop3A_518 = tpu.vector_load %arg16[%parallel_loop3A_516, %parallel_loop3A_517] {strides = array<i32>} : memref<128x128xf32, #tpu.memory_space<vmem>>, vector<1x16xf32>,
      %parallel_loop3A_519 = vector.shape_cast %parallel_loop3A_518 : vector<1x16xf32> to vector<16xf32>
      %parallel_loop3A_520 = arith.mulf %parallel_loop3A_515, %parallel_loop3A_519 : vector<16xf32>
      %parallel_loop3A_521 = arith.addf %parallel_loop3A_510, %parallel_loop3A_520 : vector<16xf32>
      %parallel_loop3A_522 = arith.index_cast %parallel_loop3A_452 : i32 to index
      %parallel_loop3A_523 = arith.constant 96 : index
      %parallel_loop3A_524 = tpu.vector_load %arg15[%parallel_loop3A_522, %parallel_loop3A_523] {strides = array<i32>} : memref<128x128xf32, #tpu.memory_space<vmem>>, vector<1x16xf32>,
      %parallel_loop3A_525 = vector.shape_cast %parallel_loop3A_524 : vector<1x16xf32> to vector<16xf32>
      %parallel_loop3A_526 = arith.addf %parallel_loop3A_525, %parallel_loop3A_455 : vector<16xf32>
      %parallel_loop3A_527 = arith.index_cast %parallel_loop3A_452 : i32 to index
      %parallel_loop3A_528 = arith.constant 96 : index
      %parallel_loop3A_529 = tpu.vector_load %arg16[%parallel_loop3A_527, %parallel_loop3A_528] {strides = array<i32>} : memref<128x128xf32, #tpu.memory_space<vmem>>, vector<1x16xf32>,
      %parallel_loop3A_530 = vector.shape_cast %parallel_loop3A_529 : vector<1x16xf32> to vector<16xf32>
      %parallel_loop3A_531 = arith.mulf %parallel_loop3A_526, %parallel_loop3A_530 : vector<16xf32>
      %parallel_loop3A_532 = arith.addf %parallel_loop3A_521, %parallel_loop3A_531 : vector<16xf32>
      %parallel_loop3A_533 = arith.index_cast %parallel_loop3A_452 : i32 to index
      %parallel_loop3A_534 = arith.constant 112 : index
      %parallel_loop3A_535 = tpu.vector_load %arg15[%parallel_loop3A_533, %parallel_loop3A_534] {strides = array<i32>} : memref<128x128xf32, #tpu.memory_space<vmem>>, vector<1x16xf32>,
      %parallel_loop3A_536 = vector.shape_cast %parallel_loop3A_535 : vector<1x16xf32> to vector<16xf32>
      %parallel_loop3A_537 = arith.addf %parallel_loop3A_536, %parallel_loop3A_455 : vector<16xf32>
      %parallel_loop3A_538 = arith.index_cast %parallel_loop3A_452 : i32 to index
      %parallel_loop3A_539 = arith.constant 112 : index
      %parallel_loop3A_540 = tpu.vector_load %arg16[%parallel_loop3A_538, %parallel_loop3A_539] {strides = array<i32>} : memref<128x128xf32, #tpu.memory_space<vmem>>, vector<1x16xf32>,
      %parallel_loop3A_541 = vector.shape_cast %parallel_loop3A_540 : vector<1x16xf32> to vector<16xf32>
      %parallel_loop3A_542 = arith.mulf %parallel_loop3A_537, %parallel_loop3A_541 : vector<16xf32>
      %parallel_loop3A_543 = arith.addf %parallel_loop3A_532, %parallel_loop3A_542 : vector<16xf32>
      %parallel_loop3A_544 = arith.constant 0 : i32
      %parallel_loop3A_545 = vector.broadcast %parallel_loop3A_544 : i32 to vector<16xi32>
      %parallel_loop3A_546 = arith.cmpi slt, %and3A_26, %parallel_loop3A_545 : vector<16xi32>
      %parallel_loop3A_547 = arith.constant 16 : i32
      %parallel_loop3A_548 = vector.broadcast %parallel_loop3A_547 : i32 to vector<16xi32>
      %parallel_loop3A_549 = arith.addi %and3A_26, %parallel_loop3A_548 : vector<16xi32>
      %parallel_loop3A_550 = arith.select %parallel_loop3A_546, %parallel_loop3A_549, %and3A_26 : vector<16xi1>, vector<16xi32>
      %parallel_loop3A_551 = vector.shape_cast %parallel_loop3A_550 : vector<16xi32> to vector<16x1xi32>
      %parallel_loop3A_552 = vector.shape_cast %parallel_loop3A_551 : vector<16x1xi32> to vector<16xi32>
      %parallel_loop3A_553 = tpu.dynamic_gather %parallel_loop3A_543[%parallel_loop3A_552] in [0] : vector<16xf32>, vector<16xi32> -> vector<16xf32>
      %parallel_loop3A_554 = arith.addf %parallel_loop3A_543, %parallel_loop3A_553 : vector<16xf32>
      %parallel_loop3A_555 = vector.extract_strided_slice %parallel_loop3A_554 {offsets = [0], sizes = [1], strides = [1]} : vector<16xf32> to vector<1xf32>
      %parallel_loop3A_556 = vector.extract %parallel_loop3A_555[0] : f32 from vector<1xf32>
      %parallel_loop3A_557 = vector.extract_strided_slice %parallel_loop3A_554 {offsets = [1], sizes = [1], strides = [1]} : vector<16xf32> to vector<1xf32>
      %parallel_loop3A_558 = vector.extract %parallel_loop3A_557[0] : f32 from vector<1xf32>
      %parallel_loop3A_559 = arith.addf %parallel_loop3A_556, %parallel_loop3A_558 : f32
      %parallel_loop3A_560 = vector.extract_strided_slice %parallel_loop3A_554 {offsets = [2], sizes = [1], strides = [1]} : vector<16xf32> to vector<1xf32>
      %parallel_loop3A_561 = vector.extract %parallel_loop3A_560[0] : f32 from vector<1xf32>
      %parallel_loop3A_562 = vector.extract_strided_slice %parallel_loop3A_554 {offsets = [3], sizes = [1], strides = [1]} : vector<16xf32> to vector<1xf32>
      %parallel_loop3A_563 = vector.extract %parallel_loop3A_562[0] : f32 from vector<1xf32>
      %parallel_loop3A_564 = arith.addf %parallel_loop3A_561, %parallel_loop3A_563 : f32
      %parallel_loop3A_565 = vector.extract_strided_slice %parallel_loop3A_554 {offsets = [4], sizes = [1], strides = [1]} : vector<16xf32> to vector<1xf32>
      %parallel_loop3A_566 = vector.extract %parallel_loop3A_565[0] : f32 from vector<1xf32>
      %parallel_loop3A_567 = vector.extract_strided_slice %parallel_loop3A_554 {offsets = [5], sizes = [1], strides = [1]} : vector<16xf32> to vector<1xf32>
      %parallel_loop3A_568 = vector.extract %parallel_loop3A_567[0] : f32 from vector<1xf32>
      %parallel_loop3A_569 = arith.addf %parallel_loop3A_566, %parallel_loop3A_568 : f32
      %parallel_loop3A_570 = vector.extract_strided_slice %parallel_loop3A_554 {offsets = [6], sizes = [1], strides = [1]} : vector<16xf32> to vector<1xf32>
      %parallel_loop3A_571 = vector.extract %parallel_loop3A_570[0] : f32 from vector<1xf32>
      %parallel_loop3A_572 = vector.extract_strided_slice %parallel_loop3A_554 {offsets = [7], sizes = [1], strides = [1]} : vector<16xf32> to vector<1xf32>
      %parallel_loop3A_573 = vector.extract %parallel_loop3A_572[0] : f32 from vector<1xf32>
      %parallel_loop3A_574 = arith.addf %parallel_loop3A_571, %parallel_loop3A_573 : f32
      %parallel_loop3A_575 = arith.addf %parallel_loop3A_559, %parallel_loop3A_564 : f32
      %parallel_loop3A_576 = arith.addf %parallel_loop3A_569, %parallel_loop3A_574 : f32
      %parallel_loop3A_577 = arith.addf %parallel_loop3A_575, %parallel_loop3A_576 : f32
      %parallel_loop3A_578 = arith.constant 3 : i32
      %parallel_loop3A_579 = vector.broadcast %parallel_loop3A_578 : i32 to vector<16xi32>
      %parallel_loop3A_580 = arith.cmpi eq, %iota3A, %parallel_loop3A_579 : vector<16xi32>
      %parallel_loop3A_581 = vector.broadcast %parallel_loop3A_577 : f32 to vector<16xf32>
      %parallel_loop3A_582 = arith.select %parallel_loop3A_580, %parallel_loop3A_581, %parallel_loop3A_448 : vector<16xi1>, vector<16xf32>
      %parallel_loop3A_583 = arith.constant 16 : i32
      %parallel_loop3A_584 = arith.muli %parallel_loop3A_41, %parallel_loop3A_583 : i32
      %parallel_loop3A_585 = arith.constant 4 : i32
      %parallel_loop3A_586 = arith.addi %parallel_loop3A_584, %parallel_loop3A_585 : i32
      %parallel_loop3A_587 = vector.extract_strided_slice %parallel_loop3A_46 {offsets = [4], sizes = [1], strides = [1]} : vector<16xf32> to vector<1xf32>
      %parallel_loop3A_588 = vector.extract %parallel_loop3A_587[0] : f32 from vector<1xf32>
      %parallel_loop3A_589 = vector.broadcast %parallel_loop3A_588 : f32 to vector<16xf32>
      %parallel_loop3A_590 = arith.index_cast %parallel_loop3A_586 : i32 to index
      %parallel_loop3A_591 = arith.constant 0 : index
      %parallel_loop3A_592 = tpu.vector_load %arg15[%parallel_loop3A_590, %parallel_loop3A_591] {strides = array<i32>} : memref<128x128xf32, #tpu.memory_space<vmem>>, vector<1x16xf32>,
      %parallel_loop3A_593 = vector.shape_cast %parallel_loop3A_592 : vector<1x16xf32> to vector<16xf32>
      %parallel_loop3A_594 = arith.addf %parallel_loop3A_593, %parallel_loop3A_589 : vector<16xf32>
      %parallel_loop3A_595 = arith.index_cast %parallel_loop3A_586 : i32 to index
      %parallel_loop3A_596 = arith.constant 0 : index
      %parallel_loop3A_597 = tpu.vector_load %arg16[%parallel_loop3A_595, %parallel_loop3A_596] {strides = array<i32>} : memref<128x128xf32, #tpu.memory_space<vmem>>, vector<1x16xf32>,
      %parallel_loop3A_598 = vector.shape_cast %parallel_loop3A_597 : vector<1x16xf32> to vector<16xf32>
      %parallel_loop3A_599 = arith.mulf %parallel_loop3A_594, %parallel_loop3A_598 : vector<16xf32>
      %parallel_loop3A_600 = arith.addf %broadcast_in_dim3A_21, %parallel_loop3A_599 : vector<16xf32>
      %parallel_loop3A_601 = arith.index_cast %parallel_loop3A_586 : i32 to index
      %parallel_loop3A_602 = arith.constant 16 : index
      %parallel_loop3A_603 = tpu.vector_load %arg15[%parallel_loop3A_601, %parallel_loop3A_602] {strides = array<i32>} : memref<128x128xf32, #tpu.memory_space<vmem>>, vector<1x16xf32>,
      %parallel_loop3A_604 = vector.shape_cast %parallel_loop3A_603 : vector<1x16xf32> to vector<16xf32>
      %parallel_loop3A_605 = arith.addf %parallel_loop3A_604, %parallel_loop3A_589 : vector<16xf32>
      %parallel_loop3A_606 = arith.index_cast %parallel_loop3A_586 : i32 to index
      %parallel_loop3A_607 = arith.constant 16 : index
      %parallel_loop3A_608 = tpu.vector_load %arg16[%parallel_loop3A_606, %parallel_loop3A_607] {strides = array<i32>} : memref<128x128xf32, #tpu.memory_space<vmem>>, vector<1x16xf32>,
      %parallel_loop3A_609 = vector.shape_cast %parallel_loop3A_608 : vector<1x16xf32> to vector<16xf32>
      %parallel_loop3A_610 = arith.mulf %parallel_loop3A_605, %parallel_loop3A_609 : vector<16xf32>
      %parallel_loop3A_611 = arith.addf %parallel_loop3A_600, %parallel_loop3A_610 : vector<16xf32>
      %parallel_loop3A_612 = arith.index_cast %parallel_loop3A_586 : i32 to index
      %parallel_loop3A_613 = arith.constant 32 : index
      %parallel_loop3A_614 = tpu.vector_load %arg15[%parallel_loop3A_612, %parallel_loop3A_613] {strides = array<i32>} : memref<128x128xf32, #tpu.memory_space<vmem>>, vector<1x16xf32>,
      %parallel_loop3A_615 = vector.shape_cast %parallel_loop3A_614 : vector<1x16xf32> to vector<16xf32>
      %parallel_loop3A_616 = arith.addf %parallel_loop3A_615, %parallel_loop3A_589 : vector<16xf32>
      %parallel_loop3A_617 = arith.index_cast %parallel_loop3A_586 : i32 to index
      %parallel_loop3A_618 = arith.constant 32 : index
      %parallel_loop3A_619 = tpu.vector_load %arg16[%parallel_loop3A_617, %parallel_loop3A_618] {strides = array<i32>} : memref<128x128xf32, #tpu.memory_space<vmem>>, vector<1x16xf32>,
      %parallel_loop3A_620 = vector.shape_cast %parallel_loop3A_619 : vector<1x16xf32> to vector<16xf32>
      %parallel_loop3A_621 = arith.mulf %parallel_loop3A_616, %parallel_loop3A_620 : vector<16xf32>
      %parallel_loop3A_622 = arith.addf %parallel_loop3A_611, %parallel_loop3A_621 : vector<16xf32>
      %parallel_loop3A_623 = arith.index_cast %parallel_loop3A_586 : i32 to index
      %parallel_loop3A_624 = arith.constant 48 : index
      %parallel_loop3A_625 = tpu.vector_load %arg15[%parallel_loop3A_623, %parallel_loop3A_624] {strides = array<i32>} : memref<128x128xf32, #tpu.memory_space<vmem>>, vector<1x16xf32>,
      %parallel_loop3A_626 = vector.shape_cast %parallel_loop3A_625 : vector<1x16xf32> to vector<16xf32>
      %parallel_loop3A_627 = arith.addf %parallel_loop3A_626, %parallel_loop3A_589 : vector<16xf32>
      %parallel_loop3A_628 = arith.index_cast %parallel_loop3A_586 : i32 to index
      %parallel_loop3A_629 = arith.constant 48 : index
      %parallel_loop3A_630 = tpu.vector_load %arg16[%parallel_loop3A_628, %parallel_loop3A_629] {strides = array<i32>} : memref<128x128xf32, #tpu.memory_space<vmem>>, vector<1x16xf32>,
      %parallel_loop3A_631 = vector.shape_cast %parallel_loop3A_630 : vector<1x16xf32> to vector<16xf32>
      %parallel_loop3A_632 = arith.mulf %parallel_loop3A_627, %parallel_loop3A_631 : vector<16xf32>
      %parallel_loop3A_633 = arith.addf %parallel_loop3A_622, %parallel_loop3A_632 : vector<16xf32>
      %parallel_loop3A_634 = arith.index_cast %parallel_loop3A_586 : i32 to index
      %parallel_loop3A_635 = arith.constant 64 : index
      %parallel_loop3A_636 = tpu.vector_load %arg15[%parallel_loop3A_634, %parallel_loop3A_635] {strides = array<i32>} : memref<128x128xf32, #tpu.memory_space<vmem>>, vector<1x16xf32>,
      %parallel_loop3A_637 = vector.shape_cast %parallel_loop3A_636 : vector<1x16xf32> to vector<16xf32>
      %parallel_loop3A_638 = arith.addf %parallel_loop3A_637, %parallel_loop3A_589 : vector<16xf32>
      %parallel_loop3A_639 = arith.index_cast %parallel_loop3A_586 : i32 to index
      %parallel_loop3A_640 = arith.constant 64 : index
      %parallel_loop3A_641 = tpu.vector_load %arg16[%parallel_loop3A_639, %parallel_loop3A_640] {strides = array<i32>} : memref<128x128xf32, #tpu.memory_space<vmem>>, vector<1x16xf32>,
      %parallel_loop3A_642 = vector.shape_cast %parallel_loop3A_641 : vector<1x16xf32> to vector<16xf32>
      %parallel_loop3A_643 = arith.mulf %parallel_loop3A_638, %parallel_loop3A_642 : vector<16xf32>
      %parallel_loop3A_644 = arith.addf %parallel_loop3A_633, %parallel_loop3A_643 : vector<16xf32>
      %parallel_loop3A_645 = arith.index_cast %parallel_loop3A_586 : i32 to index
      %parallel_loop3A_646 = arith.constant 80 : index
      %parallel_loop3A_647 = tpu.vector_load %arg15[%parallel_loop3A_645, %parallel_loop3A_646] {strides = array<i32>} : memref<128x128xf32, #tpu.memory_space<vmem>>, vector<1x16xf32>,
      %parallel_loop3A_648 = vector.shape_cast %parallel_loop3A_647 : vector<1x16xf32> to vector<16xf32>
      %parallel_loop3A_649 = arith.addf %parallel_loop3A_648, %parallel_loop3A_589 : vector<16xf32>
      %parallel_loop3A_650 = arith.index_cast %parallel_loop3A_586 : i32 to index
      %parallel_loop3A_651 = arith.constant 80 : index
      %parallel_loop3A_652 = tpu.vector_load %arg16[%parallel_loop3A_650, %parallel_loop3A_651] {strides = array<i32>} : memref<128x128xf32, #tpu.memory_space<vmem>>, vector<1x16xf32>,
      %parallel_loop3A_653 = vector.shape_cast %parallel_loop3A_652 : vector<1x16xf32> to vector<16xf32>
      %parallel_loop3A_654 = arith.mulf %parallel_loop3A_649, %parallel_loop3A_653 : vector<16xf32>
      %parallel_loop3A_655 = arith.addf %parallel_loop3A_644, %parallel_loop3A_654 : vector<16xf32>
      %parallel_loop3A_656 = arith.index_cast %parallel_loop3A_586 : i32 to index
      %parallel_loop3A_657 = arith.constant 96 : index
      %parallel_loop3A_658 = tpu.vector_load %arg15[%parallel_loop3A_656, %parallel_loop3A_657] {strides = array<i32>} : memref<128x128xf32, #tpu.memory_space<vmem>>, vector<1x16xf32>,
      %parallel_loop3A_659 = vector.shape_cast %parallel_loop3A_658 : vector<1x16xf32> to vector<16xf32>
      %parallel_loop3A_660 = arith.addf %parallel_loop3A_659, %parallel_loop3A_589 : vector<16xf32>
      %parallel_loop3A_661 = arith.index_cast %parallel_loop3A_586 : i32 to index
      %parallel_loop3A_662 = arith.constant 96 : index
      %parallel_loop3A_663 = tpu.vector_load %arg16[%parallel_loop3A_661, %parallel_loop3A_662] {strides = array<i32>} : memref<128x128xf32, #tpu.memory_space<vmem>>, vector<1x16xf32>,
      %parallel_loop3A_664 = vector.shape_cast %parallel_loop3A_663 : vector<1x16xf32> to vector<16xf32>
      %parallel_loop3A_665 = arith.mulf %parallel_loop3A_660, %parallel_loop3A_664 : vector<16xf32>
      %parallel_loop3A_666 = arith.addf %parallel_loop3A_655, %parallel_loop3A_665 : vector<16xf32>
      %parallel_loop3A_667 = arith.index_cast %parallel_loop3A_586 : i32 to index
      %parallel_loop3A_668 = arith.constant 112 : index
      %parallel_loop3A_669 = tpu.vector_load %arg15[%parallel_loop3A_667, %parallel_loop3A_668] {strides = array<i32>} : memref<128x128xf32, #tpu.memory_space<vmem>>, vector<1x16xf32>,
      %parallel_loop3A_670 = vector.shape_cast %parallel_loop3A_669 : vector<1x16xf32> to vector<16xf32>
      %parallel_loop3A_671 = arith.addf %parallel_loop3A_670, %parallel_loop3A_589 : vector<16xf32>
      %parallel_loop3A_672 = arith.index_cast %parallel_loop3A_586 : i32 to index
      %parallel_loop3A_673 = arith.constant 112 : index
      %parallel_loop3A_674 = tpu.vector_load %arg16[%parallel_loop3A_672, %parallel_loop3A_673] {strides = array<i32>} : memref<128x128xf32, #tpu.memory_space<vmem>>, vector<1x16xf32>,
      %parallel_loop3A_675 = vector.shape_cast %parallel_loop3A_674 : vector<1x16xf32> to vector<16xf32>
      %parallel_loop3A_676 = arith.mulf %parallel_loop3A_671, %parallel_loop3A_675 : vector<16xf32>
      %parallel_loop3A_677 = arith.addf %parallel_loop3A_666, %parallel_loop3A_676 : vector<16xf32>
      %parallel_loop3A_678 = arith.constant 0 : i32
      %parallel_loop3A_679 = vector.broadcast %parallel_loop3A_678 : i32 to vector<16xi32>
      %parallel_loop3A_680 = arith.cmpi slt, %and3A_26, %parallel_loop3A_679 : vector<16xi32>
      %parallel_loop3A_681 = arith.constant 16 : i32
      %parallel_loop3A_682 = vector.broadcast %parallel_loop3A_681 : i32 to vector<16xi32>
      %parallel_loop3A_683 = arith.addi %and3A_26, %parallel_loop3A_682 : vector<16xi32>
      %parallel_loop3A_684 = arith.select %parallel_loop3A_680, %parallel_loop3A_683, %and3A_26 : vector<16xi1>, vector<16xi32>
      %parallel_loop3A_685 = vector.shape_cast %parallel_loop3A_684 : vector<16xi32> to vector<16x1xi32>
      %parallel_loop3A_686 = vector.shape_cast %parallel_loop3A_685 : vector<16x1xi32> to vector<16xi32>
      %parallel_loop3A_687 = tpu.dynamic_gather %parallel_loop3A_677[%parallel_loop3A_686] in [0] : vector<16xf32>, vector<16xi32> -> vector<16xf32>
      %parallel_loop3A_688 = arith.addf %parallel_loop3A_677, %parallel_loop3A_687 : vector<16xf32>
      %parallel_loop3A_689 = vector.extract_strided_slice %parallel_loop3A_688 {offsets = [0], sizes = [1], strides = [1]} : vector<16xf32> to vector<1xf32>
      %parallel_loop3A_690 = vector.extract %parallel_loop3A_689[0] : f32 from vector<1xf32>
      %parallel_loop3A_691 = vector.extract_strided_slice %parallel_loop3A_688 {offsets = [1], sizes = [1], strides = [1]} : vector<16xf32> to vector<1xf32>
      %parallel_loop3A_692 = vector.extract %parallel_loop3A_691[0] : f32 from vector<1xf32>
      %parallel_loop3A_693 = arith.addf %parallel_loop3A_690, %parallel_loop3A_692 : f32
      %parallel_loop3A_694 = vector.extract_strided_slice %parallel_loop3A_688 {offsets = [2], sizes = [1], strides = [1]} : vector<16xf32> to vector<1xf32>
      %parallel_loop3A_695 = vector.extract %parallel_loop3A_694[0] : f32 from vector<1xf32>
      %parallel_loop3A_696 = vector.extract_strided_slice %parallel_loop3A_688 {offsets = [3], sizes = [1], strides = [1]} : vector<16xf32> to vector<1xf32>
      %parallel_loop3A_697 = vector.extract %parallel_loop3A_696[0] : f32 from vector<1xf32>
      %parallel_loop3A_698 = arith.addf %parallel_loop3A_695, %parallel_loop3A_697 : f32
      %parallel_loop3A_699 = vector.extract_strided_slice %parallel_loop3A_688 {offsets = [4], sizes = [1], strides = [1]} : vector<16xf32> to vector<1xf32>
      %parallel_loop3A_700 = vector.extract %parallel_loop3A_699[0] : f32 from vector<1xf32>
      %parallel_loop3A_701 = vector.extract_strided_slice %parallel_loop3A_688 {offsets = [5], sizes = [1], strides = [1]} : vector<16xf32> to vector<1xf32>
      %parallel_loop3A_702 = vector.extract %parallel_loop3A_701[0] : f32 from vector<1xf32>
      %parallel_loop3A_703 = arith.addf %parallel_loop3A_700, %parallel_loop3A_702 : f32
      %parallel_loop3A_704 = vector.extract_strided_slice %parallel_loop3A_688 {offsets = [6], sizes = [1], strides = [1]} : vector<16xf32> to vector<1xf32>
      %parallel_loop3A_705 = vector.extract %parallel_loop3A_704[0] : f32 from vector<1xf32>
      %parallel_loop3A_706 = vector.extract_strided_slice %parallel_loop3A_688 {offsets = [7], sizes = [1], strides = [1]} : vector<16xf32> to vector<1xf32>
      %parallel_loop3A_707 = vector.extract %parallel_loop3A_706[0] : f32 from vector<1xf32>
      %parallel_loop3A_708 = arith.addf %parallel_loop3A_705, %parallel_loop3A_707 : f32
      %parallel_loop3A_709 = arith.addf %parallel_loop3A_693, %parallel_loop3A_698 : f32
      %parallel_loop3A_710 = arith.addf %parallel_loop3A_703, %parallel_loop3A_708 : f32
      %parallel_loop3A_711 = arith.addf %parallel_loop3A_709, %parallel_loop3A_710 : f32
      %parallel_loop3A_712 = arith.constant 4 : i32
      %parallel_loop3A_713 = vector.broadcast %parallel_loop3A_712 : i32 to vector<16xi32>
      %parallel_loop3A_714 = arith.cmpi eq, %iota3A, %parallel_loop3A_713 : vector<16xi32>
      %parallel_loop3A_715 = vector.broadcast %parallel_loop3A_711 : f32 to vector<16xf32>
      %parallel_loop3A_716 = arith.select %parallel_loop3A_714, %parallel_loop3A_715, %parallel_loop3A_582 : vector<16xi1>, vector<16xf32>
      %parallel_loop3A_717 = arith.constant 16 : i32
      %parallel_loop3A_718 = arith.muli %parallel_loop3A_41, %parallel_loop3A_717 : i32
      %parallel_loop3A_719 = arith.constant 5 : i32
      %parallel_loop3A_720 = arith.addi %parallel_loop3A_718, %parallel_loop3A_719 : i32
      %parallel_loop3A_721 = vector.extract_strided_slice %parallel_loop3A_46 {offsets = [5], sizes = [1], strides = [1]} : vector<16xf32> to vector<1xf32>
      %parallel_loop3A_722 = vector.extract %parallel_loop3A_721[0] : f32 from vector<1xf32>
      %parallel_loop3A_723 = vector.broadcast %parallel_loop3A_722 : f32 to vector<16xf32>
      %parallel_loop3A_724 = arith.index_cast %parallel_loop3A_720 : i32 to index
      %parallel_loop3A_725 = arith.constant 0 : index
      %parallel_loop3A_726 = tpu.vector_load %arg15[%parallel_loop3A_724, %parallel_loop3A_725] {strides = array<i32>} : memref<128x128xf32, #tpu.memory_space<vmem>>, vector<1x16xf32>,
      %parallel_loop3A_727 = vector.shape_cast %parallel_loop3A_726 : vector<1x16xf32> to vector<16xf32>
      %parallel_loop3A_728 = arith.addf %parallel_loop3A_727, %parallel_loop3A_723 : vector<16xf32>
      %parallel_loop3A_729 = arith.index_cast %parallel_loop3A_720 : i32 to index
      %parallel_loop3A_730 = arith.constant 0 : index
      %parallel_loop3A_731 = tpu.vector_load %arg16[%parallel_loop3A_729, %parallel_loop3A_730] {strides = array<i32>} : memref<128x128xf32, #tpu.memory_space<vmem>>, vector<1x16xf32>,
      %parallel_loop3A_732 = vector.shape_cast %parallel_loop3A_731 : vector<1x16xf32> to vector<16xf32>
      %parallel_loop3A_733 = arith.mulf %parallel_loop3A_728, %parallel_loop3A_732 : vector<16xf32>
      %parallel_loop3A_734 = arith.addf %broadcast_in_dim3A_21, %parallel_loop3A_733 : vector<16xf32>
      %parallel_loop3A_735 = arith.index_cast %parallel_loop3A_720 : i32 to index
      %parallel_loop3A_736 = arith.constant 16 : index
      %parallel_loop3A_737 = tpu.vector_load %arg15[%parallel_loop3A_735, %parallel_loop3A_736] {strides = array<i32>} : memref<128x128xf32, #tpu.memory_space<vmem>>, vector<1x16xf32>,
      %parallel_loop3A_738 = vector.shape_cast %parallel_loop3A_737 : vector<1x16xf32> to vector<16xf32>
      %parallel_loop3A_739 = arith.addf %parallel_loop3A_738, %parallel_loop3A_723 : vector<16xf32>
      %parallel_loop3A_740 = arith.index_cast %parallel_loop3A_720 : i32 to index
      %parallel_loop3A_741 = arith.constant 16 : index
      %parallel_loop3A_742 = tpu.vector_load %arg16[%parallel_loop3A_740, %parallel_loop3A_741] {strides = array<i32>} : memref<128x128xf32, #tpu.memory_space<vmem>>, vector<1x16xf32>,
      %parallel_loop3A_743 = vector.shape_cast %parallel_loop3A_742 : vector<1x16xf32> to vector<16xf32>
      %parallel_loop3A_744 = arith.mulf %parallel_loop3A_739, %parallel_loop3A_743 : vector<16xf32>
      %parallel_loop3A_745 = arith.addf %parallel_loop3A_734, %parallel_loop3A_744 : vector<16xf32>
      %parallel_loop3A_746 = arith.index_cast %parallel_loop3A_720 : i32 to index
      %parallel_loop3A_747 = arith.constant 32 : index
      %parallel_loop3A_748 = tpu.vector_load %arg15[%parallel_loop3A_746, %parallel_loop3A_747] {strides = array<i32>} : memref<128x128xf32, #tpu.memory_space<vmem>>, vector<1x16xf32>,
      %parallel_loop3A_749 = vector.shape_cast %parallel_loop3A_748 : vector<1x16xf32> to vector<16xf32>
      %parallel_loop3A_750 = arith.addf %parallel_loop3A_749, %parallel_loop3A_723 : vector<16xf32>
      %parallel_loop3A_751 = arith.index_cast %parallel_loop3A_720 : i32 to index
      %parallel_loop3A_752 = arith.constant 32 : index
      %parallel_loop3A_753 = tpu.vector_load %arg16[%parallel_loop3A_751, %parallel_loop3A_752] {strides = array<i32>} : memref<128x128xf32, #tpu.memory_space<vmem>>, vector<1x16xf32>,
      %parallel_loop3A_754 = vector.shape_cast %parallel_loop3A_753 : vector<1x16xf32> to vector<16xf32>
      %parallel_loop3A_755 = arith.mulf %parallel_loop3A_750, %parallel_loop3A_754 : vector<16xf32>
      %parallel_loop3A_756 = arith.addf %parallel_loop3A_745, %parallel_loop3A_755 : vector<16xf32>
      %parallel_loop3A_757 = arith.index_cast %parallel_loop3A_720 : i32 to index
      %parallel_loop3A_758 = arith.constant 48 : index
      %parallel_loop3A_759 = tpu.vector_load %arg15[%parallel_loop3A_757, %parallel_loop3A_758] {strides = array<i32>} : memref<128x128xf32, #tpu.memory_space<vmem>>, vector<1x16xf32>,
      %parallel_loop3A_760 = vector.shape_cast %parallel_loop3A_759 : vector<1x16xf32> to vector<16xf32>
      %parallel_loop3A_761 = arith.addf %parallel_loop3A_760, %parallel_loop3A_723 : vector<16xf32>
      %parallel_loop3A_762 = arith.index_cast %parallel_loop3A_720 : i32 to index
      %parallel_loop3A_763 = arith.constant 48 : index
      %parallel_loop3A_764 = tpu.vector_load %arg16[%parallel_loop3A_762, %parallel_loop3A_763] {strides = array<i32>} : memref<128x128xf32, #tpu.memory_space<vmem>>, vector<1x16xf32>,
      %parallel_loop3A_765 = vector.shape_cast %parallel_loop3A_764 : vector<1x16xf32> to vector<16xf32>
      %parallel_loop3A_766 = arith.mulf %parallel_loop3A_761, %parallel_loop3A_765 : vector<16xf32>
      %parallel_loop3A_767 = arith.addf %parallel_loop3A_756, %parallel_loop3A_766 : vector<16xf32>
      %parallel_loop3A_768 = arith.index_cast %parallel_loop3A_720 : i32 to index
      %parallel_loop3A_769 = arith.constant 64 : index
      %parallel_loop3A_770 = tpu.vector_load %arg15[%parallel_loop3A_768, %parallel_loop3A_769] {strides = array<i32>} : memref<128x128xf32, #tpu.memory_space<vmem>>, vector<1x16xf32>,
      %parallel_loop3A_771 = vector.shape_cast %parallel_loop3A_770 : vector<1x16xf32> to vector<16xf32>
      %parallel_loop3A_772 = arith.addf %parallel_loop3A_771, %parallel_loop3A_723 : vector<16xf32>
      %parallel_loop3A_773 = arith.index_cast %parallel_loop3A_720 : i32 to index
      %parallel_loop3A_774 = arith.constant 64 : index
      %parallel_loop3A_775 = tpu.vector_load %arg16[%parallel_loop3A_773, %parallel_loop3A_774] {strides = array<i32>} : memref<128x128xf32, #tpu.memory_space<vmem>>, vector<1x16xf32>,
      %parallel_loop3A_776 = vector.shape_cast %parallel_loop3A_775 : vector<1x16xf32> to vector<16xf32>
      %parallel_loop3A_777 = arith.mulf %parallel_loop3A_772, %parallel_loop3A_776 : vector<16xf32>
      %parallel_loop3A_778 = arith.addf %parallel_loop3A_767, %parallel_loop3A_777 : vector<16xf32>
      %parallel_loop3A_779 = arith.index_cast %parallel_loop3A_720 : i32 to index
      %parallel_loop3A_780 = arith.constant 80 : index
      %parallel_loop3A_781 = tpu.vector_load %arg15[%parallel_loop3A_779, %parallel_loop3A_780] {strides = array<i32>} : memref<128x128xf32, #tpu.memory_space<vmem>>, vector<1x16xf32>,
      %parallel_loop3A_782 = vector.shape_cast %parallel_loop3A_781 : vector<1x16xf32> to vector<16xf32>
      %parallel_loop3A_783 = arith.addf %parallel_loop3A_782, %parallel_loop3A_723 : vector<16xf32>
      %parallel_loop3A_784 = arith.index_cast %parallel_loop3A_720 : i32 to index
      %parallel_loop3A_785 = arith.constant 80 : index
      %parallel_loop3A_786 = tpu.vector_load %arg16[%parallel_loop3A_784, %parallel_loop3A_785] {strides = array<i32>} : memref<128x128xf32, #tpu.memory_space<vmem>>, vector<1x16xf32>,
      %parallel_loop3A_787 = vector.shape_cast %parallel_loop3A_786 : vector<1x16xf32> to vector<16xf32>
      %parallel_loop3A_788 = arith.mulf %parallel_loop3A_783, %parallel_loop3A_787 : vector<16xf32>
      %parallel_loop3A_789 = arith.addf %parallel_loop3A_778, %parallel_loop3A_788 : vector<16xf32>
      %parallel_loop3A_790 = arith.index_cast %parallel_loop3A_720 : i32 to index
      %parallel_loop3A_791 = arith.constant 96 : index
      %parallel_loop3A_792 = tpu.vector_load %arg15[%parallel_loop3A_790, %parallel_loop3A_791] {strides = array<i32>} : memref<128x128xf32, #tpu.memory_space<vmem>>, vector<1x16xf32>,
      %parallel_loop3A_793 = vector.shape_cast %parallel_loop3A_792 : vector<1x16xf32> to vector<16xf32>
      %parallel_loop3A_794 = arith.addf %parallel_loop3A_793, %parallel_loop3A_723 : vector<16xf32>
      %parallel_loop3A_795 = arith.index_cast %parallel_loop3A_720 : i32 to index
      %parallel_loop3A_796 = arith.constant 96 : index
      %parallel_loop3A_797 = tpu.vector_load %arg16[%parallel_loop3A_795, %parallel_loop3A_796] {strides = array<i32>} : memref<128x128xf32, #tpu.memory_space<vmem>>, vector<1x16xf32>,
      %parallel_loop3A_798 = vector.shape_cast %parallel_loop3A_797 : vector<1x16xf32> to vector<16xf32>
      %parallel_loop3A_799 = arith.mulf %parallel_loop3A_794, %parallel_loop3A_798 : vector<16xf32>
      %parallel_loop3A_800 = arith.addf %parallel_loop3A_789, %parallel_loop3A_799 : vector<16xf32>
      %parallel_loop3A_801 = arith.index_cast %parallel_loop3A_720 : i32 to index
      %parallel_loop3A_802 = arith.constant 112 : index
      %parallel_loop3A_803 = tpu.vector_load %arg15[%parallel_loop3A_801, %parallel_loop3A_802] {strides = array<i32>} : memref<128x128xf32, #tpu.memory_space<vmem>>, vector<1x16xf32>,
      %parallel_loop3A_804 = vector.shape_cast %parallel_loop3A_803 : vector<1x16xf32> to vector<16xf32>
      %parallel_loop3A_805 = arith.addf %parallel_loop3A_804, %parallel_loop3A_723 : vector<16xf32>
      %parallel_loop3A_806 = arith.index_cast %parallel_loop3A_720 : i32 to index
      %parallel_loop3A_807 = arith.constant 112 : index
      %parallel_loop3A_808 = tpu.vector_load %arg16[%parallel_loop3A_806, %parallel_loop3A_807] {strides = array<i32>} : memref<128x128xf32, #tpu.memory_space<vmem>>, vector<1x16xf32>,
      %parallel_loop3A_809 = vector.shape_cast %parallel_loop3A_808 : vector<1x16xf32> to vector<16xf32>
      %parallel_loop3A_810 = arith.mulf %parallel_loop3A_805, %parallel_loop3A_809 : vector<16xf32>
      %parallel_loop3A_811 = arith.addf %parallel_loop3A_800, %parallel_loop3A_810 : vector<16xf32>
      %parallel_loop3A_812 = arith.constant 0 : i32
      %parallel_loop3A_813 = vector.broadcast %parallel_loop3A_812 : i32 to vector<16xi32>
      %parallel_loop3A_814 = arith.cmpi slt, %and3A_26, %parallel_loop3A_813 : vector<16xi32>
      %parallel_loop3A_815 = arith.constant 16 : i32
      %parallel_loop3A_816 = vector.broadcast %parallel_loop3A_815 : i32 to vector<16xi32>
      %parallel_loop3A_817 = arith.addi %and3A_26, %parallel_loop3A_816 : vector<16xi32>
      %parallel_loop3A_818 = arith.select %parallel_loop3A_814, %parallel_loop3A_817, %and3A_26 : vector<16xi1>, vector<16xi32>
      %parallel_loop3A_819 = vector.shape_cast %parallel_loop3A_818 : vector<16xi32> to vector<16x1xi32>
      %parallel_loop3A_820 = vector.shape_cast %parallel_loop3A_819 : vector<16x1xi32> to vector<16xi32>
      %parallel_loop3A_821 = tpu.dynamic_gather %parallel_loop3A_811[%parallel_loop3A_820] in [0] : vector<16xf32>, vector<16xi32> -> vector<16xf32>
      %parallel_loop3A_822 = arith.addf %parallel_loop3A_811, %parallel_loop3A_821 : vector<16xf32>
      %parallel_loop3A_823 = vector.extract_strided_slice %parallel_loop3A_822 {offsets = [0], sizes = [1], strides = [1]} : vector<16xf32> to vector<1xf32>
      %parallel_loop3A_824 = vector.extract %parallel_loop3A_823[0] : f32 from vector<1xf32>
      %parallel_loop3A_825 = vector.extract_strided_slice %parallel_loop3A_822 {offsets = [1], sizes = [1], strides = [1]} : vector<16xf32> to vector<1xf32>
      %parallel_loop3A_826 = vector.extract %parallel_loop3A_825[0] : f32 from vector<1xf32>
      %parallel_loop3A_827 = arith.addf %parallel_loop3A_824, %parallel_loop3A_826 : f32
      %parallel_loop3A_828 = vector.extract_strided_slice %parallel_loop3A_822 {offsets = [2], sizes = [1], strides = [1]} : vector<16xf32> to vector<1xf32>
      %parallel_loop3A_829 = vector.extract %parallel_loop3A_828[0] : f32 from vector<1xf32>
      %parallel_loop3A_830 = vector.extract_strided_slice %parallel_loop3A_822 {offsets = [3], sizes = [1], strides = [1]} : vector<16xf32> to vector<1xf32>
      %parallel_loop3A_831 = vector.extract %parallel_loop3A_830[0] : f32 from vector<1xf32>
      %parallel_loop3A_832 = arith.addf %parallel_loop3A_829, %parallel_loop3A_831 : f32
      %parallel_loop3A_833 = vector.extract_strided_slice %parallel_loop3A_822 {offsets = [4], sizes = [1], strides = [1]} : vector<16xf32> to vector<1xf32>
      %parallel_loop3A_834 = vector.extract %parallel_loop3A_833[0] : f32 from vector<1xf32>
      %parallel_loop3A_835 = vector.extract_strided_slice %parallel_loop3A_822 {offsets = [5], sizes = [1], strides = [1]} : vector<16xf32> to vector<1xf32>
      %parallel_loop3A_836 = vector.extract %parallel_loop3A_835[0] : f32 from vector<1xf32>
      %parallel_loop3A_837 = arith.addf %parallel_loop3A_834, %parallel_loop3A_836 : f32
      %parallel_loop3A_838 = vector.extract_strided_slice %parallel_loop3A_822 {offsets = [6], sizes = [1], strides = [1]} : vector<16xf32> to vector<1xf32>
      %parallel_loop3A_839 = vector.extract %parallel_loop3A_838[0] : f32 from vector<1xf32>
      %parallel_loop3A_840 = vector.extract_strided_slice %parallel_loop3A_822 {offsets = [7], sizes = [1], strides = [1]} : vector<16xf32> to vector<1xf32>
      %parallel_loop3A_841 = vector.extract %parallel_loop3A_840[0] : f32 from vector<1xf32>
      %parallel_loop3A_842 = arith.addf %parallel_loop3A_839, %parallel_loop3A_841 : f32
      %parallel_loop3A_843 = arith.addf %parallel_loop3A_827, %parallel_loop3A_832 : f32
      %parallel_loop3A_844 = arith.addf %parallel_loop3A_837, %parallel_loop3A_842 : f32
      %parallel_loop3A_845 = arith.addf %parallel_loop3A_843, %parallel_loop3A_844 : f32
      %parallel_loop3A_846 = arith.constant 5 : i32
      %parallel_loop3A_847 = vector.broadcast %parallel_loop3A_846 : i32 to vector<16xi32>
      %parallel_loop3A_848 = arith.cmpi eq, %iota3A, %parallel_loop3A_847 : vector<16xi32>
      %parallel_loop3A_849 = vector.broadcast %parallel_loop3A_845 : f32 to vector<16xf32>
      %parallel_loop3A_850 = arith.select %parallel_loop3A_848, %parallel_loop3A_849, %parallel_loop3A_716 : vector<16xi1>, vector<16xf32>
      %parallel_loop3A_851 = arith.constant 16 : i32
      %parallel_loop3A_852 = arith.muli %parallel_loop3A_41, %parallel_loop3A_851 : i32
      %parallel_loop3A_853 = arith.constant 6 : i32
      %parallel_loop3A_854 = arith.addi %parallel_loop3A_852, %parallel_loop3A_853 : i32
      %parallel_loop3A_855 = vector.extract_strided_slice %parallel_loop3A_46 {offsets = [6], sizes = [1], strides = [1]} : vector<16xf32> to vector<1xf32>
      %parallel_loop3A_856 = vector.extract %parallel_loop3A_855[0] : f32 from vector<1xf32>
      %parallel_loop3A_857 = vector.broadcast %parallel_loop3A_856 : f32 to vector<16xf32>
      %parallel_loop3A_858 = arith.index_cast %parallel_loop3A_854 : i32 to index
      %parallel_loop3A_859 = arith.constant 0 : index
      %parallel_loop3A_860 = tpu.vector_load %arg15[%parallel_loop3A_858, %parallel_loop3A_859] {strides = array<i32>} : memref<128x128xf32, #tpu.memory_space<vmem>>, vector<1x16xf32>,
      %parallel_loop3A_861 = vector.shape_cast %parallel_loop3A_860 : vector<1x16xf32> to vector<16xf32>
      %parallel_loop3A_862 = arith.addf %parallel_loop3A_861, %parallel_loop3A_857 : vector<16xf32>
      %parallel_loop3A_863 = arith.index_cast %parallel_loop3A_854 : i32 to index
      %parallel_loop3A_864 = arith.constant 0 : index
      %parallel_loop3A_865 = tpu.vector_load %arg16[%parallel_loop3A_863, %parallel_loop3A_864] {strides = array<i32>} : memref<128x128xf32, #tpu.memory_space<vmem>>, vector<1x16xf32>,
      %parallel_loop3A_866 = vector.shape_cast %parallel_loop3A_865 : vector<1x16xf32> to vector<16xf32>
      %parallel_loop3A_867 = arith.mulf %parallel_loop3A_862, %parallel_loop3A_866 : vector<16xf32>
      %parallel_loop3A_868 = arith.addf %broadcast_in_dim3A_21, %parallel_loop3A_867 : vector<16xf32>
      %parallel_loop3A_869 = arith.index_cast %parallel_loop3A_854 : i32 to index
      %parallel_loop3A_870 = arith.constant 16 : index
      %parallel_loop3A_871 = tpu.vector_load %arg15[%parallel_loop3A_869, %parallel_loop3A_870] {strides = array<i32>} : memref<128x128xf32, #tpu.memory_space<vmem>>, vector<1x16xf32>,
      %parallel_loop3A_872 = vector.shape_cast %parallel_loop3A_871 : vector<1x16xf32> to vector<16xf32>
      %parallel_loop3A_873 = arith.addf %parallel_loop3A_872, %parallel_loop3A_857 : vector<16xf32>
      %parallel_loop3A_874 = arith.index_cast %parallel_loop3A_854 : i32 to index
      %parallel_loop3A_875 = arith.constant 16 : index
      %parallel_loop3A_876 = tpu.vector_load %arg16[%parallel_loop3A_874, %parallel_loop3A_875] {strides = array<i32>} : memref<128x128xf32, #tpu.memory_space<vmem>>, vector<1x16xf32>,
      %parallel_loop3A_877 = vector.shape_cast %parallel_loop3A_876 : vector<1x16xf32> to vector<16xf32>
      %parallel_loop3A_878 = arith.mulf %parallel_loop3A_873, %parallel_loop3A_877 : vector<16xf32>
      %parallel_loop3A_879 = arith.addf %parallel_loop3A_868, %parallel_loop3A_878 : vector<16xf32>
      %parallel_loop3A_880 = arith.index_cast %parallel_loop3A_854 : i32 to index
      %parallel_loop3A_881 = arith.constant 32 : index
      %parallel_loop3A_882 = tpu.vector_load %arg15[%parallel_loop3A_880, %parallel_loop3A_881] {strides = array<i32>} : memref<128x128xf32, #tpu.memory_space<vmem>>, vector<1x16xf32>,
      %parallel_loop3A_883 = vector.shape_cast %parallel_loop3A_882 : vector<1x16xf32> to vector<16xf32>
      %parallel_loop3A_884 = arith.addf %parallel_loop3A_883, %parallel_loop3A_857 : vector<16xf32>
      %parallel_loop3A_885 = arith.index_cast %parallel_loop3A_854 : i32 to index
      %parallel_loop3A_886 = arith.constant 32 : index
      %parallel_loop3A_887 = tpu.vector_load %arg16[%parallel_loop3A_885, %parallel_loop3A_886] {strides = array<i32>} : memref<128x128xf32, #tpu.memory_space<vmem>>, vector<1x16xf32>,
      %parallel_loop3A_888 = vector.shape_cast %parallel_loop3A_887 : vector<1x16xf32> to vector<16xf32>
      %parallel_loop3A_889 = arith.mulf %parallel_loop3A_884, %parallel_loop3A_888 : vector<16xf32>
      %parallel_loop3A_890 = arith.addf %parallel_loop3A_879, %parallel_loop3A_889 : vector<16xf32>
      %parallel_loop3A_891 = arith.index_cast %parallel_loop3A_854 : i32 to index
      %parallel_loop3A_892 = arith.constant 48 : index
      %parallel_loop3A_893 = tpu.vector_load %arg15[%parallel_loop3A_891, %parallel_loop3A_892] {strides = array<i32>} : memref<128x128xf32, #tpu.memory_space<vmem>>, vector<1x16xf32>,
      %parallel_loop3A_894 = vector.shape_cast %parallel_loop3A_893 : vector<1x16xf32> to vector<16xf32>
      %parallel_loop3A_895 = arith.addf %parallel_loop3A_894, %parallel_loop3A_857 : vector<16xf32>
      %parallel_loop3A_896 = arith.index_cast %parallel_loop3A_854 : i32 to index
      %parallel_loop3A_897 = arith.constant 48 : index
      %parallel_loop3A_898 = tpu.vector_load %arg16[%parallel_loop3A_896, %parallel_loop3A_897] {strides = array<i32>} : memref<128x128xf32, #tpu.memory_space<vmem>>, vector<1x16xf32>,
      %parallel_loop3A_899 = vector.shape_cast %parallel_loop3A_898 : vector<1x16xf32> to vector<16xf32>
      %parallel_loop3A_900 = arith.mulf %parallel_loop3A_895, %parallel_loop3A_899 : vector<16xf32>
      %parallel_loop3A_901 = arith.addf %parallel_loop3A_890, %parallel_loop3A_900 : vector<16xf32>
      %parallel_loop3A_902 = arith.index_cast %parallel_loop3A_854 : i32 to index
      %parallel_loop3A_903 = arith.constant 64 : index
      %parallel_loop3A_904 = tpu.vector_load %arg15[%parallel_loop3A_902, %parallel_loop3A_903] {strides = array<i32>} : memref<128x128xf32, #tpu.memory_space<vmem>>, vector<1x16xf32>,
      %parallel_loop3A_905 = vector.shape_cast %parallel_loop3A_904 : vector<1x16xf32> to vector<16xf32>
      %parallel_loop3A_906 = arith.addf %parallel_loop3A_905, %parallel_loop3A_857 : vector<16xf32>
      %parallel_loop3A_907 = arith.index_cast %parallel_loop3A_854 : i32 to index
      %parallel_loop3A_908 = arith.constant 64 : index
      %parallel_loop3A_909 = tpu.vector_load %arg16[%parallel_loop3A_907, %parallel_loop3A_908] {strides = array<i32>} : memref<128x128xf32, #tpu.memory_space<vmem>>, vector<1x16xf32>,
      %parallel_loop3A_910 = vector.shape_cast %parallel_loop3A_909 : vector<1x16xf32> to vector<16xf32>
      %parallel_loop3A_911 = arith.mulf %parallel_loop3A_906, %parallel_loop3A_910 : vector<16xf32>
      %parallel_loop3A_912 = arith.addf %parallel_loop3A_901, %parallel_loop3A_911 : vector<16xf32>
      %parallel_loop3A_913 = arith.index_cast %parallel_loop3A_854 : i32 to index
      %parallel_loop3A_914 = arith.constant 80 : index
      %parallel_loop3A_915 = tpu.vector_load %arg15[%parallel_loop3A_913, %parallel_loop3A_914] {strides = array<i32>} : memref<128x128xf32, #tpu.memory_space<vmem>>, vector<1x16xf32>,
      %parallel_loop3A_916 = vector.shape_cast %parallel_loop3A_915 : vector<1x16xf32> to vector<16xf32>
      %parallel_loop3A_917 = arith.addf %parallel_loop3A_916, %parallel_loop3A_857 : vector<16xf32>
      %parallel_loop3A_918 = arith.index_cast %parallel_loop3A_854 : i32 to index
      %parallel_loop3A_919 = arith.constant 80 : index
      %parallel_loop3A_920 = tpu.vector_load %arg16[%parallel_loop3A_918, %parallel_loop3A_919] {strides = array<i32>} : memref<128x128xf32, #tpu.memory_space<vmem>>, vector<1x16xf32>,
      %parallel_loop3A_921 = vector.shape_cast %parallel_loop3A_920 : vector<1x16xf32> to vector<16xf32>
      %parallel_loop3A_922 = arith.mulf %parallel_loop3A_917, %parallel_loop3A_921 : vector<16xf32>
      %parallel_loop3A_923 = arith.addf %parallel_loop3A_912, %parallel_loop3A_922 : vector<16xf32>
      %parallel_loop3A_924 = arith.index_cast %parallel_loop3A_854 : i32 to index
      %parallel_loop3A_925 = arith.constant 96 : index
      %parallel_loop3A_926 = tpu.vector_load %arg15[%parallel_loop3A_924, %parallel_loop3A_925] {strides = array<i32>} : memref<128x128xf32, #tpu.memory_space<vmem>>, vector<1x16xf32>,
      %parallel_loop3A_927 = vector.shape_cast %parallel_loop3A_926 : vector<1x16xf32> to vector<16xf32>
      %parallel_loop3A_928 = arith.addf %parallel_loop3A_927, %parallel_loop3A_857 : vector<16xf32>
      %parallel_loop3A_929 = arith.index_cast %parallel_loop3A_854 : i32 to index
      %parallel_loop3A_930 = arith.constant 96 : index
      %parallel_loop3A_931 = tpu.vector_load %arg16[%parallel_loop3A_929, %parallel_loop3A_930] {strides = array<i32>} : memref<128x128xf32, #tpu.memory_space<vmem>>, vector<1x16xf32>,
      %parallel_loop3A_932 = vector.shape_cast %parallel_loop3A_931 : vector<1x16xf32> to vector<16xf32>
      %parallel_loop3A_933 = arith.mulf %parallel_loop3A_928, %parallel_loop3A_932 : vector<16xf32>
      %parallel_loop3A_934 = arith.addf %parallel_loop3A_923, %parallel_loop3A_933 : vector<16xf32>
      %parallel_loop3A_935 = arith.index_cast %parallel_loop3A_854 : i32 to index
      %parallel_loop3A_936 = arith.constant 112 : index
      %parallel_loop3A_937 = tpu.vector_load %arg15[%parallel_loop3A_935, %parallel_loop3A_936] {strides = array<i32>} : memref<128x128xf32, #tpu.memory_space<vmem>>, vector<1x16xf32>,
      %parallel_loop3A_938 = vector.shape_cast %parallel_loop3A_937 : vector<1x16xf32> to vector<16xf32>
      %parallel_loop3A_939 = arith.addf %parallel_loop3A_938, %parallel_loop3A_857 : vector<16xf32>
      %parallel_loop3A_940 = arith.index_cast %parallel_loop3A_854 : i32 to index
      %parallel_loop3A_941 = arith.constant 112 : index
      %parallel_loop3A_942 = tpu.vector_load %arg16[%parallel_loop3A_940, %parallel_loop3A_941] {strides = array<i32>} : memref<128x128xf32, #tpu.memory_space<vmem>>, vector<1x16xf32>,
      %parallel_loop3A_943 = vector.shape_cast %parallel_loop3A_942 : vector<1x16xf32> to vector<16xf32>
      %parallel_loop3A_944 = arith.mulf %parallel_loop3A_939, %parallel_loop3A_943 : vector<16xf32>
      %parallel_loop3A_945 = arith.addf %parallel_loop3A_934, %parallel_loop3A_944 : vector<16xf32>
      %parallel_loop3A_946 = arith.constant 0 : i32
      %parallel_loop3A_947 = vector.broadcast %parallel_loop3A_946 : i32 to vector<16xi32>
      %parallel_loop3A_948 = arith.cmpi slt, %and3A_26, %parallel_loop3A_947 : vector<16xi32>
      %parallel_loop3A_949 = arith.constant 16 : i32
      %parallel_loop3A_950 = vector.broadcast %parallel_loop3A_949 : i32 to vector<16xi32>
      %parallel_loop3A_951 = arith.addi %and3A_26, %parallel_loop3A_950 : vector<16xi32>
      %parallel_loop3A_952 = arith.select %parallel_loop3A_948, %parallel_loop3A_951, %and3A_26 : vector<16xi1>, vector<16xi32>
      %parallel_loop3A_953 = vector.shape_cast %parallel_loop3A_952 : vector<16xi32> to vector<16x1xi32>
      %parallel_loop3A_954 = vector.shape_cast %parallel_loop3A_953 : vector<16x1xi32> to vector<16xi32>
      %parallel_loop3A_955 = tpu.dynamic_gather %parallel_loop3A_945[%parallel_loop3A_954] in [0] : vector<16xf32>, vector<16xi32> -> vector<16xf32>
      %parallel_loop3A_956 = arith.addf %parallel_loop3A_945, %parallel_loop3A_955 : vector<16xf32>
      %parallel_loop3A_957 = vector.extract_strided_slice %parallel_loop3A_956 {offsets = [0], sizes = [1], strides = [1]} : vector<16xf32> to vector<1xf32>
      %parallel_loop3A_958 = vector.extract %parallel_loop3A_957[0] : f32 from vector<1xf32>
      %parallel_loop3A_959 = vector.extract_strided_slice %parallel_loop3A_956 {offsets = [1], sizes = [1], strides = [1]} : vector<16xf32> to vector<1xf32>
      %parallel_loop3A_960 = vector.extract %parallel_loop3A_959[0] : f32 from vector<1xf32>
      %parallel_loop3A_961 = arith.addf %parallel_loop3A_958, %parallel_loop3A_960 : f32
      %parallel_loop3A_962 = vector.extract_strided_slice %parallel_loop3A_956 {offsets = [2], sizes = [1], strides = [1]} : vector<16xf32> to vector<1xf32>
      %parallel_loop3A_963 = vector.extract %parallel_loop3A_962[0] : f32 from vector<1xf32>
      %parallel_loop3A_964 = vector.extract_strided_slice %parallel_loop3A_956 {offsets = [3], sizes = [1], strides = [1]} : vector<16xf32> to vector<1xf32>
      %parallel_loop3A_965 = vector.extract %parallel_loop3A_964[0] : f32 from vector<1xf32>
      %parallel_loop3A_966 = arith.addf %parallel_loop3A_963, %parallel_loop3A_965 : f32
      %parallel_loop3A_967 = vector.extract_strided_slice %parallel_loop3A_956 {offsets = [4], sizes = [1], strides = [1]} : vector<16xf32> to vector<1xf32>
      %parallel_loop3A_968 = vector.extract %parallel_loop3A_967[0] : f32 from vector<1xf32>
      %parallel_loop3A_969 = vector.extract_strided_slice %parallel_loop3A_956 {offsets = [5], sizes = [1], strides = [1]} : vector<16xf32> to vector<1xf32>
      %parallel_loop3A_970 = vector.extract %parallel_loop3A_969[0] : f32 from vector<1xf32>
      %parallel_loop3A_971 = arith.addf %parallel_loop3A_968, %parallel_loop3A_970 : f32
      %parallel_loop3A_972 = vector.extract_strided_slice %parallel_loop3A_956 {offsets = [6], sizes = [1], strides = [1]} : vector<16xf32> to vector<1xf32>
      %parallel_loop3A_973 = vector.extract %parallel_loop3A_972[0] : f32 from vector<1xf32>
      %parallel_loop3A_974 = vector.extract_strided_slice %parallel_loop3A_956 {offsets = [7], sizes = [1], strides = [1]} : vector<16xf32> to vector<1xf32>
      %parallel_loop3A_975 = vector.extract %parallel_loop3A_974[0] : f32 from vector<1xf32>
      %parallel_loop3A_976 = arith.addf %parallel_loop3A_973, %parallel_loop3A_975 : f32
      %parallel_loop3A_977 = arith.addf %parallel_loop3A_961, %parallel_loop3A_966 : f32
      %parallel_loop3A_978 = arith.addf %parallel_loop3A_971, %parallel_loop3A_976 : f32
      %parallel_loop3A_979 = arith.addf %parallel_loop3A_977, %parallel_loop3A_978 : f32
      %parallel_loop3A_980 = arith.constant 6 : i32
      %parallel_loop3A_981 = vector.broadcast %parallel_loop3A_980 : i32 to vector<16xi32>
      %parallel_loop3A_982 = arith.cmpi eq, %iota3A, %parallel_loop3A_981 : vector<16xi32>
      %parallel_loop3A_983 = vector.broadcast %parallel_loop3A_979 : f32 to vector<16xf32>
      %parallel_loop3A_984 = arith.select %parallel_loop3A_982, %parallel_loop3A_983, %parallel_loop3A_850 : vector<16xi1>, vector<16xf32>
      %parallel_loop3A_985 = arith.constant 16 : i32
      %parallel_loop3A_986 = arith.muli %parallel_loop3A_41, %parallel_loop3A_985 : i32
      %parallel_loop3A_987 = arith.constant 7 : i32
      %parallel_loop3A_988 = arith.addi %parallel_loop3A_986, %parallel_loop3A_987 : i32
      %parallel_loop3A_989 = vector.extract_strided_slice %parallel_loop3A_46 {offsets = [7], sizes = [1], strides = [1]} : vector<16xf32> to vector<1xf32>
      %parallel_loop3A_990 = vector.extract %parallel_loop3A_989[0] : f32 from vector<1xf32>
      %parallel_loop3A_991 = vector.broadcast %parallel_loop3A_990 : f32 to vector<16xf32>
      %parallel_loop3A_992 = arith.index_cast %parallel_loop3A_988 : i32 to index
      %parallel_loop3A_993 = arith.constant 0 : index
      %parallel_loop3A_994 = tpu.vector_load %arg15[%parallel_loop3A_992, %parallel_loop3A_993] {strides = array<i32>} : memref<128x128xf32, #tpu.memory_space<vmem>>, vector<1x16xf32>,
      %parallel_loop3A_995 = vector.shape_cast %parallel_loop3A_994 : vector<1x16xf32> to vector<16xf32>
      %parallel_loop3A_996 = arith.addf %parallel_loop3A_995, %parallel_loop3A_991 : vector<16xf32>
      %parallel_loop3A_997 = arith.index_cast %parallel_loop3A_988 : i32 to index
      %parallel_loop3A_998 = arith.constant 0 : index
      %parallel_loop3A_999 = tpu.vector_load %arg16[%parallel_loop3A_997, %parallel_loop3A_998] {strides = array<i32>} : memref<128x128xf32, #tpu.memory_space<vmem>>, vector<1x16xf32>,
      %parallel_loop3A_1000 = vector.shape_cast %parallel_loop3A_999 : vector<1x16xf32> to vector<16xf32>
      %parallel_loop3A_1001 = arith.mulf %parallel_loop3A_996, %parallel_loop3A_1000 : vector<16xf32>
      %parallel_loop3A_1002 = arith.addf %broadcast_in_dim3A_21, %parallel_loop3A_1001 : vector<16xf32>
      %parallel_loop3A_1003 = arith.index_cast %parallel_loop3A_988 : i32 to index
      %parallel_loop3A_1004 = arith.constant 16 : index
      %parallel_loop3A_1005 = tpu.vector_load %arg15[%parallel_loop3A_1003, %parallel_loop3A_1004] {strides = array<i32>} : memref<128x128xf32, #tpu.memory_space<vmem>>, vector<1x16xf32>,
      %parallel_loop3A_1006 = vector.shape_cast %parallel_loop3A_1005 : vector<1x16xf32> to vector<16xf32>
      %parallel_loop3A_1007 = arith.addf %parallel_loop3A_1006, %parallel_loop3A_991 : vector<16xf32>
      %parallel_loop3A_1008 = arith.index_cast %parallel_loop3A_988 : i32 to index
      %parallel_loop3A_1009 = arith.constant 16 : index
      %parallel_loop3A_1010 = tpu.vector_load %arg16[%parallel_loop3A_1008, %parallel_loop3A_1009] {strides = array<i32>} : memref<128x128xf32, #tpu.memory_space<vmem>>, vector<1x16xf32>,
      %parallel_loop3A_1011 = vector.shape_cast %parallel_loop3A_1010 : vector<1x16xf32> to vector<16xf32>
      %parallel_loop3A_1012 = arith.mulf %parallel_loop3A_1007, %parallel_loop3A_1011 : vector<16xf32>
      %parallel_loop3A_1013 = arith.addf %parallel_loop3A_1002, %parallel_loop3A_1012 : vector<16xf32>
      %parallel_loop3A_1014 = arith.index_cast %parallel_loop3A_988 : i32 to index
      %parallel_loop3A_1015 = arith.constant 32 : index
      %parallel_loop3A_1016 = tpu.vector_load %arg15[%parallel_loop3A_1014, %parallel_loop3A_1015] {strides = array<i32>} : memref<128x128xf32, #tpu.memory_space<vmem>>, vector<1x16xf32>,
      %parallel_loop3A_1017 = vector.shape_cast %parallel_loop3A_1016 : vector<1x16xf32> to vector<16xf32>
      %parallel_loop3A_1018 = arith.addf %parallel_loop3A_1017, %parallel_loop3A_991 : vector<16xf32>
      %parallel_loop3A_1019 = arith.index_cast %parallel_loop3A_988 : i32 to index
      %parallel_loop3A_1020 = arith.constant 32 : index
      %parallel_loop3A_1021 = tpu.vector_load %arg16[%parallel_loop3A_1019, %parallel_loop3A_1020] {strides = array<i32>} : memref<128x128xf32, #tpu.memory_space<vmem>>, vector<1x16xf32>,
      %parallel_loop3A_1022 = vector.shape_cast %parallel_loop3A_1021 : vector<1x16xf32> to vector<16xf32>
      %parallel_loop3A_1023 = arith.mulf %parallel_loop3A_1018, %parallel_loop3A_1022 : vector<16xf32>
      %parallel_loop3A_1024 = arith.addf %parallel_loop3A_1013, %parallel_loop3A_1023 : vector<16xf32>
      %parallel_loop3A_1025 = arith.index_cast %parallel_loop3A_988 : i32 to index
      %parallel_loop3A_1026 = arith.constant 48 : index
      %parallel_loop3A_1027 = tpu.vector_load %arg15[%parallel_loop3A_1025, %parallel_loop3A_1026] {strides = array<i32>} : memref<128x128xf32, #tpu.memory_space<vmem>>, vector<1x16xf32>,
      %parallel_loop3A_1028 = vector.shape_cast %parallel_loop3A_1027 : vector<1x16xf32> to vector<16xf32>
      %parallel_loop3A_1029 = arith.addf %parallel_loop3A_1028, %parallel_loop3A_991 : vector<16xf32>
      %parallel_loop3A_1030 = arith.index_cast %parallel_loop3A_988 : i32 to index
      %parallel_loop3A_1031 = arith.constant 48 : index
      %parallel_loop3A_1032 = tpu.vector_load %arg16[%parallel_loop3A_1030, %parallel_loop3A_1031] {strides = array<i32>} : memref<128x128xf32, #tpu.memory_space<vmem>>, vector<1x16xf32>,
      %parallel_loop3A_1033 = vector.shape_cast %parallel_loop3A_1032 : vector<1x16xf32> to vector<16xf32>
      %parallel_loop3A_1034 = arith.mulf %parallel_loop3A_1029, %parallel_loop3A_1033 : vector<16xf32>
      %parallel_loop3A_1035 = arith.addf %parallel_loop3A_1024, %parallel_loop3A_1034 : vector<16xf32>
      %parallel_loop3A_1036 = arith.index_cast %parallel_loop3A_988 : i32 to index
      %parallel_loop3A_1037 = arith.constant 64 : index
      %parallel_loop3A_1038 = tpu.vector_load %arg15[%parallel_loop3A_1036, %parallel_loop3A_1037] {strides = array<i32>} : memref<128x128xf32, #tpu.memory_space<vmem>>, vector<1x16xf32>,
      %parallel_loop3A_1039 = vector.shape_cast %parallel_loop3A_1038 : vector<1x16xf32> to vector<16xf32>
      %parallel_loop3A_1040 = arith.addf %parallel_loop3A_1039, %parallel_loop3A_991 : vector<16xf32>
      %parallel_loop3A_1041 = arith.index_cast %parallel_loop3A_988 : i32 to index
      %parallel_loop3A_1042 = arith.constant 64 : index
      %parallel_loop3A_1043 = tpu.vector_load %arg16[%parallel_loop3A_1041, %parallel_loop3A_1042] {strides = array<i32>} : memref<128x128xf32, #tpu.memory_space<vmem>>, vector<1x16xf32>,
      %parallel_loop3A_1044 = vector.shape_cast %parallel_loop3A_1043 : vector<1x16xf32> to vector<16xf32>
      %parallel_loop3A_1045 = arith.mulf %parallel_loop3A_1040, %parallel_loop3A_1044 : vector<16xf32>
      %parallel_loop3A_1046 = arith.addf %parallel_loop3A_1035, %parallel_loop3A_1045 : vector<16xf32>
      %parallel_loop3A_1047 = arith.index_cast %parallel_loop3A_988 : i32 to index
      %parallel_loop3A_1048 = arith.constant 80 : index
      %parallel_loop3A_1049 = tpu.vector_load %arg15[%parallel_loop3A_1047, %parallel_loop3A_1048] {strides = array<i32>} : memref<128x128xf32, #tpu.memory_space<vmem>>, vector<1x16xf32>,
      %parallel_loop3A_1050 = vector.shape_cast %parallel_loop3A_1049 : vector<1x16xf32> to vector<16xf32>
      %parallel_loop3A_1051 = arith.addf %parallel_loop3A_1050, %parallel_loop3A_991 : vector<16xf32>
      %parallel_loop3A_1052 = arith.index_cast %parallel_loop3A_988 : i32 to index
      %parallel_loop3A_1053 = arith.constant 80 : index
      %parallel_loop3A_1054 = tpu.vector_load %arg16[%parallel_loop3A_1052, %parallel_loop3A_1053] {strides = array<i32>} : memref<128x128xf32, #tpu.memory_space<vmem>>, vector<1x16xf32>,
      %parallel_loop3A_1055 = vector.shape_cast %parallel_loop3A_1054 : vector<1x16xf32> to vector<16xf32>
      %parallel_loop3A_1056 = arith.mulf %parallel_loop3A_1051, %parallel_loop3A_1055 : vector<16xf32>
      %parallel_loop3A_1057 = arith.addf %parallel_loop3A_1046, %parallel_loop3A_1056 : vector<16xf32>
      %parallel_loop3A_1058 = arith.index_cast %parallel_loop3A_988 : i32 to index
      %parallel_loop3A_1059 = arith.constant 96 : index
      %parallel_loop3A_1060 = tpu.vector_load %arg15[%parallel_loop3A_1058, %parallel_loop3A_1059] {strides = array<i32>} : memref<128x128xf32, #tpu.memory_space<vmem>>, vector<1x16xf32>,
      %parallel_loop3A_1061 = vector.shape_cast %parallel_loop3A_1060 : vector<1x16xf32> to vector<16xf32>
      %parallel_loop3A_1062 = arith.addf %parallel_loop3A_1061, %parallel_loop3A_991 : vector<16xf32>
      %parallel_loop3A_1063 = arith.index_cast %parallel_loop3A_988 : i32 to index
      %parallel_loop3A_1064 = arith.constant 96 : index
      %parallel_loop3A_1065 = tpu.vector_load %arg16[%parallel_loop3A_1063, %parallel_loop3A_1064] {strides = array<i32>} : memref<128x128xf32, #tpu.memory_space<vmem>>, vector<1x16xf32>,
      %parallel_loop3A_1066 = vector.shape_cast %parallel_loop3A_1065 : vector<1x16xf32> to vector<16xf32>
      %parallel_loop3A_1067 = arith.mulf %parallel_loop3A_1062, %parallel_loop3A_1066 : vector<16xf32>
      %parallel_loop3A_1068 = arith.addf %parallel_loop3A_1057, %parallel_loop3A_1067 : vector<16xf32>
      %parallel_loop3A_1069 = arith.index_cast %parallel_loop3A_988 : i32 to index
      %parallel_loop3A_1070 = arith.constant 112 : index
      %parallel_loop3A_1071 = tpu.vector_load %arg15[%parallel_loop3A_1069, %parallel_loop3A_1070] {strides = array<i32>} : memref<128x128xf32, #tpu.memory_space<vmem>>, vector<1x16xf32>,
      %parallel_loop3A_1072 = vector.shape_cast %parallel_loop3A_1071 : vector<1x16xf32> to vector<16xf32>
      %parallel_loop3A_1073 = arith.addf %parallel_loop3A_1072, %parallel_loop3A_991 : vector<16xf32>
      %parallel_loop3A_1074 = arith.index_cast %parallel_loop3A_988 : i32 to index
      %parallel_loop3A_1075 = arith.constant 112 : index
      %parallel_loop3A_1076 = tpu.vector_load %arg16[%parallel_loop3A_1074, %parallel_loop3A_1075] {strides = array<i32>} : memref<128x128xf32, #tpu.memory_space<vmem>>, vector<1x16xf32>,
      %parallel_loop3A_1077 = vector.shape_cast %parallel_loop3A_1076 : vector<1x16xf32> to vector<16xf32>
      %parallel_loop3A_1078 = arith.mulf %parallel_loop3A_1073, %parallel_loop3A_1077 : vector<16xf32>
      %parallel_loop3A_1079 = arith.addf %parallel_loop3A_1068, %parallel_loop3A_1078 : vector<16xf32>
      %parallel_loop3A_1080 = arith.constant 0 : i32
      %parallel_loop3A_1081 = vector.broadcast %parallel_loop3A_1080 : i32 to vector<16xi32>
      %parallel_loop3A_1082 = arith.cmpi slt, %and3A_26, %parallel_loop3A_1081 : vector<16xi32>
      %parallel_loop3A_1083 = arith.constant 16 : i32
      %parallel_loop3A_1084 = vector.broadcast %parallel_loop3A_1083 : i32 to vector<16xi32>
      %parallel_loop3A_1085 = arith.addi %and3A_26, %parallel_loop3A_1084 : vector<16xi32>
      %parallel_loop3A_1086 = arith.select %parallel_loop3A_1082, %parallel_loop3A_1085, %and3A_26 : vector<16xi1>, vector<16xi32>
      %parallel_loop3A_1087 = vector.shape_cast %parallel_loop3A_1086 : vector<16xi32> to vector<16x1xi32>
      %parallel_loop3A_1088 = vector.shape_cast %parallel_loop3A_1087 : vector<16x1xi32> to vector<16xi32>
      %parallel_loop3A_1089 = tpu.dynamic_gather %parallel_loop3A_1079[%parallel_loop3A_1088] in [0] : vector<16xf32>, vector<16xi32> -> vector<16xf32>
      %parallel_loop3A_1090 = arith.addf %parallel_loop3A_1079, %parallel_loop3A_1089 : vector<16xf32>
      %parallel_loop3A_1091 = vector.extract_strided_slice %parallel_loop3A_1090 {offsets = [0], sizes = [1], strides = [1]} : vector<16xf32> to vector<1xf32>
      %parallel_loop3A_1092 = vector.extract %parallel_loop3A_1091[0] : f32 from vector<1xf32>
      %parallel_loop3A_1093 = vector.extract_strided_slice %parallel_loop3A_1090 {offsets = [1], sizes = [1], strides = [1]} : vector<16xf32> to vector<1xf32>
      %parallel_loop3A_1094 = vector.extract %parallel_loop3A_1093[0] : f32 from vector<1xf32>
      %parallel_loop3A_1095 = arith.addf %parallel_loop3A_1092, %parallel_loop3A_1094 : f32
      %parallel_loop3A_1096 = vector.extract_strided_slice %parallel_loop3A_1090 {offsets = [2], sizes = [1], strides = [1]} : vector<16xf32> to vector<1xf32>
      %parallel_loop3A_1097 = vector.extract %parallel_loop3A_1096[0] : f32 from vector<1xf32>
      %parallel_loop3A_1098 = vector.extract_strided_slice %parallel_loop3A_1090 {offsets = [3], sizes = [1], strides = [1]} : vector<16xf32> to vector<1xf32>
      %parallel_loop3A_1099 = vector.extract %parallel_loop3A_1098[0] : f32 from vector<1xf32>
      %parallel_loop3A_1100 = arith.addf %parallel_loop3A_1097, %parallel_loop3A_1099 : f32
      %parallel_loop3A_1101 = vector.extract_strided_slice %parallel_loop3A_1090 {offsets = [4], sizes = [1], strides = [1]} : vector<16xf32> to vector<1xf32>
      %parallel_loop3A_1102 = vector.extract %parallel_loop3A_1101[0] : f32 from vector<1xf32>
      %parallel_loop3A_1103 = vector.extract_strided_slice %parallel_loop3A_1090 {offsets = [5], sizes = [1], strides = [1]} : vector<16xf32> to vector<1xf32>
      %parallel_loop3A_1104 = vector.extract %parallel_loop3A_1103[0] : f32 from vector<1xf32>
      %parallel_loop3A_1105 = arith.addf %parallel_loop3A_1102, %parallel_loop3A_1104 : f32
      %parallel_loop3A_1106 = vector.extract_strided_slice %parallel_loop3A_1090 {offsets = [6], sizes = [1], strides = [1]} : vector<16xf32> to vector<1xf32>
      %parallel_loop3A_1107 = vector.extract %parallel_loop3A_1106[0] : f32 from vector<1xf32>
      %parallel_loop3A_1108 = vector.extract_strided_slice %parallel_loop3A_1090 {offsets = [7], sizes = [1], strides = [1]} : vector<16xf32> to vector<1xf32>
      %parallel_loop3A_1109 = vector.extract %parallel_loop3A_1108[0] : f32 from vector<1xf32>
      %parallel_loop3A_1110 = arith.addf %parallel_loop3A_1107, %parallel_loop3A_1109 : f32
      %parallel_loop3A_1111 = arith.addf %parallel_loop3A_1095, %parallel_loop3A_1100 : f32
      %parallel_loop3A_1112 = arith.addf %parallel_loop3A_1105, %parallel_loop3A_1110 : f32
      %parallel_loop3A_1113 = arith.addf %parallel_loop3A_1111, %parallel_loop3A_1112 : f32
      %parallel_loop3A_1114 = arith.constant 7 : i32
      %parallel_loop3A_1115 = vector.broadcast %parallel_loop3A_1114 : i32 to vector<16xi32>
      %parallel_loop3A_1116 = arith.cmpi eq, %iota3A, %parallel_loop3A_1115 : vector<16xi32>
      %parallel_loop3A_1117 = vector.broadcast %parallel_loop3A_1113 : f32 to vector<16xf32>
      %parallel_loop3A_1118 = arith.select %parallel_loop3A_1116, %parallel_loop3A_1117, %parallel_loop3A_984 : vector<16xi1>, vector<16xf32>
      %parallel_loop3A_1119 = arith.constant 16 : i32
      %parallel_loop3A_1120 = arith.muli %parallel_loop3A_41, %parallel_loop3A_1119 : i32
      %parallel_loop3A_1121 = arith.constant 8 : i32
      %parallel_loop3A_1122 = arith.addi %parallel_loop3A_1120, %parallel_loop3A_1121 : i32
      %parallel_loop3A_1123 = vector.extract_strided_slice %parallel_loop3A_46 {offsets = [8], sizes = [1], strides = [1]} : vector<16xf32> to vector<1xf32>
      %parallel_loop3A_1124 = vector.extract %parallel_loop3A_1123[0] : f32 from vector<1xf32>
      %parallel_loop3A_1125 = vector.broadcast %parallel_loop3A_1124 : f32 to vector<16xf32>
      %parallel_loop3A_1126 = arith.index_cast %parallel_loop3A_1122 : i32 to index
      %parallel_loop3A_1127 = arith.constant 0 : index
      %parallel_loop3A_1128 = tpu.vector_load %arg15[%parallel_loop3A_1126, %parallel_loop3A_1127] {strides = array<i32>} : memref<128x128xf32, #tpu.memory_space<vmem>>, vector<1x16xf32>,
      %parallel_loop3A_1129 = vector.shape_cast %parallel_loop3A_1128 : vector<1x16xf32> to vector<16xf32>
      %parallel_loop3A_1130 = arith.addf %parallel_loop3A_1129, %parallel_loop3A_1125 : vector<16xf32>
      %parallel_loop3A_1131 = arith.index_cast %parallel_loop3A_1122 : i32 to index
      %parallel_loop3A_1132 = arith.constant 0 : index
      %parallel_loop3A_1133 = tpu.vector_load %arg16[%parallel_loop3A_1131, %parallel_loop3A_1132] {strides = array<i32>} : memref<128x128xf32, #tpu.memory_space<vmem>>, vector<1x16xf32>,
      %parallel_loop3A_1134 = vector.shape_cast %parallel_loop3A_1133 : vector<1x16xf32> to vector<16xf32>
      %parallel_loop3A_1135 = arith.mulf %parallel_loop3A_1130, %parallel_loop3A_1134 : vector<16xf32>
      %parallel_loop3A_1136 = arith.addf %broadcast_in_dim3A_21, %parallel_loop3A_1135 : vector<16xf32>
      %parallel_loop3A_1137 = arith.index_cast %parallel_loop3A_1122 : i32 to index
      %parallel_loop3A_1138 = arith.constant 16 : index
      %parallel_loop3A_1139 = tpu.vector_load %arg15[%parallel_loop3A_1137, %parallel_loop3A_1138] {strides = array<i32>} : memref<128x128xf32, #tpu.memory_space<vmem>>, vector<1x16xf32>,
      %parallel_loop3A_1140 = vector.shape_cast %parallel_loop3A_1139 : vector<1x16xf32> to vector<16xf32>
      %parallel_loop3A_1141 = arith.addf %parallel_loop3A_1140, %parallel_loop3A_1125 : vector<16xf32>
      %parallel_loop3A_1142 = arith.index_cast %parallel_loop3A_1122 : i32 to index
      %parallel_loop3A_1143 = arith.constant 16 : index
      %parallel_loop3A_1144 = tpu.vector_load %arg16[%parallel_loop3A_1142, %parallel_loop3A_1143] {strides = array<i32>} : memref<128x128xf32, #tpu.memory_space<vmem>>, vector<1x16xf32>,
      %parallel_loop3A_1145 = vector.shape_cast %parallel_loop3A_1144 : vector<1x16xf32> to vector<16xf32>
      %parallel_loop3A_1146 = arith.mulf %parallel_loop3A_1141, %parallel_loop3A_1145 : vector<16xf32>
      %parallel_loop3A_1147 = arith.addf %parallel_loop3A_1136, %parallel_loop3A_1146 : vector<16xf32>
      %parallel_loop3A_1148 = arith.index_cast %parallel_loop3A_1122 : i32 to index
      %parallel_loop3A_1149 = arith.constant 32 : index
      %parallel_loop3A_1150 = tpu.vector_load %arg15[%parallel_loop3A_1148, %parallel_loop3A_1149] {strides = array<i32>} : memref<128x128xf32, #tpu.memory_space<vmem>>, vector<1x16xf32>,
      %parallel_loop3A_1151 = vector.shape_cast %parallel_loop3A_1150 : vector<1x16xf32> to vector<16xf32>
      %parallel_loop3A_1152 = arith.addf %parallel_loop3A_1151, %parallel_loop3A_1125 : vector<16xf32>
      %parallel_loop3A_1153 = arith.index_cast %parallel_loop3A_1122 : i32 to index
      %parallel_loop3A_1154 = arith.constant 32 : index
      %parallel_loop3A_1155 = tpu.vector_load %arg16[%parallel_loop3A_1153, %parallel_loop3A_1154] {strides = array<i32>} : memref<128x128xf32, #tpu.memory_space<vmem>>, vector<1x16xf32>,
      %parallel_loop3A_1156 = vector.shape_cast %parallel_loop3A_1155 : vector<1x16xf32> to vector<16xf32>
      %parallel_loop3A_1157 = arith.mulf %parallel_loop3A_1152, %parallel_loop3A_1156 : vector<16xf32>
      %parallel_loop3A_1158 = arith.addf %parallel_loop3A_1147, %parallel_loop3A_1157 : vector<16xf32>
      %parallel_loop3A_1159 = arith.index_cast %parallel_loop3A_1122 : i32 to index
      %parallel_loop3A_1160 = arith.constant 48 : index
      %parallel_loop3A_1161 = tpu.vector_load %arg15[%parallel_loop3A_1159, %parallel_loop3A_1160] {strides = array<i32>} : memref<128x128xf32, #tpu.memory_space<vmem>>, vector<1x16xf32>,
      %parallel_loop3A_1162 = vector.shape_cast %parallel_loop3A_1161 : vector<1x16xf32> to vector<16xf32>
      %parallel_loop3A_1163 = arith.addf %parallel_loop3A_1162, %parallel_loop3A_1125 : vector<16xf32>
      %parallel_loop3A_1164 = arith.index_cast %parallel_loop3A_1122 : i32 to index
      %parallel_loop3A_1165 = arith.constant 48 : index
      %parallel_loop3A_1166 = tpu.vector_load %arg16[%parallel_loop3A_1164, %parallel_loop3A_1165] {strides = array<i32>} : memref<128x128xf32, #tpu.memory_space<vmem>>, vector<1x16xf32>,
      %parallel_loop3A_1167 = vector.shape_cast %parallel_loop3A_1166 : vector<1x16xf32> to vector<16xf32>
      %parallel_loop3A_1168 = arith.mulf %parallel_loop3A_1163, %parallel_loop3A_1167 : vector<16xf32>
      %parallel_loop3A_1169 = arith.addf %parallel_loop3A_1158, %parallel_loop3A_1168 : vector<16xf32>
      %parallel_loop3A_1170 = arith.index_cast %parallel_loop3A_1122 : i32 to index
      %parallel_loop3A_1171 = arith.constant 64 : index
      %parallel_loop3A_1172 = tpu.vector_load %arg15[%parallel_loop3A_1170, %parallel_loop3A_1171] {strides = array<i32>} : memref<128x128xf32, #tpu.memory_space<vmem>>, vector<1x16xf32>,
      %parallel_loop3A_1173 = vector.shape_cast %parallel_loop3A_1172 : vector<1x16xf32> to vector<16xf32>
      %parallel_loop3A_1174 = arith.addf %parallel_loop3A_1173, %parallel_loop3A_1125 : vector<16xf32>
      %parallel_loop3A_1175 = arith.index_cast %parallel_loop3A_1122 : i32 to index
      %parallel_loop3A_1176 = arith.constant 64 : index
      %parallel_loop3A_1177 = tpu.vector_load %arg16[%parallel_loop3A_1175, %parallel_loop3A_1176] {strides = array<i32>} : memref<128x128xf32, #tpu.memory_space<vmem>>, vector<1x16xf32>,
      %parallel_loop3A_1178 = vector.shape_cast %parallel_loop3A_1177 : vector<1x16xf32> to vector<16xf32>
      %parallel_loop3A_1179 = arith.mulf %parallel_loop3A_1174, %parallel_loop3A_1178 : vector<16xf32>
      %parallel_loop3A_1180 = arith.addf %parallel_loop3A_1169, %parallel_loop3A_1179 : vector<16xf32>
      %parallel_loop3A_1181 = arith.index_cast %parallel_loop3A_1122 : i32 to index
      %parallel_loop3A_1182 = arith.constant 80 : index
      %parallel_loop3A_1183 = tpu.vector_load %arg15[%parallel_loop3A_1181, %parallel_loop3A_1182] {strides = array<i32>} : memref<128x128xf32, #tpu.memory_space<vmem>>, vector<1x16xf32>,
      %parallel_loop3A_1184 = vector.shape_cast %parallel_loop3A_1183 : vector<1x16xf32> to vector<16xf32>
      %parallel_loop3A_1185 = arith.addf %parallel_loop3A_1184, %parallel_loop3A_1125 : vector<16xf32>
      %parallel_loop3A_1186 = arith.index_cast %parallel_loop3A_1122 : i32 to index
      %parallel_loop3A_1187 = arith.constant 80 : index
      %parallel_loop3A_1188 = tpu.vector_load %arg16[%parallel_loop3A_1186, %parallel_loop3A_1187] {strides = array<i32>} : memref<128x128xf32, #tpu.memory_space<vmem>>, vector<1x16xf32>,
      %parallel_loop3A_1189 = vector.shape_cast %parallel_loop3A_1188 : vector<1x16xf32> to vector<16xf32>
      %parallel_loop3A_1190 = arith.mulf %parallel_loop3A_1185, %parallel_loop3A_1189 : vector<16xf32>
      %parallel_loop3A_1191 = arith.addf %parallel_loop3A_1180, %parallel_loop3A_1190 : vector<16xf32>
      %parallel_loop3A_1192 = arith.index_cast %parallel_loop3A_1122 : i32 to index
      %parallel_loop3A_1193 = arith.constant 96 : index
      %parallel_loop3A_1194 = tpu.vector_load %arg15[%parallel_loop3A_1192, %parallel_loop3A_1193] {strides = array<i32>} : memref<128x128xf32, #tpu.memory_space<vmem>>, vector<1x16xf32>,
      %parallel_loop3A_1195 = vector.shape_cast %parallel_loop3A_1194 : vector<1x16xf32> to vector<16xf32>
      %parallel_loop3A_1196 = arith.addf %parallel_loop3A_1195, %parallel_loop3A_1125 : vector<16xf32>
      %parallel_loop3A_1197 = arith.index_cast %parallel_loop3A_1122 : i32 to index
      %parallel_loop3A_1198 = arith.constant 96 : index
      %parallel_loop3A_1199 = tpu.vector_load %arg16[%parallel_loop3A_1197, %parallel_loop3A_1198] {strides = array<i32>} : memref<128x128xf32, #tpu.memory_space<vmem>>, vector<1x16xf32>,
      %parallel_loop3A_1200 = vector.shape_cast %parallel_loop3A_1199 : vector<1x16xf32> to vector<16xf32>
      %parallel_loop3A_1201 = arith.mulf %parallel_loop3A_1196, %parallel_loop3A_1200 : vector<16xf32>
      %parallel_loop3A_1202 = arith.addf %parallel_loop3A_1191, %parallel_loop3A_1201 : vector<16xf32>
      %parallel_loop3A_1203 = arith.index_cast %parallel_loop3A_1122 : i32 to index
      %parallel_loop3A_1204 = arith.constant 112 : index
      %parallel_loop3A_1205 = tpu.vector_load %arg15[%parallel_loop3A_1203, %parallel_loop3A_1204] {strides = array<i32>} : memref<128x128xf32, #tpu.memory_space<vmem>>, vector<1x16xf32>,
      %parallel_loop3A_1206 = vector.shape_cast %parallel_loop3A_1205 : vector<1x16xf32> to vector<16xf32>
      %parallel_loop3A_1207 = arith.addf %parallel_loop3A_1206, %parallel_loop3A_1125 : vector<16xf32>
      %parallel_loop3A_1208 = arith.index_cast %parallel_loop3A_1122 : i32 to index
      %parallel_loop3A_1209 = arith.constant 112 : index
      %parallel_loop3A_1210 = tpu.vector_load %arg16[%parallel_loop3A_1208, %parallel_loop3A_1209] {strides = array<i32>} : memref<128x128xf32, #tpu.memory_space<vmem>>, vector<1x16xf32>,
      %parallel_loop3A_1211 = vector.shape_cast %parallel_loop3A_1210 : vector<1x16xf32> to vector<16xf32>
      %parallel_loop3A_1212 = arith.mulf %parallel_loop3A_1207, %parallel_loop3A_1211 : vector<16xf32>
      %parallel_loop3A_1213 = arith.addf %parallel_loop3A_1202, %parallel_loop3A_1212 : vector<16xf32>
      %parallel_loop3A_1214 = arith.constant 0 : i32
      %parallel_loop3A_1215 = vector.broadcast %parallel_loop3A_1214 : i32 to vector<16xi32>
      %parallel_loop3A_1216 = arith.cmpi slt, %and3A_26, %parallel_loop3A_1215 : vector<16xi32>
      %parallel_loop3A_1217 = arith.constant 16 : i32
      %parallel_loop3A_1218 = vector.broadcast %parallel_loop3A_1217 : i32 to vector<16xi32>
      %parallel_loop3A_1219 = arith.addi %and3A_26, %parallel_loop3A_1218 : vector<16xi32>
      %parallel_loop3A_1220 = arith.select %parallel_loop3A_1216, %parallel_loop3A_1219, %and3A_26 : vector<16xi1>, vector<16xi32>
      %parallel_loop3A_1221 = vector.shape_cast %parallel_loop3A_1220 : vector<16xi32> to vector<16x1xi32>
      %parallel_loop3A_1222 = vector.shape_cast %parallel_loop3A_1221 : vector<16x1xi32> to vector<16xi32>
      %parallel_loop3A_1223 = tpu.dynamic_gather %parallel_loop3A_1213[%parallel_loop3A_1222] in [0] : vector<16xf32>, vector<16xi32> -> vector<16xf32>
      %parallel_loop3A_1224 = arith.addf %parallel_loop3A_1213, %parallel_loop3A_1223 : vector<16xf32>
      %parallel_loop3A_1225 = vector.extract_strided_slice %parallel_loop3A_1224 {offsets = [0], sizes = [1], strides = [1]} : vector<16xf32> to vector<1xf32>
      %parallel_loop3A_1226 = vector.extract %parallel_loop3A_1225[0] : f32 from vector<1xf32>
      %parallel_loop3A_1227 = vector.extract_strided_slice %parallel_loop3A_1224 {offsets = [1], sizes = [1], strides = [1]} : vector<16xf32> to vector<1xf32>
      %parallel_loop3A_1228 = vector.extract %parallel_loop3A_1227[0] : f32 from vector<1xf32>
      %parallel_loop3A_1229 = arith.addf %parallel_loop3A_1226, %parallel_loop3A_1228 : f32
      %parallel_loop3A_1230 = vector.extract_strided_slice %parallel_loop3A_1224 {offsets = [2], sizes = [1], strides = [1]} : vector<16xf32> to vector<1xf32>
      %parallel_loop3A_1231 = vector.extract %parallel_loop3A_1230[0] : f32 from vector<1xf32>
      %parallel_loop3A_1232 = vector.extract_strided_slice %parallel_loop3A_1224 {offsets = [3], sizes = [1], strides = [1]} : vector<16xf32> to vector<1xf32>
      %parallel_loop3A_1233 = vector.extract %parallel_loop3A_1232[0] : f32 from vector<1xf32>
      %parallel_loop3A_1234 = arith.addf %parallel_loop3A_1231, %parallel_loop3A_1233 : f32
      %parallel_loop3A_1235 = vector.extract_strided_slice %parallel_loop3A_1224 {offsets = [4], sizes = [1], strides = [1]} : vector<16xf32> to vector<1xf32>
      %parallel_loop3A_1236 = vector.extract %parallel_loop3A_1235[0] : f32 from vector<1xf32>
      %parallel_loop3A_1237 = vector.extract_strided_slice %parallel_loop3A_1224 {offsets = [5], sizes = [1], strides = [1]} : vector<16xf32> to vector<1xf32>
      %parallel_loop3A_1238 = vector.extract %parallel_loop3A_1237[0] : f32 from vector<1xf32>
      %parallel_loop3A_1239 = arith.addf %parallel_loop3A_1236, %parallel_loop3A_1238 : f32
      %parallel_loop3A_1240 = vector.extract_strided_slice %parallel_loop3A_1224 {offsets = [6], sizes = [1], strides = [1]} : vector<16xf32> to vector<1xf32>
      %parallel_loop3A_1241 = vector.extract %parallel_loop3A_1240[0] : f32 from vector<1xf32>
      %parallel_loop3A_1242 = vector.extract_strided_slice %parallel_loop3A_1224 {offsets = [7], sizes = [1], strides = [1]} : vector<16xf32> to vector<1xf32>
      %parallel_loop3A_1243 = vector.extract %parallel_loop3A_1242[0] : f32 from vector<1xf32>
      %parallel_loop3A_1244 = arith.addf %parallel_loop3A_1241, %parallel_loop3A_1243 : f32
      %parallel_loop3A_1245 = arith.addf %parallel_loop3A_1229, %parallel_loop3A_1234 : f32
      %parallel_loop3A_1246 = arith.addf %parallel_loop3A_1239, %parallel_loop3A_1244 : f32
      %parallel_loop3A_1247 = arith.addf %parallel_loop3A_1245, %parallel_loop3A_1246 : f32
      %parallel_loop3A_1248 = arith.constant 8 : i32
      %parallel_loop3A_1249 = vector.broadcast %parallel_loop3A_1248 : i32 to vector<16xi32>
      %parallel_loop3A_1250 = arith.cmpi eq, %iota3A, %parallel_loop3A_1249 : vector<16xi32>
      %parallel_loop3A_1251 = vector.broadcast %parallel_loop3A_1247 : f32 to vector<16xf32>
      %parallel_loop3A_1252 = arith.select %parallel_loop3A_1250, %parallel_loop3A_1251, %parallel_loop3A_1118 : vector<16xi1>, vector<16xf32>
      %parallel_loop3A_1253 = arith.constant 16 : i32
      %parallel_loop3A_1254 = arith.muli %parallel_loop3A_41, %parallel_loop3A_1253 : i32
      %parallel_loop3A_1255 = arith.constant 9 : i32
      %parallel_loop3A_1256 = arith.addi %parallel_loop3A_1254, %parallel_loop3A_1255 : i32
      %parallel_loop3A_1257 = vector.extract_strided_slice %parallel_loop3A_46 {offsets = [9], sizes = [1], strides = [1]} : vector<16xf32> to vector<1xf32>
      %parallel_loop3A_1258 = vector.extract %parallel_loop3A_1257[0] : f32 from vector<1xf32>
      %parallel_loop3A_1259 = vector.broadcast %parallel_loop3A_1258 : f32 to vector<16xf32>
      %parallel_loop3A_1260 = arith.index_cast %parallel_loop3A_1256 : i32 to index
      %parallel_loop3A_1261 = arith.constant 0 : index
      %parallel_loop3A_1262 = tpu.vector_load %arg15[%parallel_loop3A_1260, %parallel_loop3A_1261] {strides = array<i32>} : memref<128x128xf32, #tpu.memory_space<vmem>>, vector<1x16xf32>,
      %parallel_loop3A_1263 = vector.shape_cast %parallel_loop3A_1262 : vector<1x16xf32> to vector<16xf32>
      %parallel_loop3A_1264 = arith.addf %parallel_loop3A_1263, %parallel_loop3A_1259 : vector<16xf32>
      %parallel_loop3A_1265 = arith.index_cast %parallel_loop3A_1256 : i32 to index
      %parallel_loop3A_1266 = arith.constant 0 : index
      %parallel_loop3A_1267 = tpu.vector_load %arg16[%parallel_loop3A_1265, %parallel_loop3A_1266] {strides = array<i32>} : memref<128x128xf32, #tpu.memory_space<vmem>>, vector<1x16xf32>,
      %parallel_loop3A_1268 = vector.shape_cast %parallel_loop3A_1267 : vector<1x16xf32> to vector<16xf32>
      %parallel_loop3A_1269 = arith.mulf %parallel_loop3A_1264, %parallel_loop3A_1268 : vector<16xf32>
      %parallel_loop3A_1270 = arith.addf %broadcast_in_dim3A_21, %parallel_loop3A_1269 : vector<16xf32>
      %parallel_loop3A_1271 = arith.index_cast %parallel_loop3A_1256 : i32 to index
      %parallel_loop3A_1272 = arith.constant 16 : index
      %parallel_loop3A_1273 = tpu.vector_load %arg15[%parallel_loop3A_1271, %parallel_loop3A_1272] {strides = array<i32>} : memref<128x128xf32, #tpu.memory_space<vmem>>, vector<1x16xf32>,
      %parallel_loop3A_1274 = vector.shape_cast %parallel_loop3A_1273 : vector<1x16xf32> to vector<16xf32>
      %parallel_loop3A_1275 = arith.addf %parallel_loop3A_1274, %parallel_loop3A_1259 : vector<16xf32>
      %parallel_loop3A_1276 = arith.index_cast %parallel_loop3A_1256 : i32 to index
      %parallel_loop3A_1277 = arith.constant 16 : index
      %parallel_loop3A_1278 = tpu.vector_load %arg16[%parallel_loop3A_1276, %parallel_loop3A_1277] {strides = array<i32>} : memref<128x128xf32, #tpu.memory_space<vmem>>, vector<1x16xf32>,
      %parallel_loop3A_1279 = vector.shape_cast %parallel_loop3A_1278 : vector<1x16xf32> to vector<16xf32>
      %parallel_loop3A_1280 = arith.mulf %parallel_loop3A_1275, %parallel_loop3A_1279 : vector<16xf32>
      %parallel_loop3A_1281 = arith.addf %parallel_loop3A_1270, %parallel_loop3A_1280 : vector<16xf32>
      %parallel_loop3A_1282 = arith.index_cast %parallel_loop3A_1256 : i32 to index
      %parallel_loop3A_1283 = arith.constant 32 : index
      %parallel_loop3A_1284 = tpu.vector_load %arg15[%parallel_loop3A_1282, %parallel_loop3A_1283] {strides = array<i32>} : memref<128x128xf32, #tpu.memory_space<vmem>>, vector<1x16xf32>,
      %parallel_loop3A_1285 = vector.shape_cast %parallel_loop3A_1284 : vector<1x16xf32> to vector<16xf32>
      %parallel_loop3A_1286 = arith.addf %parallel_loop3A_1285, %parallel_loop3A_1259 : vector<16xf32>
      %parallel_loop3A_1287 = arith.index_cast %parallel_loop3A_1256 : i32 to index
      %parallel_loop3A_1288 = arith.constant 32 : index
      %parallel_loop3A_1289 = tpu.vector_load %arg16[%parallel_loop3A_1287, %parallel_loop3A_1288] {strides = array<i32>} : memref<128x128xf32, #tpu.memory_space<vmem>>, vector<1x16xf32>,
      %parallel_loop3A_1290 = vector.shape_cast %parallel_loop3A_1289 : vector<1x16xf32> to vector<16xf32>
      %parallel_loop3A_1291 = arith.mulf %parallel_loop3A_1286, %parallel_loop3A_1290 : vector<16xf32>
      %parallel_loop3A_1292 = arith.addf %parallel_loop3A_1281, %parallel_loop3A_1291 : vector<16xf32>
      %parallel_loop3A_1293 = arith.index_cast %parallel_loop3A_1256 : i32 to index
      %parallel_loop3A_1294 = arith.constant 48 : index
      %parallel_loop3A_1295 = tpu.vector_load %arg15[%parallel_loop3A_1293, %parallel_loop3A_1294] {strides = array<i32>} : memref<128x128xf32, #tpu.memory_space<vmem>>, vector<1x16xf32>,
      %parallel_loop3A_1296 = vector.shape_cast %parallel_loop3A_1295 : vector<1x16xf32> to vector<16xf32>
      %parallel_loop3A_1297 = arith.addf %parallel_loop3A_1296, %parallel_loop3A_1259 : vector<16xf32>
      %parallel_loop3A_1298 = arith.index_cast %parallel_loop3A_1256 : i32 to index
      %parallel_loop3A_1299 = arith.constant 48 : index
      %parallel_loop3A_1300 = tpu.vector_load %arg16[%parallel_loop3A_1298, %parallel_loop3A_1299] {strides = array<i32>} : memref<128x128xf32, #tpu.memory_space<vmem>>, vector<1x16xf32>,
      %parallel_loop3A_1301 = vector.shape_cast %parallel_loop3A_1300 : vector<1x16xf32> to vector<16xf32>
      %parallel_loop3A_1302 = arith.mulf %parallel_loop3A_1297, %parallel_loop3A_1301 : vector<16xf32>
      %parallel_loop3A_1303 = arith.addf %parallel_loop3A_1292, %parallel_loop3A_1302 : vector<16xf32>
      %parallel_loop3A_1304 = arith.index_cast %parallel_loop3A_1256 : i32 to index
      %parallel_loop3A_1305 = arith.constant 64 : index
      %parallel_loop3A_1306 = tpu.vector_load %arg15[%parallel_loop3A_1304, %parallel_loop3A_1305] {strides = array<i32>} : memref<128x128xf32, #tpu.memory_space<vmem>>, vector<1x16xf32>,
      %parallel_loop3A_1307 = vector.shape_cast %parallel_loop3A_1306 : vector<1x16xf32> to vector<16xf32>
      %parallel_loop3A_1308 = arith.addf %parallel_loop3A_1307, %parallel_loop3A_1259 : vector<16xf32>
      %parallel_loop3A_1309 = arith.index_cast %parallel_loop3A_1256 : i32 to index
      %parallel_loop3A_1310 = arith.constant 64 : index
      %parallel_loop3A_1311 = tpu.vector_load %arg16[%parallel_loop3A_1309, %parallel_loop3A_1310] {strides = array<i32>} : memref<128x128xf32, #tpu.memory_space<vmem>>, vector<1x16xf32>,
      %parallel_loop3A_1312 = vector.shape_cast %parallel_loop3A_1311 : vector<1x16xf32> to vector<16xf32>
      %parallel_loop3A_1313 = arith.mulf %parallel_loop3A_1308, %parallel_loop3A_1312 : vector<16xf32>
      %parallel_loop3A_1314 = arith.addf %parallel_loop3A_1303, %parallel_loop3A_1313 : vector<16xf32>
      %parallel_loop3A_1315 = arith.index_cast %parallel_loop3A_1256 : i32 to index
      %parallel_loop3A_1316 = arith.constant 80 : index
      %parallel_loop3A_1317 = tpu.vector_load %arg15[%parallel_loop3A_1315, %parallel_loop3A_1316] {strides = array<i32>} : memref<128x128xf32, #tpu.memory_space<vmem>>, vector<1x16xf32>,
      %parallel_loop3A_1318 = vector.shape_cast %parallel_loop3A_1317 : vector<1x16xf32> to vector<16xf32>
      %parallel_loop3A_1319 = arith.addf %parallel_loop3A_1318, %parallel_loop3A_1259 : vector<16xf32>
      %parallel_loop3A_1320 = arith.index_cast %parallel_loop3A_1256 : i32 to index
      %parallel_loop3A_1321 = arith.constant 80 : index
      %parallel_loop3A_1322 = tpu.vector_load %arg16[%parallel_loop3A_1320, %parallel_loop3A_1321] {strides = array<i32>} : memref<128x128xf32, #tpu.memory_space<vmem>>, vector<1x16xf32>,
      %parallel_loop3A_1323 = vector.shape_cast %parallel_loop3A_1322 : vector<1x16xf32> to vector<16xf32>
      %parallel_loop3A_1324 = arith.mulf %parallel_loop3A_1319, %parallel_loop3A_1323 : vector<16xf32>
      %parallel_loop3A_1325 = arith.addf %parallel_loop3A_1314, %parallel_loop3A_1324 : vector<16xf32>
      %parallel_loop3A_1326 = arith.index_cast %parallel_loop3A_1256 : i32 to index
      %parallel_loop3A_1327 = arith.constant 96 : index
      %parallel_loop3A_1328 = tpu.vector_load %arg15[%parallel_loop3A_1326, %parallel_loop3A_1327] {strides = array<i32>} : memref<128x128xf32, #tpu.memory_space<vmem>>, vector<1x16xf32>,
      %parallel_loop3A_1329 = vector.shape_cast %parallel_loop3A_1328 : vector<1x16xf32> to vector<16xf32>
      %parallel_loop3A_1330 = arith.addf %parallel_loop3A_1329, %parallel_loop3A_1259 : vector<16xf32>
      %parallel_loop3A_1331 = arith.index_cast %parallel_loop3A_1256 : i32 to index
      %parallel_loop3A_1332 = arith.constant 96 : index
      %parallel_loop3A_1333 = tpu.vector_load %arg16[%parallel_loop3A_1331, %parallel_loop3A_1332] {strides = array<i32>} : memref<128x128xf32, #tpu.memory_space<vmem>>, vector<1x16xf32>,
      %parallel_loop3A_1334 = vector.shape_cast %parallel_loop3A_1333 : vector<1x16xf32> to vector<16xf32>
      %parallel_loop3A_1335 = arith.mulf %parallel_loop3A_1330, %parallel_loop3A_1334 : vector<16xf32>
      %parallel_loop3A_1336 = arith.addf %parallel_loop3A_1325, %parallel_loop3A_1335 : vector<16xf32>
      %parallel_loop3A_1337 = arith.index_cast %parallel_loop3A_1256 : i32 to index
      %parallel_loop3A_1338 = arith.constant 112 : index
      %parallel_loop3A_1339 = tpu.vector_load %arg15[%parallel_loop3A_1337, %parallel_loop3A_1338] {strides = array<i32>} : memref<128x128xf32, #tpu.memory_space<vmem>>, vector<1x16xf32>,
      %parallel_loop3A_1340 = vector.shape_cast %parallel_loop3A_1339 : vector<1x16xf32> to vector<16xf32>
      %parallel_loop3A_1341 = arith.addf %parallel_loop3A_1340, %parallel_loop3A_1259 : vector<16xf32>
      %parallel_loop3A_1342 = arith.index_cast %parallel_loop3A_1256 : i32 to index
      %parallel_loop3A_1343 = arith.constant 112 : index
      %parallel_loop3A_1344 = tpu.vector_load %arg16[%parallel_loop3A_1342, %parallel_loop3A_1343] {strides = array<i32>} : memref<128x128xf32, #tpu.memory_space<vmem>>, vector<1x16xf32>,
      %parallel_loop3A_1345 = vector.shape_cast %parallel_loop3A_1344 : vector<1x16xf32> to vector<16xf32>
      %parallel_loop3A_1346 = arith.mulf %parallel_loop3A_1341, %parallel_loop3A_1345 : vector<16xf32>
      %parallel_loop3A_1347 = arith.addf %parallel_loop3A_1336, %parallel_loop3A_1346 : vector<16xf32>
      %parallel_loop3A_1348 = arith.constant 0 : i32
      %parallel_loop3A_1349 = vector.broadcast %parallel_loop3A_1348 : i32 to vector<16xi32>
      %parallel_loop3A_1350 = arith.cmpi slt, %and3A_26, %parallel_loop3A_1349 : vector<16xi32>
      %parallel_loop3A_1351 = arith.constant 16 : i32
      %parallel_loop3A_1352 = vector.broadcast %parallel_loop3A_1351 : i32 to vector<16xi32>
      %parallel_loop3A_1353 = arith.addi %and3A_26, %parallel_loop3A_1352 : vector<16xi32>
      %parallel_loop3A_1354 = arith.select %parallel_loop3A_1350, %parallel_loop3A_1353, %and3A_26 : vector<16xi1>, vector<16xi32>
      %parallel_loop3A_1355 = vector.shape_cast %parallel_loop3A_1354 : vector<16xi32> to vector<16x1xi32>
      %parallel_loop3A_1356 = vector.shape_cast %parallel_loop3A_1355 : vector<16x1xi32> to vector<16xi32>
      %parallel_loop3A_1357 = tpu.dynamic_gather %parallel_loop3A_1347[%parallel_loop3A_1356] in [0] : vector<16xf32>, vector<16xi32> -> vector<16xf32>
      %parallel_loop3A_1358 = arith.addf %parallel_loop3A_1347, %parallel_loop3A_1357 : vector<16xf32>
      %parallel_loop3A_1359 = vector.extract_strided_slice %parallel_loop3A_1358 {offsets = [0], sizes = [1], strides = [1]} : vector<16xf32> to vector<1xf32>
      %parallel_loop3A_1360 = vector.extract %parallel_loop3A_1359[0] : f32 from vector<1xf32>
      %parallel_loop3A_1361 = vector.extract_strided_slice %parallel_loop3A_1358 {offsets = [1], sizes = [1], strides = [1]} : vector<16xf32> to vector<1xf32>
      %parallel_loop3A_1362 = vector.extract %parallel_loop3A_1361[0] : f32 from vector<1xf32>
      %parallel_loop3A_1363 = arith.addf %parallel_loop3A_1360, %parallel_loop3A_1362 : f32
      %parallel_loop3A_1364 = vector.extract_strided_slice %parallel_loop3A_1358 {offsets = [2], sizes = [1], strides = [1]} : vector<16xf32> to vector<1xf32>
      %parallel_loop3A_1365 = vector.extract %parallel_loop3A_1364[0] : f32 from vector<1xf32>
      %parallel_loop3A_1366 = vector.extract_strided_slice %parallel_loop3A_1358 {offsets = [3], sizes = [1], strides = [1]} : vector<16xf32> to vector<1xf32>
      %parallel_loop3A_1367 = vector.extract %parallel_loop3A_1366[0] : f32 from vector<1xf32>
      %parallel_loop3A_1368 = arith.addf %parallel_loop3A_1365, %parallel_loop3A_1367 : f32
      %parallel_loop3A_1369 = vector.extract_strided_slice %parallel_loop3A_1358 {offsets = [4], sizes = [1], strides = [1]} : vector<16xf32> to vector<1xf32>
      %parallel_loop3A_1370 = vector.extract %parallel_loop3A_1369[0] : f32 from vector<1xf32>
      %parallel_loop3A_1371 = vector.extract_strided_slice %parallel_loop3A_1358 {offsets = [5], sizes = [1], strides = [1]} : vector<16xf32> to vector<1xf32>
      %parallel_loop3A_1372 = vector.extract %parallel_loop3A_1371[0] : f32 from vector<1xf32>
      %parallel_loop3A_1373 = arith.addf %parallel_loop3A_1370, %parallel_loop3A_1372 : f32
      %parallel_loop3A_1374 = vector.extract_strided_slice %parallel_loop3A_1358 {offsets = [6], sizes = [1], strides = [1]} : vector<16xf32> to vector<1xf32>
      %parallel_loop3A_1375 = vector.extract %parallel_loop3A_1374[0] : f32 from vector<1xf32>
      %parallel_loop3A_1376 = vector.extract_strided_slice %parallel_loop3A_1358 {offsets = [7], sizes = [1], strides = [1]} : vector<16xf32> to vector<1xf32>
      %parallel_loop3A_1377 = vector.extract %parallel_loop3A_1376[0] : f32 from vector<1xf32>
      %parallel_loop3A_1378 = arith.addf %parallel_loop3A_1375, %parallel_loop3A_1377 : f32
      %parallel_loop3A_1379 = arith.addf %parallel_loop3A_1363, %parallel_loop3A_1368 : f32
      %parallel_loop3A_1380 = arith.addf %parallel_loop3A_1373, %parallel_loop3A_1378 : f32
      %parallel_loop3A_1381 = arith.addf %parallel_loop3A_1379, %parallel_loop3A_1380 : f32
      %parallel_loop3A_1382 = arith.constant 9 : i32
      %parallel_loop3A_1383 = vector.broadcast %parallel_loop3A_1382 : i32 to vector<16xi32>
      %parallel_loop3A_1384 = arith.cmpi eq, %iota3A, %parallel_loop3A_1383 : vector<16xi32>
      %parallel_loop3A_1385 = vector.broadcast %parallel_loop3A_1381 : f32 to vector<16xf32>
      %parallel_loop3A_1386 = arith.select %parallel_loop3A_1384, %parallel_loop3A_1385, %parallel_loop3A_1252 : vector<16xi1>, vector<16xf32>
      %parallel_loop3A_1387 = arith.constant 16 : i32
      %parallel_loop3A_1388 = arith.muli %parallel_loop3A_41, %parallel_loop3A_1387 : i32
      %parallel_loop3A_1389 = arith.constant 10 : i32
      %parallel_loop3A_1390 = arith.addi %parallel_loop3A_1388, %parallel_loop3A_1389 : i32
      %parallel_loop3A_1391 = vector.extract_strided_slice %parallel_loop3A_46 {offsets = [10], sizes = [1], strides = [1]} : vector<16xf32> to vector<1xf32>
      %parallel_loop3A_1392 = vector.extract %parallel_loop3A_1391[0] : f32 from vector<1xf32>
      %parallel_loop3A_1393 = vector.broadcast %parallel_loop3A_1392 : f32 to vector<16xf32>
      %parallel_loop3A_1394 = arith.index_cast %parallel_loop3A_1390 : i32 to index
      %parallel_loop3A_1395 = arith.constant 0 : index
      %parallel_loop3A_1396 = tpu.vector_load %arg15[%parallel_loop3A_1394, %parallel_loop3A_1395] {strides = array<i32>} : memref<128x128xf32, #tpu.memory_space<vmem>>, vector<1x16xf32>,
      %parallel_loop3A_1397 = vector.shape_cast %parallel_loop3A_1396 : vector<1x16xf32> to vector<16xf32>
      %parallel_loop3A_1398 = arith.addf %parallel_loop3A_1397, %parallel_loop3A_1393 : vector<16xf32>
      %parallel_loop3A_1399 = arith.index_cast %parallel_loop3A_1390 : i32 to index
      %parallel_loop3A_1400 = arith.constant 0 : index
      %parallel_loop3A_1401 = tpu.vector_load %arg16[%parallel_loop3A_1399, %parallel_loop3A_1400] {strides = array<i32>} : memref<128x128xf32, #tpu.memory_space<vmem>>, vector<1x16xf32>,
      %parallel_loop3A_1402 = vector.shape_cast %parallel_loop3A_1401 : vector<1x16xf32> to vector<16xf32>
      %parallel_loop3A_1403 = arith.mulf %parallel_loop3A_1398, %parallel_loop3A_1402 : vector<16xf32>
      %parallel_loop3A_1404 = arith.addf %broadcast_in_dim3A_21, %parallel_loop3A_1403 : vector<16xf32>
      %parallel_loop3A_1405 = arith.index_cast %parallel_loop3A_1390 : i32 to index
      %parallel_loop3A_1406 = arith.constant 16 : index
      %parallel_loop3A_1407 = tpu.vector_load %arg15[%parallel_loop3A_1405, %parallel_loop3A_1406] {strides = array<i32>} : memref<128x128xf32, #tpu.memory_space<vmem>>, vector<1x16xf32>,
      %parallel_loop3A_1408 = vector.shape_cast %parallel_loop3A_1407 : vector<1x16xf32> to vector<16xf32>
      %parallel_loop3A_1409 = arith.addf %parallel_loop3A_1408, %parallel_loop3A_1393 : vector<16xf32>
      %parallel_loop3A_1410 = arith.index_cast %parallel_loop3A_1390 : i32 to index
      %parallel_loop3A_1411 = arith.constant 16 : index
      %parallel_loop3A_1412 = tpu.vector_load %arg16[%parallel_loop3A_1410, %parallel_loop3A_1411] {strides = array<i32>} : memref<128x128xf32, #tpu.memory_space<vmem>>, vector<1x16xf32>,
      %parallel_loop3A_1413 = vector.shape_cast %parallel_loop3A_1412 : vector<1x16xf32> to vector<16xf32>
      %parallel_loop3A_1414 = arith.mulf %parallel_loop3A_1409, %parallel_loop3A_1413 : vector<16xf32>
      %parallel_loop3A_1415 = arith.addf %parallel_loop3A_1404, %parallel_loop3A_1414 : vector<16xf32>
      %parallel_loop3A_1416 = arith.index_cast %parallel_loop3A_1390 : i32 to index
      %parallel_loop3A_1417 = arith.constant 32 : index
      %parallel_loop3A_1418 = tpu.vector_load %arg15[%parallel_loop3A_1416, %parallel_loop3A_1417] {strides = array<i32>} : memref<128x128xf32, #tpu.memory_space<vmem>>, vector<1x16xf32>,
      %parallel_loop3A_1419 = vector.shape_cast %parallel_loop3A_1418 : vector<1x16xf32> to vector<16xf32>
      %parallel_loop3A_1420 = arith.addf %parallel_loop3A_1419, %parallel_loop3A_1393 : vector<16xf32>
      %parallel_loop3A_1421 = arith.index_cast %parallel_loop3A_1390 : i32 to index
      %parallel_loop3A_1422 = arith.constant 32 : index
      %parallel_loop3A_1423 = tpu.vector_load %arg16[%parallel_loop3A_1421, %parallel_loop3A_1422] {strides = array<i32>} : memref<128x128xf32, #tpu.memory_space<vmem>>, vector<1x16xf32>,
      %parallel_loop3A_1424 = vector.shape_cast %parallel_loop3A_1423 : vector<1x16xf32> to vector<16xf32>
      %parallel_loop3A_1425 = arith.mulf %parallel_loop3A_1420, %parallel_loop3A_1424 : vector<16xf32>
      %parallel_loop3A_1426 = arith.addf %parallel_loop3A_1415, %parallel_loop3A_1425 : vector<16xf32>
      %parallel_loop3A_1427 = arith.index_cast %parallel_loop3A_1390 : i32 to index
      %parallel_loop3A_1428 = arith.constant 48 : index
      %parallel_loop3A_1429 = tpu.vector_load %arg15[%parallel_loop3A_1427, %parallel_loop3A_1428] {strides = array<i32>} : memref<128x128xf32, #tpu.memory_space<vmem>>, vector<1x16xf32>,
      %parallel_loop3A_1430 = vector.shape_cast %parallel_loop3A_1429 : vector<1x16xf32> to vector<16xf32>
      %parallel_loop3A_1431 = arith.addf %parallel_loop3A_1430, %parallel_loop3A_1393 : vector<16xf32>
      %parallel_loop3A_1432 = arith.index_cast %parallel_loop3A_1390 : i32 to index
      %parallel_loop3A_1433 = arith.constant 48 : index
      %parallel_loop3A_1434 = tpu.vector_load %arg16[%parallel_loop3A_1432, %parallel_loop3A_1433] {strides = array<i32>} : memref<128x128xf32, #tpu.memory_space<vmem>>, vector<1x16xf32>,
      %parallel_loop3A_1435 = vector.shape_cast %parallel_loop3A_1434 : vector<1x16xf32> to vector<16xf32>
      %parallel_loop3A_1436 = arith.mulf %parallel_loop3A_1431, %parallel_loop3A_1435 : vector<16xf32>
      %parallel_loop3A_1437 = arith.addf %parallel_loop3A_1426, %parallel_loop3A_1436 : vector<16xf32>
      %parallel_loop3A_1438 = arith.index_cast %parallel_loop3A_1390 : i32 to index
      %parallel_loop3A_1439 = arith.constant 64 : index
      %parallel_loop3A_1440 = tpu.vector_load %arg15[%parallel_loop3A_1438, %parallel_loop3A_1439] {strides = array<i32>} : memref<128x128xf32, #tpu.memory_space<vmem>>, vector<1x16xf32>,
      %parallel_loop3A_1441 = vector.shape_cast %parallel_loop3A_1440 : vector<1x16xf32> to vector<16xf32>
      %parallel_loop3A_1442 = arith.addf %parallel_loop3A_1441, %parallel_loop3A_1393 : vector<16xf32>
      %parallel_loop3A_1443 = arith.index_cast %parallel_loop3A_1390 : i32 to index
      %parallel_loop3A_1444 = arith.constant 64 : index
      %parallel_loop3A_1445 = tpu.vector_load %arg16[%parallel_loop3A_1443, %parallel_loop3A_1444] {strides = array<i32>} : memref<128x128xf32, #tpu.memory_space<vmem>>, vector<1x16xf32>,
      %parallel_loop3A_1446 = vector.shape_cast %parallel_loop3A_1445 : vector<1x16xf32> to vector<16xf32>
      %parallel_loop3A_1447 = arith.mulf %parallel_loop3A_1442, %parallel_loop3A_1446 : vector<16xf32>
      %parallel_loop3A_1448 = arith.addf %parallel_loop3A_1437, %parallel_loop3A_1447 : vector<16xf32>
      %parallel_loop3A_1449 = arith.index_cast %parallel_loop3A_1390 : i32 to index
      %parallel_loop3A_1450 = arith.constant 80 : index
      %parallel_loop3A_1451 = tpu.vector_load %arg15[%parallel_loop3A_1449, %parallel_loop3A_1450] {strides = array<i32>} : memref<128x128xf32, #tpu.memory_space<vmem>>, vector<1x16xf32>,
      %parallel_loop3A_1452 = vector.shape_cast %parallel_loop3A_1451 : vector<1x16xf32> to vector<16xf32>
      %parallel_loop3A_1453 = arith.addf %parallel_loop3A_1452, %parallel_loop3A_1393 : vector<16xf32>
      %parallel_loop3A_1454 = arith.index_cast %parallel_loop3A_1390 : i32 to index
      %parallel_loop3A_1455 = arith.constant 80 : index
      %parallel_loop3A_1456 = tpu.vector_load %arg16[%parallel_loop3A_1454, %parallel_loop3A_1455] {strides = array<i32>} : memref<128x128xf32, #tpu.memory_space<vmem>>, vector<1x16xf32>,
      %parallel_loop3A_1457 = vector.shape_cast %parallel_loop3A_1456 : vector<1x16xf32> to vector<16xf32>
      %parallel_loop3A_1458 = arith.mulf %parallel_loop3A_1453, %parallel_loop3A_1457 : vector<16xf32>
      %parallel_loop3A_1459 = arith.addf %parallel_loop3A_1448, %parallel_loop3A_1458 : vector<16xf32>
      %parallel_loop3A_1460 = arith.index_cast %parallel_loop3A_1390 : i32 to index
      %parallel_loop3A_1461 = arith.constant 96 : index
      %parallel_loop3A_1462 = tpu.vector_load %arg15[%parallel_loop3A_1460, %parallel_loop3A_1461] {strides = array<i32>} : memref<128x128xf32, #tpu.memory_space<vmem>>, vector<1x16xf32>,
      %parallel_loop3A_1463 = vector.shape_cast %parallel_loop3A_1462 : vector<1x16xf32> to vector<16xf32>
      %parallel_loop3A_1464 = arith.addf %parallel_loop3A_1463, %parallel_loop3A_1393 : vector<16xf32>
      %parallel_loop3A_1465 = arith.index_cast %parallel_loop3A_1390 : i32 to index
      %parallel_loop3A_1466 = arith.constant 96 : index
      %parallel_loop3A_1467 = tpu.vector_load %arg16[%parallel_loop3A_1465, %parallel_loop3A_1466] {strides = array<i32>} : memref<128x128xf32, #tpu.memory_space<vmem>>, vector<1x16xf32>,
      %parallel_loop3A_1468 = vector.shape_cast %parallel_loop3A_1467 : vector<1x16xf32> to vector<16xf32>
      %parallel_loop3A_1469 = arith.mulf %parallel_loop3A_1464, %parallel_loop3A_1468 : vector<16xf32>
      %parallel_loop3A_1470 = arith.addf %parallel_loop3A_1459, %parallel_loop3A_1469 : vector<16xf32>
      %parallel_loop3A_1471 = arith.index_cast %parallel_loop3A_1390 : i32 to index
      %parallel_loop3A_1472 = arith.constant 112 : index
      %parallel_loop3A_1473 = tpu.vector_load %arg15[%parallel_loop3A_1471, %parallel_loop3A_1472] {strides = array<i32>} : memref<128x128xf32, #tpu.memory_space<vmem>>, vector<1x16xf32>,
      %parallel_loop3A_1474 = vector.shape_cast %parallel_loop3A_1473 : vector<1x16xf32> to vector<16xf32>
      %parallel_loop3A_1475 = arith.addf %parallel_loop3A_1474, %parallel_loop3A_1393 : vector<16xf32>
      %parallel_loop3A_1476 = arith.index_cast %parallel_loop3A_1390 : i32 to index
      %parallel_loop3A_1477 = arith.constant 112 : index
      %parallel_loop3A_1478 = tpu.vector_load %arg16[%parallel_loop3A_1476, %parallel_loop3A_1477] {strides = array<i32>} : memref<128x128xf32, #tpu.memory_space<vmem>>, vector<1x16xf32>,
      %parallel_loop3A_1479 = vector.shape_cast %parallel_loop3A_1478 : vector<1x16xf32> to vector<16xf32>
      %parallel_loop3A_1480 = arith.mulf %parallel_loop3A_1475, %parallel_loop3A_1479 : vector<16xf32>
      %parallel_loop3A_1481 = arith.addf %parallel_loop3A_1470, %parallel_loop3A_1480 : vector<16xf32>
      %parallel_loop3A_1482 = arith.constant 0 : i32
      %parallel_loop3A_1483 = vector.broadcast %parallel_loop3A_1482 : i32 to vector<16xi32>
      %parallel_loop3A_1484 = arith.cmpi slt, %and3A_26, %parallel_loop3A_1483 : vector<16xi32>
      %parallel_loop3A_1485 = arith.constant 16 : i32
      %parallel_loop3A_1486 = vector.broadcast %parallel_loop3A_1485 : i32 to vector<16xi32>
      %parallel_loop3A_1487 = arith.addi %and3A_26, %parallel_loop3A_1486 : vector<16xi32>
      %parallel_loop3A_1488 = arith.select %parallel_loop3A_1484, %parallel_loop3A_1487, %and3A_26 : vector<16xi1>, vector<16xi32>
      %parallel_loop3A_1489 = vector.shape_cast %parallel_loop3A_1488 : vector<16xi32> to vector<16x1xi32>
      %parallel_loop3A_1490 = vector.shape_cast %parallel_loop3A_1489 : vector<16x1xi32> to vector<16xi32>
      %parallel_loop3A_1491 = tpu.dynamic_gather %parallel_loop3A_1481[%parallel_loop3A_1490] in [0] : vector<16xf32>, vector<16xi32> -> vector<16xf32>
      %parallel_loop3A_1492 = arith.addf %parallel_loop3A_1481, %parallel_loop3A_1491 : vector<16xf32>
      %parallel_loop3A_1493 = vector.extract_strided_slice %parallel_loop3A_1492 {offsets = [0], sizes = [1], strides = [1]} : vector<16xf32> to vector<1xf32>
      %parallel_loop3A_1494 = vector.extract %parallel_loop3A_1493[0] : f32 from vector<1xf32>
      %parallel_loop3A_1495 = vector.extract_strided_slice %parallel_loop3A_1492 {offsets = [1], sizes = [1], strides = [1]} : vector<16xf32> to vector<1xf32>
      %parallel_loop3A_1496 = vector.extract %parallel_loop3A_1495[0] : f32 from vector<1xf32>
      %parallel_loop3A_1497 = arith.addf %parallel_loop3A_1494, %parallel_loop3A_1496 : f32
      %parallel_loop3A_1498 = vector.extract_strided_slice %parallel_loop3A_1492 {offsets = [2], sizes = [1], strides = [1]} : vector<16xf32> to vector<1xf32>
      %parallel_loop3A_1499 = vector.extract %parallel_loop3A_1498[0] : f32 from vector<1xf32>
      %parallel_loop3A_1500 = vector.extract_strided_slice %parallel_loop3A_1492 {offsets = [3], sizes = [1], strides = [1]} : vector<16xf32> to vector<1xf32>
      %parallel_loop3A_1501 = vector.extract %parallel_loop3A_1500[0] : f32 from vector<1xf32>
      %parallel_loop3A_1502 = arith.addf %parallel_loop3A_1499, %parallel_loop3A_1501 : f32
      %parallel_loop3A_1503 = vector.extract_strided_slice %parallel_loop3A_1492 {offsets = [4], sizes = [1], strides = [1]} : vector<16xf32> to vector<1xf32>
      %parallel_loop3A_1504 = vector.extract %parallel_loop3A_1503[0] : f32 from vector<1xf32>
      %parallel_loop3A_1505 = vector.extract_strided_slice %parallel_loop3A_1492 {offsets = [5], sizes = [1], strides = [1]} : vector<16xf32> to vector<1xf32>
      %parallel_loop3A_1506 = vector.extract %parallel_loop3A_1505[0] : f32 from vector<1xf32>
      %parallel_loop3A_1507 = arith.addf %parallel_loop3A_1504, %parallel_loop3A_1506 : f32
      %parallel_loop3A_1508 = vector.extract_strided_slice %parallel_loop3A_1492 {offsets = [6], sizes = [1], strides = [1]} : vector<16xf32> to vector<1xf32>
      %parallel_loop3A_1509 = vector.extract %parallel_loop3A_1508[0] : f32 from vector<1xf32>
      %parallel_loop3A_1510 = vector.extract_strided_slice %parallel_loop3A_1492 {offsets = [7], sizes = [1], strides = [1]} : vector<16xf32> to vector<1xf32>
      %parallel_loop3A_1511 = vector.extract %parallel_loop3A_1510[0] : f32 from vector<1xf32>
      %parallel_loop3A_1512 = arith.addf %parallel_loop3A_1509, %parallel_loop3A_1511 : f32
      %parallel_loop3A_1513 = arith.addf %parallel_loop3A_1497, %parallel_loop3A_1502 : f32
      %parallel_loop3A_1514 = arith.addf %parallel_loop3A_1507, %parallel_loop3A_1512 : f32
      %parallel_loop3A_1515 = arith.addf %parallel_loop3A_1513, %parallel_loop3A_1514 : f32
      %parallel_loop3A_1516 = arith.constant 10 : i32
      %parallel_loop3A_1517 = vector.broadcast %parallel_loop3A_1516 : i32 to vector<16xi32>
      %parallel_loop3A_1518 = arith.cmpi eq, %iota3A, %parallel_loop3A_1517 : vector<16xi32>
      %parallel_loop3A_1519 = vector.broadcast %parallel_loop3A_1515 : f32 to vector<16xf32>
      %parallel_loop3A_1520 = arith.select %parallel_loop3A_1518, %parallel_loop3A_1519, %parallel_loop3A_1386 : vector<16xi1>, vector<16xf32>
      %parallel_loop3A_1521 = arith.constant 16 : i32
      %parallel_loop3A_1522 = arith.muli %parallel_loop3A_41, %parallel_loop3A_1521 : i32
      %parallel_loop3A_1523 = arith.constant 11 : i32
      %parallel_loop3A_1524 = arith.addi %parallel_loop3A_1522, %parallel_loop3A_1523 : i32
      %parallel_loop3A_1525 = vector.extract_strided_slice %parallel_loop3A_46 {offsets = [11], sizes = [1], strides = [1]} : vector<16xf32> to vector<1xf32>
      %parallel_loop3A_1526 = vector.extract %parallel_loop3A_1525[0] : f32 from vector<1xf32>
      %parallel_loop3A_1527 = vector.broadcast %parallel_loop3A_1526 : f32 to vector<16xf32>
      %parallel_loop3A_1528 = arith.index_cast %parallel_loop3A_1524 : i32 to index
      %parallel_loop3A_1529 = arith.constant 0 : index
      %parallel_loop3A_1530 = tpu.vector_load %arg15[%parallel_loop3A_1528, %parallel_loop3A_1529] {strides = array<i32>} : memref<128x128xf32, #tpu.memory_space<vmem>>, vector<1x16xf32>,
      %parallel_loop3A_1531 = vector.shape_cast %parallel_loop3A_1530 : vector<1x16xf32> to vector<16xf32>
      %parallel_loop3A_1532 = arith.addf %parallel_loop3A_1531, %parallel_loop3A_1527 : vector<16xf32>
      %parallel_loop3A_1533 = arith.index_cast %parallel_loop3A_1524 : i32 to index
      %parallel_loop3A_1534 = arith.constant 0 : index
      %parallel_loop3A_1535 = tpu.vector_load %arg16[%parallel_loop3A_1533, %parallel_loop3A_1534] {strides = array<i32>} : memref<128x128xf32, #tpu.memory_space<vmem>>, vector<1x16xf32>,
      %parallel_loop3A_1536 = vector.shape_cast %parallel_loop3A_1535 : vector<1x16xf32> to vector<16xf32>
      %parallel_loop3A_1537 = arith.mulf %parallel_loop3A_1532, %parallel_loop3A_1536 : vector<16xf32>
      %parallel_loop3A_1538 = arith.addf %broadcast_in_dim3A_21, %parallel_loop3A_1537 : vector<16xf32>
      %parallel_loop3A_1539 = arith.index_cast %parallel_loop3A_1524 : i32 to index
      %parallel_loop3A_1540 = arith.constant 16 : index
      %parallel_loop3A_1541 = tpu.vector_load %arg15[%parallel_loop3A_1539, %parallel_loop3A_1540] {strides = array<i32>} : memref<128x128xf32, #tpu.memory_space<vmem>>, vector<1x16xf32>,
      %parallel_loop3A_1542 = vector.shape_cast %parallel_loop3A_1541 : vector<1x16xf32> to vector<16xf32>
      %parallel_loop3A_1543 = arith.addf %parallel_loop3A_1542, %parallel_loop3A_1527 : vector<16xf32>
      %parallel_loop3A_1544 = arith.index_cast %parallel_loop3A_1524 : i32 to index
      %parallel_loop3A_1545 = arith.constant 16 : index
      %parallel_loop3A_1546 = tpu.vector_load %arg16[%parallel_loop3A_1544, %parallel_loop3A_1545] {strides = array<i32>} : memref<128x128xf32, #tpu.memory_space<vmem>>, vector<1x16xf32>,
      %parallel_loop3A_1547 = vector.shape_cast %parallel_loop3A_1546 : vector<1x16xf32> to vector<16xf32>
      %parallel_loop3A_1548 = arith.mulf %parallel_loop3A_1543, %parallel_loop3A_1547 : vector<16xf32>
      %parallel_loop3A_1549 = arith.addf %parallel_loop3A_1538, %parallel_loop3A_1548 : vector<16xf32>
      %parallel_loop3A_1550 = arith.index_cast %parallel_loop3A_1524 : i32 to index
      %parallel_loop3A_1551 = arith.constant 32 : index
      %parallel_loop3A_1552 = tpu.vector_load %arg15[%parallel_loop3A_1550, %parallel_loop3A_1551] {strides = array<i32>} : memref<128x128xf32, #tpu.memory_space<vmem>>, vector<1x16xf32>,
      %parallel_loop3A_1553 = vector.shape_cast %parallel_loop3A_1552 : vector<1x16xf32> to vector<16xf32>
      %parallel_loop3A_1554 = arith.addf %parallel_loop3A_1553, %parallel_loop3A_1527 : vector<16xf32>
      %parallel_loop3A_1555 = arith.index_cast %parallel_loop3A_1524 : i32 to index
      %parallel_loop3A_1556 = arith.constant 32 : index
      %parallel_loop3A_1557 = tpu.vector_load %arg16[%parallel_loop3A_1555, %parallel_loop3A_1556] {strides = array<i32>} : memref<128x128xf32, #tpu.memory_space<vmem>>, vector<1x16xf32>,
      %parallel_loop3A_1558 = vector.shape_cast %parallel_loop3A_1557 : vector<1x16xf32> to vector<16xf32>
      %parallel_loop3A_1559 = arith.mulf %parallel_loop3A_1554, %parallel_loop3A_1558 : vector<16xf32>
      %parallel_loop3A_1560 = arith.addf %parallel_loop3A_1549, %parallel_loop3A_1559 : vector<16xf32>
      %parallel_loop3A_1561 = arith.index_cast %parallel_loop3A_1524 : i32 to index
      %parallel_loop3A_1562 = arith.constant 48 : index
      %parallel_loop3A_1563 = tpu.vector_load %arg15[%parallel_loop3A_1561, %parallel_loop3A_1562] {strides = array<i32>} : memref<128x128xf32, #tpu.memory_space<vmem>>, vector<1x16xf32>,
      %parallel_loop3A_1564 = vector.shape_cast %parallel_loop3A_1563 : vector<1x16xf32> to vector<16xf32>
      %parallel_loop3A_1565 = arith.addf %parallel_loop3A_1564, %parallel_loop3A_1527 : vector<16xf32>
      %parallel_loop3A_1566 = arith.index_cast %parallel_loop3A_1524 : i32 to index
      %parallel_loop3A_1567 = arith.constant 48 : index
      %parallel_loop3A_1568 = tpu.vector_load %arg16[%parallel_loop3A_1566, %parallel_loop3A_1567] {strides = array<i32>} : memref<128x128xf32, #tpu.memory_space<vmem>>, vector<1x16xf32>,
      %parallel_loop3A_1569 = vector.shape_cast %parallel_loop3A_1568 : vector<1x16xf32> to vector<16xf32>
      %parallel_loop3A_1570 = arith.mulf %parallel_loop3A_1565, %parallel_loop3A_1569 : vector<16xf32>
      %parallel_loop3A_1571 = arith.addf %parallel_loop3A_1560, %parallel_loop3A_1570 : vector<16xf32>
      %parallel_loop3A_1572 = arith.index_cast %parallel_loop3A_1524 : i32 to index
      %parallel_loop3A_1573 = arith.constant 64 : index
      %parallel_loop3A_1574 = tpu.vector_load %arg15[%parallel_loop3A_1572, %parallel_loop3A_1573] {strides = array<i32>} : memref<128x128xf32, #tpu.memory_space<vmem>>, vector<1x16xf32>,
      %parallel_loop3A_1575 = vector.shape_cast %parallel_loop3A_1574 : vector<1x16xf32> to vector<16xf32>
      %parallel_loop3A_1576 = arith.addf %parallel_loop3A_1575, %parallel_loop3A_1527 : vector<16xf32>
      %parallel_loop3A_1577 = arith.index_cast %parallel_loop3A_1524 : i32 to index
      %parallel_loop3A_1578 = arith.constant 64 : index
      %parallel_loop3A_1579 = tpu.vector_load %arg16[%parallel_loop3A_1577, %parallel_loop3A_1578] {strides = array<i32>} : memref<128x128xf32, #tpu.memory_space<vmem>>, vector<1x16xf32>,
      %parallel_loop3A_1580 = vector.shape_cast %parallel_loop3A_1579 : vector<1x16xf32> to vector<16xf32>
      %parallel_loop3A_1581 = arith.mulf %parallel_loop3A_1576, %parallel_loop3A_1580 : vector<16xf32>
      %parallel_loop3A_1582 = arith.addf %parallel_loop3A_1571, %parallel_loop3A_1581 : vector<16xf32>
      %parallel_loop3A_1583 = arith.index_cast %parallel_loop3A_1524 : i32 to index
      %parallel_loop3A_1584 = arith.constant 80 : index
      %parallel_loop3A_1585 = tpu.vector_load %arg15[%parallel_loop3A_1583, %parallel_loop3A_1584] {strides = array<i32>} : memref<128x128xf32, #tpu.memory_space<vmem>>, vector<1x16xf32>,
      %parallel_loop3A_1586 = vector.shape_cast %parallel_loop3A_1585 : vector<1x16xf32> to vector<16xf32>
      %parallel_loop3A_1587 = arith.addf %parallel_loop3A_1586, %parallel_loop3A_1527 : vector<16xf32>
      %parallel_loop3A_1588 = arith.index_cast %parallel_loop3A_1524 : i32 to index
      %parallel_loop3A_1589 = arith.constant 80 : index
      %parallel_loop3A_1590 = tpu.vector_load %arg16[%parallel_loop3A_1588, %parallel_loop3A_1589] {strides = array<i32>} : memref<128x128xf32, #tpu.memory_space<vmem>>, vector<1x16xf32>,
      %parallel_loop3A_1591 = vector.shape_cast %parallel_loop3A_1590 : vector<1x16xf32> to vector<16xf32>
      %parallel_loop3A_1592 = arith.mulf %parallel_loop3A_1587, %parallel_loop3A_1591 : vector<16xf32>
      %parallel_loop3A_1593 = arith.addf %parallel_loop3A_1582, %parallel_loop3A_1592 : vector<16xf32>
      %parallel_loop3A_1594 = arith.index_cast %parallel_loop3A_1524 : i32 to index
      %parallel_loop3A_1595 = arith.constant 96 : index
      %parallel_loop3A_1596 = tpu.vector_load %arg15[%parallel_loop3A_1594, %parallel_loop3A_1595] {strides = array<i32>} : memref<128x128xf32, #tpu.memory_space<vmem>>, vector<1x16xf32>,
      %parallel_loop3A_1597 = vector.shape_cast %parallel_loop3A_1596 : vector<1x16xf32> to vector<16xf32>
      %parallel_loop3A_1598 = arith.addf %parallel_loop3A_1597, %parallel_loop3A_1527 : vector<16xf32>
      %parallel_loop3A_1599 = arith.index_cast %parallel_loop3A_1524 : i32 to index
      %parallel_loop3A_1600 = arith.constant 96 : index
      %parallel_loop3A_1601 = tpu.vector_load %arg16[%parallel_loop3A_1599, %parallel_loop3A_1600] {strides = array<i32>} : memref<128x128xf32, #tpu.memory_space<vmem>>, vector<1x16xf32>,
      %parallel_loop3A_1602 = vector.shape_cast %parallel_loop3A_1601 : vector<1x16xf32> to vector<16xf32>
      %parallel_loop3A_1603 = arith.mulf %parallel_loop3A_1598, %parallel_loop3A_1602 : vector<16xf32>
      %parallel_loop3A_1604 = arith.addf %parallel_loop3A_1593, %parallel_loop3A_1603 : vector<16xf32>
      %parallel_loop3A_1605 = arith.index_cast %parallel_loop3A_1524 : i32 to index
      %parallel_loop3A_1606 = arith.constant 112 : index
      %parallel_loop3A_1607 = tpu.vector_load %arg15[%parallel_loop3A_1605, %parallel_loop3A_1606] {strides = array<i32>} : memref<128x128xf32, #tpu.memory_space<vmem>>, vector<1x16xf32>,
      %parallel_loop3A_1608 = vector.shape_cast %parallel_loop3A_1607 : vector<1x16xf32> to vector<16xf32>
      %parallel_loop3A_1609 = arith.addf %parallel_loop3A_1608, %parallel_loop3A_1527 : vector<16xf32>
      %parallel_loop3A_1610 = arith.index_cast %parallel_loop3A_1524 : i32 to index
      %parallel_loop3A_1611 = arith.constant 112 : index
      %parallel_loop3A_1612 = tpu.vector_load %arg16[%parallel_loop3A_1610, %parallel_loop3A_1611] {strides = array<i32>} : memref<128x128xf32, #tpu.memory_space<vmem>>, vector<1x16xf32>,
      %parallel_loop3A_1613 = vector.shape_cast %parallel_loop3A_1612 : vector<1x16xf32> to vector<16xf32>
      %parallel_loop3A_1614 = arith.mulf %parallel_loop3A_1609, %parallel_loop3A_1613 : vector<16xf32>
      %parallel_loop3A_1615 = arith.addf %parallel_loop3A_1604, %parallel_loop3A_1614 : vector<16xf32>
      %parallel_loop3A_1616 = arith.constant 0 : i32
      %parallel_loop3A_1617 = vector.broadcast %parallel_loop3A_1616 : i32 to vector<16xi32>
      %parallel_loop3A_1618 = arith.cmpi slt, %and3A_26, %parallel_loop3A_1617 : vector<16xi32>
      %parallel_loop3A_1619 = arith.constant 16 : i32
      %parallel_loop3A_1620 = vector.broadcast %parallel_loop3A_1619 : i32 to vector<16xi32>
      %parallel_loop3A_1621 = arith.addi %and3A_26, %parallel_loop3A_1620 : vector<16xi32>
      %parallel_loop3A_1622 = arith.select %parallel_loop3A_1618, %parallel_loop3A_1621, %and3A_26 : vector<16xi1>, vector<16xi32>
      %parallel_loop3A_1623 = vector.shape_cast %parallel_loop3A_1622 : vector<16xi32> to vector<16x1xi32>
      %parallel_loop3A_1624 = vector.shape_cast %parallel_loop3A_1623 : vector<16x1xi32> to vector<16xi32>
      %parallel_loop3A_1625 = tpu.dynamic_gather %parallel_loop3A_1615[%parallel_loop3A_1624] in [0] : vector<16xf32>, vector<16xi32> -> vector<16xf32>
      %parallel_loop3A_1626 = arith.addf %parallel_loop3A_1615, %parallel_loop3A_1625 : vector<16xf32>
      %parallel_loop3A_1627 = vector.extract_strided_slice %parallel_loop3A_1626 {offsets = [0], sizes = [1], strides = [1]} : vector<16xf32> to vector<1xf32>
      %parallel_loop3A_1628 = vector.extract %parallel_loop3A_1627[0] : f32 from vector<1xf32>
      %parallel_loop3A_1629 = vector.extract_strided_slice %parallel_loop3A_1626 {offsets = [1], sizes = [1], strides = [1]} : vector<16xf32> to vector<1xf32>
      %parallel_loop3A_1630 = vector.extract %parallel_loop3A_1629[0] : f32 from vector<1xf32>
      %parallel_loop3A_1631 = arith.addf %parallel_loop3A_1628, %parallel_loop3A_1630 : f32
      %parallel_loop3A_1632 = vector.extract_strided_slice %parallel_loop3A_1626 {offsets = [2], sizes = [1], strides = [1]} : vector<16xf32> to vector<1xf32>
      %parallel_loop3A_1633 = vector.extract %parallel_loop3A_1632[0] : f32 from vector<1xf32>
      %parallel_loop3A_1634 = vector.extract_strided_slice %parallel_loop3A_1626 {offsets = [3], sizes = [1], strides = [1]} : vector<16xf32> to vector<1xf32>
      %parallel_loop3A_1635 = vector.extract %parallel_loop3A_1634[0] : f32 from vector<1xf32>
      %parallel_loop3A_1636 = arith.addf %parallel_loop3A_1633, %parallel_loop3A_1635 : f32
      %parallel_loop3A_1637 = vector.extract_strided_slice %parallel_loop3A_1626 {offsets = [4], sizes = [1], strides = [1]} : vector<16xf32> to vector<1xf32>
      %parallel_loop3A_1638 = vector.extract %parallel_loop3A_1637[0] : f32 from vector<1xf32>
      %parallel_loop3A_1639 = vector.extract_strided_slice %parallel_loop3A_1626 {offsets = [5], sizes = [1], strides = [1]} : vector<16xf32> to vector<1xf32>
      %parallel_loop3A_1640 = vector.extract %parallel_loop3A_1639[0] : f32 from vector<1xf32>
      %parallel_loop3A_1641 = arith.addf %parallel_loop3A_1638, %parallel_loop3A_1640 : f32
      %parallel_loop3A_1642 = vector.extract_strided_slice %parallel_loop3A_1626 {offsets = [6], sizes = [1], strides = [1]} : vector<16xf32> to vector<1xf32>
      %parallel_loop3A_1643 = vector.extract %parallel_loop3A_1642[0] : f32 from vector<1xf32>
      %parallel_loop3A_1644 = vector.extract_strided_slice %parallel_loop3A_1626 {offsets = [7], sizes = [1], strides = [1]} : vector<16xf32> to vector<1xf32>
      %parallel_loop3A_1645 = vector.extract %parallel_loop3A_1644[0] : f32 from vector<1xf32>
      %parallel_loop3A_1646 = arith.addf %parallel_loop3A_1643, %parallel_loop3A_1645 : f32
      %parallel_loop3A_1647 = arith.addf %parallel_loop3A_1631, %parallel_loop3A_1636 : f32
      %parallel_loop3A_1648 = arith.addf %parallel_loop3A_1641, %parallel_loop3A_1646 : f32
      %parallel_loop3A_1649 = arith.addf %parallel_loop3A_1647, %parallel_loop3A_1648 : f32
      %parallel_loop3A_1650 = arith.constant 11 : i32
      %parallel_loop3A_1651 = vector.broadcast %parallel_loop3A_1650 : i32 to vector<16xi32>
      %parallel_loop3A_1652 = arith.cmpi eq, %iota3A, %parallel_loop3A_1651 : vector<16xi32>
      %parallel_loop3A_1653 = vector.broadcast %parallel_loop3A_1649 : f32 to vector<16xf32>
      %parallel_loop3A_1654 = arith.select %parallel_loop3A_1652, %parallel_loop3A_1653, %parallel_loop3A_1520 : vector<16xi1>, vector<16xf32>
      %parallel_loop3A_1655 = arith.constant 16 : i32
      %parallel_loop3A_1656 = arith.muli %parallel_loop3A_41, %parallel_loop3A_1655 : i32
      %parallel_loop3A_1657 = arith.constant 12 : i32
      %parallel_loop3A_1658 = arith.addi %parallel_loop3A_1656, %parallel_loop3A_1657 : i32
      %parallel_loop3A_1659 = vector.extract_strided_slice %parallel_loop3A_46 {offsets = [12], sizes = [1], strides = [1]} : vector<16xf32> to vector<1xf32>
      %parallel_loop3A_1660 = vector.extract %parallel_loop3A_1659[0] : f32 from vector<1xf32>
      %parallel_loop3A_1661 = vector.broadcast %parallel_loop3A_1660 : f32 to vector<16xf32>
      %parallel_loop3A_1662 = arith.index_cast %parallel_loop3A_1658 : i32 to index
      %parallel_loop3A_1663 = arith.constant 0 : index
      %parallel_loop3A_1664 = tpu.vector_load %arg15[%parallel_loop3A_1662, %parallel_loop3A_1663] {strides = array<i32>} : memref<128x128xf32, #tpu.memory_space<vmem>>, vector<1x16xf32>,
      %parallel_loop3A_1665 = vector.shape_cast %parallel_loop3A_1664 : vector<1x16xf32> to vector<16xf32>
      %parallel_loop3A_1666 = arith.addf %parallel_loop3A_1665, %parallel_loop3A_1661 : vector<16xf32>
      %parallel_loop3A_1667 = arith.index_cast %parallel_loop3A_1658 : i32 to index
      %parallel_loop3A_1668 = arith.constant 0 : index
      %parallel_loop3A_1669 = tpu.vector_load %arg16[%parallel_loop3A_1667, %parallel_loop3A_1668] {strides = array<i32>} : memref<128x128xf32, #tpu.memory_space<vmem>>, vector<1x16xf32>,
      %parallel_loop3A_1670 = vector.shape_cast %parallel_loop3A_1669 : vector<1x16xf32> to vector<16xf32>
      %parallel_loop3A_1671 = arith.mulf %parallel_loop3A_1666, %parallel_loop3A_1670 : vector<16xf32>
      %parallel_loop3A_1672 = arith.addf %broadcast_in_dim3A_21, %parallel_loop3A_1671 : vector<16xf32>
      %parallel_loop3A_1673 = arith.index_cast %parallel_loop3A_1658 : i32 to index
      %parallel_loop3A_1674 = arith.constant 16 : index
      %parallel_loop3A_1675 = tpu.vector_load %arg15[%parallel_loop3A_1673, %parallel_loop3A_1674] {strides = array<i32>} : memref<128x128xf32, #tpu.memory_space<vmem>>, vector<1x16xf32>,
      %parallel_loop3A_1676 = vector.shape_cast %parallel_loop3A_1675 : vector<1x16xf32> to vector<16xf32>
      %parallel_loop3A_1677 = arith.addf %parallel_loop3A_1676, %parallel_loop3A_1661 : vector<16xf32>
      %parallel_loop3A_1678 = arith.index_cast %parallel_loop3A_1658 : i32 to index
      %parallel_loop3A_1679 = arith.constant 16 : index
      %parallel_loop3A_1680 = tpu.vector_load %arg16[%parallel_loop3A_1678, %parallel_loop3A_1679] {strides = array<i32>} : memref<128x128xf32, #tpu.memory_space<vmem>>, vector<1x16xf32>,
      %parallel_loop3A_1681 = vector.shape_cast %parallel_loop3A_1680 : vector<1x16xf32> to vector<16xf32>
      %parallel_loop3A_1682 = arith.mulf %parallel_loop3A_1677, %parallel_loop3A_1681 : vector<16xf32>
      %parallel_loop3A_1683 = arith.addf %parallel_loop3A_1672, %parallel_loop3A_1682 : vector<16xf32>
      %parallel_loop3A_1684 = arith.index_cast %parallel_loop3A_1658 : i32 to index
      %parallel_loop3A_1685 = arith.constant 32 : index
      %parallel_loop3A_1686 = tpu.vector_load %arg15[%parallel_loop3A_1684, %parallel_loop3A_1685] {strides = array<i32>} : memref<128x128xf32, #tpu.memory_space<vmem>>, vector<1x16xf32>,
      %parallel_loop3A_1687 = vector.shape_cast %parallel_loop3A_1686 : vector<1x16xf32> to vector<16xf32>
      %parallel_loop3A_1688 = arith.addf %parallel_loop3A_1687, %parallel_loop3A_1661 : vector<16xf32>
      %parallel_loop3A_1689 = arith.index_cast %parallel_loop3A_1658 : i32 to index
      %parallel_loop3A_1690 = arith.constant 32 : index
      %parallel_loop3A_1691 = tpu.vector_load %arg16[%parallel_loop3A_1689, %parallel_loop3A_1690] {strides = array<i32>} : memref<128x128xf32, #tpu.memory_space<vmem>>, vector<1x16xf32>,
      %parallel_loop3A_1692 = vector.shape_cast %parallel_loop3A_1691 : vector<1x16xf32> to vector<16xf32>
      %parallel_loop3A_1693 = arith.mulf %parallel_loop3A_1688, %parallel_loop3A_1692 : vector<16xf32>
      %parallel_loop3A_1694 = arith.addf %parallel_loop3A_1683, %parallel_loop3A_1693 : vector<16xf32>
      %parallel_loop3A_1695 = arith.index_cast %parallel_loop3A_1658 : i32 to index
      %parallel_loop3A_1696 = arith.constant 48 : index
      %parallel_loop3A_1697 = tpu.vector_load %arg15[%parallel_loop3A_1695, %parallel_loop3A_1696] {strides = array<i32>} : memref<128x128xf32, #tpu.memory_space<vmem>>, vector<1x16xf32>,
      %parallel_loop3A_1698 = vector.shape_cast %parallel_loop3A_1697 : vector<1x16xf32> to vector<16xf32>
      %parallel_loop3A_1699 = arith.addf %parallel_loop3A_1698, %parallel_loop3A_1661 : vector<16xf32>
      %parallel_loop3A_1700 = arith.index_cast %parallel_loop3A_1658 : i32 to index
      %parallel_loop3A_1701 = arith.constant 48 : index
      %parallel_loop3A_1702 = tpu.vector_load %arg16[%parallel_loop3A_1700, %parallel_loop3A_1701] {strides = array<i32>} : memref<128x128xf32, #tpu.memory_space<vmem>>, vector<1x16xf32>,
      %parallel_loop3A_1703 = vector.shape_cast %parallel_loop3A_1702 : vector<1x16xf32> to vector<16xf32>
      %parallel_loop3A_1704 = arith.mulf %parallel_loop3A_1699, %parallel_loop3A_1703 : vector<16xf32>
      %parallel_loop3A_1705 = arith.addf %parallel_loop3A_1694, %parallel_loop3A_1704 : vector<16xf32>
      %parallel_loop3A_1706 = arith.index_cast %parallel_loop3A_1658 : i32 to index
      %parallel_loop3A_1707 = arith.constant 64 : index
      %parallel_loop3A_1708 = tpu.vector_load %arg15[%parallel_loop3A_1706, %parallel_loop3A_1707] {strides = array<i32>} : memref<128x128xf32, #tpu.memory_space<vmem>>, vector<1x16xf32>,
      %parallel_loop3A_1709 = vector.shape_cast %parallel_loop3A_1708 : vector<1x16xf32> to vector<16xf32>
      %parallel_loop3A_1710 = arith.addf %parallel_loop3A_1709, %parallel_loop3A_1661 : vector<16xf32>
      %parallel_loop3A_1711 = arith.index_cast %parallel_loop3A_1658 : i32 to index
      %parallel_loop3A_1712 = arith.constant 64 : index
      %parallel_loop3A_1713 = tpu.vector_load %arg16[%parallel_loop3A_1711, %parallel_loop3A_1712] {strides = array<i32>} : memref<128x128xf32, #tpu.memory_space<vmem>>, vector<1x16xf32>,
      %parallel_loop3A_1714 = vector.shape_cast %parallel_loop3A_1713 : vector<1x16xf32> to vector<16xf32>
      %parallel_loop3A_1715 = arith.mulf %parallel_loop3A_1710, %parallel_loop3A_1714 : vector<16xf32>
      %parallel_loop3A_1716 = arith.addf %parallel_loop3A_1705, %parallel_loop3A_1715 : vector<16xf32>
      %parallel_loop3A_1717 = arith.index_cast %parallel_loop3A_1658 : i32 to index
      %parallel_loop3A_1718 = arith.constant 80 : index
      %parallel_loop3A_1719 = tpu.vector_load %arg15[%parallel_loop3A_1717, %parallel_loop3A_1718] {strides = array<i32>} : memref<128x128xf32, #tpu.memory_space<vmem>>, vector<1x16xf32>,
      %parallel_loop3A_1720 = vector.shape_cast %parallel_loop3A_1719 : vector<1x16xf32> to vector<16xf32>
      %parallel_loop3A_1721 = arith.addf %parallel_loop3A_1720, %parallel_loop3A_1661 : vector<16xf32>
      %parallel_loop3A_1722 = arith.index_cast %parallel_loop3A_1658 : i32 to index
      %parallel_loop3A_1723 = arith.constant 80 : index
      %parallel_loop3A_1724 = tpu.vector_load %arg16[%parallel_loop3A_1722, %parallel_loop3A_1723] {strides = array<i32>} : memref<128x128xf32, #tpu.memory_space<vmem>>, vector<1x16xf32>,
      %parallel_loop3A_1725 = vector.shape_cast %parallel_loop3A_1724 : vector<1x16xf32> to vector<16xf32>
      %parallel_loop3A_1726 = arith.mulf %parallel_loop3A_1721, %parallel_loop3A_1725 : vector<16xf32>
      %parallel_loop3A_1727 = arith.addf %parallel_loop3A_1716, %parallel_loop3A_1726 : vector<16xf32>
      %parallel_loop3A_1728 = arith.index_cast %parallel_loop3A_1658 : i32 to index
      %parallel_loop3A_1729 = arith.constant 96 : index
      %parallel_loop3A_1730 = tpu.vector_load %arg15[%parallel_loop3A_1728, %parallel_loop3A_1729] {strides = array<i32>} : memref<128x128xf32, #tpu.memory_space<vmem>>, vector<1x16xf32>,
      %parallel_loop3A_1731 = vector.shape_cast %parallel_loop3A_1730 : vector<1x16xf32> to vector<16xf32>
      %parallel_loop3A_1732 = arith.addf %parallel_loop3A_1731, %parallel_loop3A_1661 : vector<16xf32>
      %parallel_loop3A_1733 = arith.index_cast %parallel_loop3A_1658 : i32 to index
      %parallel_loop3A_1734 = arith.constant 96 : index
      %parallel_loop3A_1735 = tpu.vector_load %arg16[%parallel_loop3A_1733, %parallel_loop3A_1734] {strides = array<i32>} : memref<128x128xf32, #tpu.memory_space<vmem>>, vector<1x16xf32>,
      %parallel_loop3A_1736 = vector.shape_cast %parallel_loop3A_1735 : vector<1x16xf32> to vector<16xf32>
      %parallel_loop3A_1737 = arith.mulf %parallel_loop3A_1732, %parallel_loop3A_1736 : vector<16xf32>
      %parallel_loop3A_1738 = arith.addf %parallel_loop3A_1727, %parallel_loop3A_1737 : vector<16xf32>
      %parallel_loop3A_1739 = arith.index_cast %parallel_loop3A_1658 : i32 to index
      %parallel_loop3A_1740 = arith.constant 112 : index
      %parallel_loop3A_1741 = tpu.vector_load %arg15[%parallel_loop3A_1739, %parallel_loop3A_1740] {strides = array<i32>} : memref<128x128xf32, #tpu.memory_space<vmem>>, vector<1x16xf32>,
      %parallel_loop3A_1742 = vector.shape_cast %parallel_loop3A_1741 : vector<1x16xf32> to vector<16xf32>
      %parallel_loop3A_1743 = arith.addf %parallel_loop3A_1742, %parallel_loop3A_1661 : vector<16xf32>
      %parallel_loop3A_1744 = arith.index_cast %parallel_loop3A_1658 : i32 to index
      %parallel_loop3A_1745 = arith.constant 112 : index
      %parallel_loop3A_1746 = tpu.vector_load %arg16[%parallel_loop3A_1744, %parallel_loop3A_1745] {strides = array<i32>} : memref<128x128xf32, #tpu.memory_space<vmem>>, vector<1x16xf32>,
      %parallel_loop3A_1747 = vector.shape_cast %parallel_loop3A_1746 : vector<1x16xf32> to vector<16xf32>
      %parallel_loop3A_1748 = arith.mulf %parallel_loop3A_1743, %parallel_loop3A_1747 : vector<16xf32>
      %parallel_loop3A_1749 = arith.addf %parallel_loop3A_1738, %parallel_loop3A_1748 : vector<16xf32>
      %parallel_loop3A_1750 = arith.constant 0 : i32
      %parallel_loop3A_1751 = vector.broadcast %parallel_loop3A_1750 : i32 to vector<16xi32>
      %parallel_loop3A_1752 = arith.cmpi slt, %and3A_26, %parallel_loop3A_1751 : vector<16xi32>
      %parallel_loop3A_1753 = arith.constant 16 : i32
      %parallel_loop3A_1754 = vector.broadcast %parallel_loop3A_1753 : i32 to vector<16xi32>
      %parallel_loop3A_1755 = arith.addi %and3A_26, %parallel_loop3A_1754 : vector<16xi32>
      %parallel_loop3A_1756 = arith.select %parallel_loop3A_1752, %parallel_loop3A_1755, %and3A_26 : vector<16xi1>, vector<16xi32>
      %parallel_loop3A_1757 = vector.shape_cast %parallel_loop3A_1756 : vector<16xi32> to vector<16x1xi32>
      %parallel_loop3A_1758 = vector.shape_cast %parallel_loop3A_1757 : vector<16x1xi32> to vector<16xi32>
      %parallel_loop3A_1759 = tpu.dynamic_gather %parallel_loop3A_1749[%parallel_loop3A_1758] in [0] : vector<16xf32>, vector<16xi32> -> vector<16xf32>
      %parallel_loop3A_1760 = arith.addf %parallel_loop3A_1749, %parallel_loop3A_1759 : vector<16xf32>
      %parallel_loop3A_1761 = vector.extract_strided_slice %parallel_loop3A_1760 {offsets = [0], sizes = [1], strides = [1]} : vector<16xf32> to vector<1xf32>
      %parallel_loop3A_1762 = vector.extract %parallel_loop3A_1761[0] : f32 from vector<1xf32>
      %parallel_loop3A_1763 = vector.extract_strided_slice %parallel_loop3A_1760 {offsets = [1], sizes = [1], strides = [1]} : vector<16xf32> to vector<1xf32>
      %parallel_loop3A_1764 = vector.extract %parallel_loop3A_1763[0] : f32 from vector<1xf32>
      %parallel_loop3A_1765 = arith.addf %parallel_loop3A_1762, %parallel_loop3A_1764 : f32
      %parallel_loop3A_1766 = vector.extract_strided_slice %parallel_loop3A_1760 {offsets = [2], sizes = [1], strides = [1]} : vector<16xf32> to vector<1xf32>
      %parallel_loop3A_1767 = vector.extract %parallel_loop3A_1766[0] : f32 from vector<1xf32>
      %parallel_loop3A_1768 = vector.extract_strided_slice %parallel_loop3A_1760 {offsets = [3], sizes = [1], strides = [1]} : vector<16xf32> to vector<1xf32>
      %parallel_loop3A_1769 = vector.extract %parallel_loop3A_1768[0] : f32 from vector<1xf32>
      %parallel_loop3A_1770 = arith.addf %parallel_loop3A_1767, %parallel_loop3A_1769 : f32
      %parallel_loop3A_1771 = vector.extract_strided_slice %parallel_loop3A_1760 {offsets = [4], sizes = [1], strides = [1]} : vector<16xf32> to vector<1xf32>
      %parallel_loop3A_1772 = vector.extract %parallel_loop3A_1771[0] : f32 from vector<1xf32>
      %parallel_loop3A_1773 = vector.extract_strided_slice %parallel_loop3A_1760 {offsets = [5], sizes = [1], strides = [1]} : vector<16xf32> to vector<1xf32>
      %parallel_loop3A_1774 = vector.extract %parallel_loop3A_1773[0] : f32 from vector<1xf32>
      %parallel_loop3A_1775 = arith.addf %parallel_loop3A_1772, %parallel_loop3A_1774 : f32
      %parallel_loop3A_1776 = vector.extract_strided_slice %parallel_loop3A_1760 {offsets = [6], sizes = [1], strides = [1]} : vector<16xf32> to vector<1xf32>
      %parallel_loop3A_1777 = vector.extract %parallel_loop3A_1776[0] : f32 from vector<1xf32>
      %parallel_loop3A_1778 = vector.extract_strided_slice %parallel_loop3A_1760 {offsets = [7], sizes = [1], strides = [1]} : vector<16xf32> to vector<1xf32>
      %parallel_loop3A_1779 = vector.extract %parallel_loop3A_1778[0] : f32 from vector<1xf32>
      %parallel_loop3A_1780 = arith.addf %parallel_loop3A_1777, %parallel_loop3A_1779 : f32
      %parallel_loop3A_1781 = arith.addf %parallel_loop3A_1765, %parallel_loop3A_1770 : f32
      %parallel_loop3A_1782 = arith.addf %parallel_loop3A_1775, %parallel_loop3A_1780 : f32
      %parallel_loop3A_1783 = arith.addf %parallel_loop3A_1781, %parallel_loop3A_1782 : f32
      %parallel_loop3A_1784 = arith.constant 12 : i32
      %parallel_loop3A_1785 = vector.broadcast %parallel_loop3A_1784 : i32 to vector<16xi32>
      %parallel_loop3A_1786 = arith.cmpi eq, %iota3A, %parallel_loop3A_1785 : vector<16xi32>
      %parallel_loop3A_1787 = vector.broadcast %parallel_loop3A_1783 : f32 to vector<16xf32>
      %parallel_loop3A_1788 = arith.select %parallel_loop3A_1786, %parallel_loop3A_1787, %parallel_loop3A_1654 : vector<16xi1>, vector<16xf32>
      %parallel_loop3A_1789 = arith.constant 16 : i32
      %parallel_loop3A_1790 = arith.muli %parallel_loop3A_41, %parallel_loop3A_1789 : i32
      %parallel_loop3A_1791 = arith.constant 13 : i32
      %parallel_loop3A_1792 = arith.addi %parallel_loop3A_1790, %parallel_loop3A_1791 : i32
      %parallel_loop3A_1793 = vector.extract_strided_slice %parallel_loop3A_46 {offsets = [13], sizes = [1], strides = [1]} : vector<16xf32> to vector<1xf32>
      %parallel_loop3A_1794 = vector.extract %parallel_loop3A_1793[0] : f32 from vector<1xf32>
      %parallel_loop3A_1795 = vector.broadcast %parallel_loop3A_1794 : f32 to vector<16xf32>
      %parallel_loop3A_1796 = arith.index_cast %parallel_loop3A_1792 : i32 to index
      %parallel_loop3A_1797 = arith.constant 0 : index
      %parallel_loop3A_1798 = tpu.vector_load %arg15[%parallel_loop3A_1796, %parallel_loop3A_1797] {strides = array<i32>} : memref<128x128xf32, #tpu.memory_space<vmem>>, vector<1x16xf32>,
      %parallel_loop3A_1799 = vector.shape_cast %parallel_loop3A_1798 : vector<1x16xf32> to vector<16xf32>
      %parallel_loop3A_1800 = arith.addf %parallel_loop3A_1799, %parallel_loop3A_1795 : vector<16xf32>
      %parallel_loop3A_1801 = arith.index_cast %parallel_loop3A_1792 : i32 to index
      %parallel_loop3A_1802 = arith.constant 0 : index
      %parallel_loop3A_1803 = tpu.vector_load %arg16[%parallel_loop3A_1801, %parallel_loop3A_1802] {strides = array<i32>} : memref<128x128xf32, #tpu.memory_space<vmem>>, vector<1x16xf32>,
      %parallel_loop3A_1804 = vector.shape_cast %parallel_loop3A_1803 : vector<1x16xf32> to vector<16xf32>
      %parallel_loop3A_1805 = arith.mulf %parallel_loop3A_1800, %parallel_loop3A_1804 : vector<16xf32>
      %parallel_loop3A_1806 = arith.addf %broadcast_in_dim3A_21, %parallel_loop3A_1805 : vector<16xf32>
      %parallel_loop3A_1807 = arith.index_cast %parallel_loop3A_1792 : i32 to index
      %parallel_loop3A_1808 = arith.constant 16 : index
      %parallel_loop3A_1809 = tpu.vector_load %arg15[%parallel_loop3A_1807, %parallel_loop3A_1808] {strides = array<i32>} : memref<128x128xf32, #tpu.memory_space<vmem>>, vector<1x16xf32>,
      %parallel_loop3A_1810 = vector.shape_cast %parallel_loop3A_1809 : vector<1x16xf32> to vector<16xf32>
      %parallel_loop3A_1811 = arith.addf %parallel_loop3A_1810, %parallel_loop3A_1795 : vector<16xf32>
      %parallel_loop3A_1812 = arith.index_cast %parallel_loop3A_1792 : i32 to index
      %parallel_loop3A_1813 = arith.constant 16 : index
      %parallel_loop3A_1814 = tpu.vector_load %arg16[%parallel_loop3A_1812, %parallel_loop3A_1813] {strides = array<i32>} : memref<128x128xf32, #tpu.memory_space<vmem>>, vector<1x16xf32>,
      %parallel_loop3A_1815 = vector.shape_cast %parallel_loop3A_1814 : vector<1x16xf32> to vector<16xf32>
      %parallel_loop3A_1816 = arith.mulf %parallel_loop3A_1811, %parallel_loop3A_1815 : vector<16xf32>
      %parallel_loop3A_1817 = arith.addf %parallel_loop3A_1806, %parallel_loop3A_1816 : vector<16xf32>
      %parallel_loop3A_1818 = arith.index_cast %parallel_loop3A_1792 : i32 to index
      %parallel_loop3A_1819 = arith.constant 32 : index
      %parallel_loop3A_1820 = tpu.vector_load %arg15[%parallel_loop3A_1818, %parallel_loop3A_1819] {strides = array<i32>} : memref<128x128xf32, #tpu.memory_space<vmem>>, vector<1x16xf32>,
      %parallel_loop3A_1821 = vector.shape_cast %parallel_loop3A_1820 : vector<1x16xf32> to vector<16xf32>
      %parallel_loop3A_1822 = arith.addf %parallel_loop3A_1821, %parallel_loop3A_1795 : vector<16xf32>
      %parallel_loop3A_1823 = arith.index_cast %parallel_loop3A_1792 : i32 to index
      %parallel_loop3A_1824 = arith.constant 32 : index
      %parallel_loop3A_1825 = tpu.vector_load %arg16[%parallel_loop3A_1823, %parallel_loop3A_1824] {strides = array<i32>} : memref<128x128xf32, #tpu.memory_space<vmem>>, vector<1x16xf32>,
      %parallel_loop3A_1826 = vector.shape_cast %parallel_loop3A_1825 : vector<1x16xf32> to vector<16xf32>
      %parallel_loop3A_1827 = arith.mulf %parallel_loop3A_1822, %parallel_loop3A_1826 : vector<16xf32>
      %parallel_loop3A_1828 = arith.addf %parallel_loop3A_1817, %parallel_loop3A_1827 : vector<16xf32>
      %parallel_loop3A_1829 = arith.index_cast %parallel_loop3A_1792 : i32 to index
      %parallel_loop3A_1830 = arith.constant 48 : index
      %parallel_loop3A_1831 = tpu.vector_load %arg15[%parallel_loop3A_1829, %parallel_loop3A_1830] {strides = array<i32>} : memref<128x128xf32, #tpu.memory_space<vmem>>, vector<1x16xf32>,
      %parallel_loop3A_1832 = vector.shape_cast %parallel_loop3A_1831 : vector<1x16xf32> to vector<16xf32>
      %parallel_loop3A_1833 = arith.addf %parallel_loop3A_1832, %parallel_loop3A_1795 : vector<16xf32>
      %parallel_loop3A_1834 = arith.index_cast %parallel_loop3A_1792 : i32 to index
      %parallel_loop3A_1835 = arith.constant 48 : index
      %parallel_loop3A_1836 = tpu.vector_load %arg16[%parallel_loop3A_1834, %parallel_loop3A_1835] {strides = array<i32>} : memref<128x128xf32, #tpu.memory_space<vmem>>, vector<1x16xf32>,
      %parallel_loop3A_1837 = vector.shape_cast %parallel_loop3A_1836 : vector<1x16xf32> to vector<16xf32>
      %parallel_loop3A_1838 = arith.mulf %parallel_loop3A_1833, %parallel_loop3A_1837 : vector<16xf32>
      %parallel_loop3A_1839 = arith.addf %parallel_loop3A_1828, %parallel_loop3A_1838 : vector<16xf32>
      %parallel_loop3A_1840 = arith.index_cast %parallel_loop3A_1792 : i32 to index
      %parallel_loop3A_1841 = arith.constant 64 : index
      %parallel_loop3A_1842 = tpu.vector_load %arg15[%parallel_loop3A_1840, %parallel_loop3A_1841] {strides = array<i32>} : memref<128x128xf32, #tpu.memory_space<vmem>>, vector<1x16xf32>,
      %parallel_loop3A_1843 = vector.shape_cast %parallel_loop3A_1842 : vector<1x16xf32> to vector<16xf32>
      %parallel_loop3A_1844 = arith.addf %parallel_loop3A_1843, %parallel_loop3A_1795 : vector<16xf32>
      %parallel_loop3A_1845 = arith.index_cast %parallel_loop3A_1792 : i32 to index
      %parallel_loop3A_1846 = arith.constant 64 : index
      %parallel_loop3A_1847 = tpu.vector_load %arg16[%parallel_loop3A_1845, %parallel_loop3A_1846] {strides = array<i32>} : memref<128x128xf32, #tpu.memory_space<vmem>>, vector<1x16xf32>,
      %parallel_loop3A_1848 = vector.shape_cast %parallel_loop3A_1847 : vector<1x16xf32> to vector<16xf32>
      %parallel_loop3A_1849 = arith.mulf %parallel_loop3A_1844, %parallel_loop3A_1848 : vector<16xf32>
      %parallel_loop3A_1850 = arith.addf %parallel_loop3A_1839, %parallel_loop3A_1849 : vector<16xf32>
      %parallel_loop3A_1851 = arith.index_cast %parallel_loop3A_1792 : i32 to index
      %parallel_loop3A_1852 = arith.constant 80 : index
      %parallel_loop3A_1853 = tpu.vector_load %arg15[%parallel_loop3A_1851, %parallel_loop3A_1852] {strides = array<i32>} : memref<128x128xf32, #tpu.memory_space<vmem>>, vector<1x16xf32>,
      %parallel_loop3A_1854 = vector.shape_cast %parallel_loop3A_1853 : vector<1x16xf32> to vector<16xf32>
      %parallel_loop3A_1855 = arith.addf %parallel_loop3A_1854, %parallel_loop3A_1795 : vector<16xf32>
      %parallel_loop3A_1856 = arith.index_cast %parallel_loop3A_1792 : i32 to index
      %parallel_loop3A_1857 = arith.constant 80 : index
      %parallel_loop3A_1858 = tpu.vector_load %arg16[%parallel_loop3A_1856, %parallel_loop3A_1857] {strides = array<i32>} : memref<128x128xf32, #tpu.memory_space<vmem>>, vector<1x16xf32>,
      %parallel_loop3A_1859 = vector.shape_cast %parallel_loop3A_1858 : vector<1x16xf32> to vector<16xf32>
      %parallel_loop3A_1860 = arith.mulf %parallel_loop3A_1855, %parallel_loop3A_1859 : vector<16xf32>
      %parallel_loop3A_1861 = arith.addf %parallel_loop3A_1850, %parallel_loop3A_1860 : vector<16xf32>
      %parallel_loop3A_1862 = arith.index_cast %parallel_loop3A_1792 : i32 to index
      %parallel_loop3A_1863 = arith.constant 96 : index
      %parallel_loop3A_1864 = tpu.vector_load %arg15[%parallel_loop3A_1862, %parallel_loop3A_1863] {strides = array<i32>} : memref<128x128xf32, #tpu.memory_space<vmem>>, vector<1x16xf32>,
      %parallel_loop3A_1865 = vector.shape_cast %parallel_loop3A_1864 : vector<1x16xf32> to vector<16xf32>
      %parallel_loop3A_1866 = arith.addf %parallel_loop3A_1865, %parallel_loop3A_1795 : vector<16xf32>
      %parallel_loop3A_1867 = arith.index_cast %parallel_loop3A_1792 : i32 to index
      %parallel_loop3A_1868 = arith.constant 96 : index
      %parallel_loop3A_1869 = tpu.vector_load %arg16[%parallel_loop3A_1867, %parallel_loop3A_1868] {strides = array<i32>} : memref<128x128xf32, #tpu.memory_space<vmem>>, vector<1x16xf32>,
      %parallel_loop3A_1870 = vector.shape_cast %parallel_loop3A_1869 : vector<1x16xf32> to vector<16xf32>
      %parallel_loop3A_1871 = arith.mulf %parallel_loop3A_1866, %parallel_loop3A_1870 : vector<16xf32>
      %parallel_loop3A_1872 = arith.addf %parallel_loop3A_1861, %parallel_loop3A_1871 : vector<16xf32>
      %parallel_loop3A_1873 = arith.index_cast %parallel_loop3A_1792 : i32 to index
      %parallel_loop3A_1874 = arith.constant 112 : index
      %parallel_loop3A_1875 = tpu.vector_load %arg15[%parallel_loop3A_1873, %parallel_loop3A_1874] {strides = array<i32>} : memref<128x128xf32, #tpu.memory_space<vmem>>, vector<1x16xf32>,
      %parallel_loop3A_1876 = vector.shape_cast %parallel_loop3A_1875 : vector<1x16xf32> to vector<16xf32>
      %parallel_loop3A_1877 = arith.addf %parallel_loop3A_1876, %parallel_loop3A_1795 : vector<16xf32>
      %parallel_loop3A_1878 = arith.index_cast %parallel_loop3A_1792 : i32 to index
      %parallel_loop3A_1879 = arith.constant 112 : index
      %parallel_loop3A_1880 = tpu.vector_load %arg16[%parallel_loop3A_1878, %parallel_loop3A_1879] {strides = array<i32>} : memref<128x128xf32, #tpu.memory_space<vmem>>, vector<1x16xf32>,
      %parallel_loop3A_1881 = vector.shape_cast %parallel_loop3A_1880 : vector<1x16xf32> to vector<16xf32>
      %parallel_loop3A_1882 = arith.mulf %parallel_loop3A_1877, %parallel_loop3A_1881 : vector<16xf32>
      %parallel_loop3A_1883 = arith.addf %parallel_loop3A_1872, %parallel_loop3A_1882 : vector<16xf32>
      %parallel_loop3A_1884 = arith.constant 0 : i32
      %parallel_loop3A_1885 = vector.broadcast %parallel_loop3A_1884 : i32 to vector<16xi32>
      %parallel_loop3A_1886 = arith.cmpi slt, %and3A_26, %parallel_loop3A_1885 : vector<16xi32>
      %parallel_loop3A_1887 = arith.constant 16 : i32
      %parallel_loop3A_1888 = vector.broadcast %parallel_loop3A_1887 : i32 to vector<16xi32>
      %parallel_loop3A_1889 = arith.addi %and3A_26, %parallel_loop3A_1888 : vector<16xi32>
      %parallel_loop3A_1890 = arith.select %parallel_loop3A_1886, %parallel_loop3A_1889, %and3A_26 : vector<16xi1>, vector<16xi32>
      %parallel_loop3A_1891 = vector.shape_cast %parallel_loop3A_1890 : vector<16xi32> to vector<16x1xi32>
      %parallel_loop3A_1892 = vector.shape_cast %parallel_loop3A_1891 : vector<16x1xi32> to vector<16xi32>
      %parallel_loop3A_1893 = tpu.dynamic_gather %parallel_loop3A_1883[%parallel_loop3A_1892] in [0] : vector<16xf32>, vector<16xi32> -> vector<16xf32>
      %parallel_loop3A_1894 = arith.addf %parallel_loop3A_1883, %parallel_loop3A_1893 : vector<16xf32>
      %parallel_loop3A_1895 = vector.extract_strided_slice %parallel_loop3A_1894 {offsets = [0], sizes = [1], strides = [1]} : vector<16xf32> to vector<1xf32>
      %parallel_loop3A_1896 = vector.extract %parallel_loop3A_1895[0] : f32 from vector<1xf32>
      %parallel_loop3A_1897 = vector.extract_strided_slice %parallel_loop3A_1894 {offsets = [1], sizes = [1], strides = [1]} : vector<16xf32> to vector<1xf32>
      %parallel_loop3A_1898 = vector.extract %parallel_loop3A_1897[0] : f32 from vector<1xf32>
      %parallel_loop3A_1899 = arith.addf %parallel_loop3A_1896, %parallel_loop3A_1898 : f32
      %parallel_loop3A_1900 = vector.extract_strided_slice %parallel_loop3A_1894 {offsets = [2], sizes = [1], strides = [1]} : vector<16xf32> to vector<1xf32>
      %parallel_loop3A_1901 = vector.extract %parallel_loop3A_1900[0] : f32 from vector<1xf32>
      %parallel_loop3A_1902 = vector.extract_strided_slice %parallel_loop3A_1894 {offsets = [3], sizes = [1], strides = [1]} : vector<16xf32> to vector<1xf32>
      %parallel_loop3A_1903 = vector.extract %parallel_loop3A_1902[0] : f32 from vector<1xf32>
      %parallel_loop3A_1904 = arith.addf %parallel_loop3A_1901, %parallel_loop3A_1903 : f32
      %parallel_loop3A_1905 = vector.extract_strided_slice %parallel_loop3A_1894 {offsets = [4], sizes = [1], strides = [1]} : vector<16xf32> to vector<1xf32>
      %parallel_loop3A_1906 = vector.extract %parallel_loop3A_1905[0] : f32 from vector<1xf32>
      %parallel_loop3A_1907 = vector.extract_strided_slice %parallel_loop3A_1894 {offsets = [5], sizes = [1], strides = [1]} : vector<16xf32> to vector<1xf32>
      %parallel_loop3A_1908 = vector.extract %parallel_loop3A_1907[0] : f32 from vector<1xf32>
      %parallel_loop3A_1909 = arith.addf %parallel_loop3A_1906, %parallel_loop3A_1908 : f32
      %parallel_loop3A_1910 = vector.extract_strided_slice %parallel_loop3A_1894 {offsets = [6], sizes = [1], strides = [1]} : vector<16xf32> to vector<1xf32>
      %parallel_loop3A_1911 = vector.extract %parallel_loop3A_1910[0] : f32 from vector<1xf32>
      %parallel_loop3A_1912 = vector.extract_strided_slice %parallel_loop3A_1894 {offsets = [7], sizes = [1], strides = [1]} : vector<16xf32> to vector<1xf32>
      %parallel_loop3A_1913 = vector.extract %parallel_loop3A_1912[0] : f32 from vector<1xf32>
      %parallel_loop3A_1914 = arith.addf %parallel_loop3A_1911, %parallel_loop3A_1913 : f32
      %parallel_loop3A_1915 = arith.addf %parallel_loop3A_1899, %parallel_loop3A_1904 : f32
      %parallel_loop3A_1916 = arith.addf %parallel_loop3A_1909, %parallel_loop3A_1914 : f32
      %parallel_loop3A_1917 = arith.addf %parallel_loop3A_1915, %parallel_loop3A_1916 : f32
      %parallel_loop3A_1918 = arith.constant 13 : i32
      %parallel_loop3A_1919 = vector.broadcast %parallel_loop3A_1918 : i32 to vector<16xi32>
      %parallel_loop3A_1920 = arith.cmpi eq, %iota3A, %parallel_loop3A_1919 : vector<16xi32>
      %parallel_loop3A_1921 = vector.broadcast %parallel_loop3A_1917 : f32 to vector<16xf32>
      %parallel_loop3A_1922 = arith.select %parallel_loop3A_1920, %parallel_loop3A_1921, %parallel_loop3A_1788 : vector<16xi1>, vector<16xf32>
      %parallel_loop3A_1923 = arith.constant 16 : i32
      %parallel_loop3A_1924 = arith.muli %parallel_loop3A_41, %parallel_loop3A_1923 : i32
      %parallel_loop3A_1925 = arith.constant 14 : i32
      %parallel_loop3A_1926 = arith.addi %parallel_loop3A_1924, %parallel_loop3A_1925 : i32
      %parallel_loop3A_1927 = vector.extract_strided_slice %parallel_loop3A_46 {offsets = [14], sizes = [1], strides = [1]} : vector<16xf32> to vector<1xf32>
      %parallel_loop3A_1928 = vector.extract %parallel_loop3A_1927[0] : f32 from vector<1xf32>
      %parallel_loop3A_1929 = vector.broadcast %parallel_loop3A_1928 : f32 to vector<16xf32>
      %parallel_loop3A_1930 = arith.index_cast %parallel_loop3A_1926 : i32 to index
      %parallel_loop3A_1931 = arith.constant 0 : index
      %parallel_loop3A_1932 = tpu.vector_load %arg15[%parallel_loop3A_1930, %parallel_loop3A_1931] {strides = array<i32>} : memref<128x128xf32, #tpu.memory_space<vmem>>, vector<1x16xf32>,
      %parallel_loop3A_1933 = vector.shape_cast %parallel_loop3A_1932 : vector<1x16xf32> to vector<16xf32>
      %parallel_loop3A_1934 = arith.addf %parallel_loop3A_1933, %parallel_loop3A_1929 : vector<16xf32>
      %parallel_loop3A_1935 = arith.index_cast %parallel_loop3A_1926 : i32 to index
      %parallel_loop3A_1936 = arith.constant 0 : index
      %parallel_loop3A_1937 = tpu.vector_load %arg16[%parallel_loop3A_1935, %parallel_loop3A_1936] {strides = array<i32>} : memref<128x128xf32, #tpu.memory_space<vmem>>, vector<1x16xf32>,
      %parallel_loop3A_1938 = vector.shape_cast %parallel_loop3A_1937 : vector<1x16xf32> to vector<16xf32>
      %parallel_loop3A_1939 = arith.mulf %parallel_loop3A_1934, %parallel_loop3A_1938 : vector<16xf32>
      %parallel_loop3A_1940 = arith.addf %broadcast_in_dim3A_21, %parallel_loop3A_1939 : vector<16xf32>
      %parallel_loop3A_1941 = arith.index_cast %parallel_loop3A_1926 : i32 to index
      %parallel_loop3A_1942 = arith.constant 16 : index
      %parallel_loop3A_1943 = tpu.vector_load %arg15[%parallel_loop3A_1941, %parallel_loop3A_1942] {strides = array<i32>} : memref<128x128xf32, #tpu.memory_space<vmem>>, vector<1x16xf32>,
      %parallel_loop3A_1944 = vector.shape_cast %parallel_loop3A_1943 : vector<1x16xf32> to vector<16xf32>
      %parallel_loop3A_1945 = arith.addf %parallel_loop3A_1944, %parallel_loop3A_1929 : vector<16xf32>
      %parallel_loop3A_1946 = arith.index_cast %parallel_loop3A_1926 : i32 to index
      %parallel_loop3A_1947 = arith.constant 16 : index
      %parallel_loop3A_1948 = tpu.vector_load %arg16[%parallel_loop3A_1946, %parallel_loop3A_1947] {strides = array<i32>} : memref<128x128xf32, #tpu.memory_space<vmem>>, vector<1x16xf32>,
      %parallel_loop3A_1949 = vector.shape_cast %parallel_loop3A_1948 : vector<1x16xf32> to vector<16xf32>
      %parallel_loop3A_1950 = arith.mulf %parallel_loop3A_1945, %parallel_loop3A_1949 : vector<16xf32>
      %parallel_loop3A_1951 = arith.addf %parallel_loop3A_1940, %parallel_loop3A_1950 : vector<16xf32>
      %parallel_loop3A_1952 = arith.index_cast %parallel_loop3A_1926 : i32 to index
      %parallel_loop3A_1953 = arith.constant 32 : index
      %parallel_loop3A_1954 = tpu.vector_load %arg15[%parallel_loop3A_1952, %parallel_loop3A_1953] {strides = array<i32>} : memref<128x128xf32, #tpu.memory_space<vmem>>, vector<1x16xf32>,
      %parallel_loop3A_1955 = vector.shape_cast %parallel_loop3A_1954 : vector<1x16xf32> to vector<16xf32>
      %parallel_loop3A_1956 = arith.addf %parallel_loop3A_1955, %parallel_loop3A_1929 : vector<16xf32>
      %parallel_loop3A_1957 = arith.index_cast %parallel_loop3A_1926 : i32 to index
      %parallel_loop3A_1958 = arith.constant 32 : index
      %parallel_loop3A_1959 = tpu.vector_load %arg16[%parallel_loop3A_1957, %parallel_loop3A_1958] {strides = array<i32>} : memref<128x128xf32, #tpu.memory_space<vmem>>, vector<1x16xf32>,
      %parallel_loop3A_1960 = vector.shape_cast %parallel_loop3A_1959 : vector<1x16xf32> to vector<16xf32>
      %parallel_loop3A_1961 = arith.mulf %parallel_loop3A_1956, %parallel_loop3A_1960 : vector<16xf32>
      %parallel_loop3A_1962 = arith.addf %parallel_loop3A_1951, %parallel_loop3A_1961 : vector<16xf32>
      %parallel_loop3A_1963 = arith.index_cast %parallel_loop3A_1926 : i32 to index
      %parallel_loop3A_1964 = arith.constant 48 : index
      %parallel_loop3A_1965 = tpu.vector_load %arg15[%parallel_loop3A_1963, %parallel_loop3A_1964] {strides = array<i32>} : memref<128x128xf32, #tpu.memory_space<vmem>>, vector<1x16xf32>,
      %parallel_loop3A_1966 = vector.shape_cast %parallel_loop3A_1965 : vector<1x16xf32> to vector<16xf32>
      %parallel_loop3A_1967 = arith.addf %parallel_loop3A_1966, %parallel_loop3A_1929 : vector<16xf32>
      %parallel_loop3A_1968 = arith.index_cast %parallel_loop3A_1926 : i32 to index
      %parallel_loop3A_1969 = arith.constant 48 : index
      %parallel_loop3A_1970 = tpu.vector_load %arg16[%parallel_loop3A_1968, %parallel_loop3A_1969] {strides = array<i32>} : memref<128x128xf32, #tpu.memory_space<vmem>>, vector<1x16xf32>,
      %parallel_loop3A_1971 = vector.shape_cast %parallel_loop3A_1970 : vector<1x16xf32> to vector<16xf32>
      %parallel_loop3A_1972 = arith.mulf %parallel_loop3A_1967, %parallel_loop3A_1971 : vector<16xf32>
      %parallel_loop3A_1973 = arith.addf %parallel_loop3A_1962, %parallel_loop3A_1972 : vector<16xf32>
      %parallel_loop3A_1974 = arith.index_cast %parallel_loop3A_1926 : i32 to index
      %parallel_loop3A_1975 = arith.constant 64 : index
      %parallel_loop3A_1976 = tpu.vector_load %arg15[%parallel_loop3A_1974, %parallel_loop3A_1975] {strides = array<i32>} : memref<128x128xf32, #tpu.memory_space<vmem>>, vector<1x16xf32>,
      %parallel_loop3A_1977 = vector.shape_cast %parallel_loop3A_1976 : vector<1x16xf32> to vector<16xf32>
      %parallel_loop3A_1978 = arith.addf %parallel_loop3A_1977, %parallel_loop3A_1929 : vector<16xf32>
      %parallel_loop3A_1979 = arith.index_cast %parallel_loop3A_1926 : i32 to index
      %parallel_loop3A_1980 = arith.constant 64 : index
      %parallel_loop3A_1981 = tpu.vector_load %arg16[%parallel_loop3A_1979, %parallel_loop3A_1980] {strides = array<i32>} : memref<128x128xf32, #tpu.memory_space<vmem>>, vector<1x16xf32>,
      %parallel_loop3A_1982 = vector.shape_cast %parallel_loop3A_1981 : vector<1x16xf32> to vector<16xf32>
      %parallel_loop3A_1983 = arith.mulf %parallel_loop3A_1978, %parallel_loop3A_1982 : vector<16xf32>
      %parallel_loop3A_1984 = arith.addf %parallel_loop3A_1973, %parallel_loop3A_1983 : vector<16xf32>
      %parallel_loop3A_1985 = arith.index_cast %parallel_loop3A_1926 : i32 to index
      %parallel_loop3A_1986 = arith.constant 80 : index
      %parallel_loop3A_1987 = tpu.vector_load %arg15[%parallel_loop3A_1985, %parallel_loop3A_1986] {strides = array<i32>} : memref<128x128xf32, #tpu.memory_space<vmem>>, vector<1x16xf32>,
      %parallel_loop3A_1988 = vector.shape_cast %parallel_loop3A_1987 : vector<1x16xf32> to vector<16xf32>
      %parallel_loop3A_1989 = arith.addf %parallel_loop3A_1988, %parallel_loop3A_1929 : vector<16xf32>
      %parallel_loop3A_1990 = arith.index_cast %parallel_loop3A_1926 : i32 to index
      %parallel_loop3A_1991 = arith.constant 80 : index
      %parallel_loop3A_1992 = tpu.vector_load %arg16[%parallel_loop3A_1990, %parallel_loop3A_1991] {strides = array<i32>} : memref<128x128xf32, #tpu.memory_space<vmem>>, vector<1x16xf32>,
      %parallel_loop3A_1993 = vector.shape_cast %parallel_loop3A_1992 : vector<1x16xf32> to vector<16xf32>
      %parallel_loop3A_1994 = arith.mulf %parallel_loop3A_1989, %parallel_loop3A_1993 : vector<16xf32>
      %parallel_loop3A_1995 = arith.addf %parallel_loop3A_1984, %parallel_loop3A_1994 : vector<16xf32>
      %parallel_loop3A_1996 = arith.index_cast %parallel_loop3A_1926 : i32 to index
      %parallel_loop3A_1997 = arith.constant 96 : index
      %parallel_loop3A_1998 = tpu.vector_load %arg15[%parallel_loop3A_1996, %parallel_loop3A_1997] {strides = array<i32>} : memref<128x128xf32, #tpu.memory_space<vmem>>, vector<1x16xf32>,
      %parallel_loop3A_1999 = vector.shape_cast %parallel_loop3A_1998 : vector<1x16xf32> to vector<16xf32>
      %parallel_loop3A_2000 = arith.addf %parallel_loop3A_1999, %parallel_loop3A_1929 : vector<16xf32>
      %parallel_loop3A_2001 = arith.index_cast %parallel_loop3A_1926 : i32 to index
      %parallel_loop3A_2002 = arith.constant 96 : index
      %parallel_loop3A_2003 = tpu.vector_load %arg16[%parallel_loop3A_2001, %parallel_loop3A_2002] {strides = array<i32>} : memref<128x128xf32, #tpu.memory_space<vmem>>, vector<1x16xf32>,
      %parallel_loop3A_2004 = vector.shape_cast %parallel_loop3A_2003 : vector<1x16xf32> to vector<16xf32>
      %parallel_loop3A_2005 = arith.mulf %parallel_loop3A_2000, %parallel_loop3A_2004 : vector<16xf32>
      %parallel_loop3A_2006 = arith.addf %parallel_loop3A_1995, %parallel_loop3A_2005 : vector<16xf32>
      %parallel_loop3A_2007 = arith.index_cast %parallel_loop3A_1926 : i32 to index
      %parallel_loop3A_2008 = arith.constant 112 : index
      %parallel_loop3A_2009 = tpu.vector_load %arg15[%parallel_loop3A_2007, %parallel_loop3A_2008] {strides = array<i32>} : memref<128x128xf32, #tpu.memory_space<vmem>>, vector<1x16xf32>,
      %parallel_loop3A_2010 = vector.shape_cast %parallel_loop3A_2009 : vector<1x16xf32> to vector<16xf32>
      %parallel_loop3A_2011 = arith.addf %parallel_loop3A_2010, %parallel_loop3A_1929 : vector<16xf32>
      %parallel_loop3A_2012 = arith.index_cast %parallel_loop3A_1926 : i32 to index
      %parallel_loop3A_2013 = arith.constant 112 : index
      %parallel_loop3A_2014 = tpu.vector_load %arg16[%parallel_loop3A_2012, %parallel_loop3A_2013] {strides = array<i32>} : memref<128x128xf32, #tpu.memory_space<vmem>>, vector<1x16xf32>,
      %parallel_loop3A_2015 = vector.shape_cast %parallel_loop3A_2014 : vector<1x16xf32> to vector<16xf32>
      %parallel_loop3A_2016 = arith.mulf %parallel_loop3A_2011, %parallel_loop3A_2015 : vector<16xf32>
      %parallel_loop3A_2017 = arith.addf %parallel_loop3A_2006, %parallel_loop3A_2016 : vector<16xf32>
      %parallel_loop3A_2018 = arith.constant 0 : i32
      %parallel_loop3A_2019 = vector.broadcast %parallel_loop3A_2018 : i32 to vector<16xi32>
      %parallel_loop3A_2020 = arith.cmpi slt, %and3A_26, %parallel_loop3A_2019 : vector<16xi32>
      %parallel_loop3A_2021 = arith.constant 16 : i32
      %parallel_loop3A_2022 = vector.broadcast %parallel_loop3A_2021 : i32 to vector<16xi32>
      %parallel_loop3A_2023 = arith.addi %and3A_26, %parallel_loop3A_2022 : vector<16xi32>
      %parallel_loop3A_2024 = arith.select %parallel_loop3A_2020, %parallel_loop3A_2023, %and3A_26 : vector<16xi1>, vector<16xi32>
      %parallel_loop3A_2025 = vector.shape_cast %parallel_loop3A_2024 : vector<16xi32> to vector<16x1xi32>
      %parallel_loop3A_2026 = vector.shape_cast %parallel_loop3A_2025 : vector<16x1xi32> to vector<16xi32>
      %parallel_loop3A_2027 = tpu.dynamic_gather %parallel_loop3A_2017[%parallel_loop3A_2026] in [0] : vector<16xf32>, vector<16xi32> -> vector<16xf32>
      %parallel_loop3A_2028 = arith.addf %parallel_loop3A_2017, %parallel_loop3A_2027 : vector<16xf32>
      %parallel_loop3A_2029 = vector.extract_strided_slice %parallel_loop3A_2028 {offsets = [0], sizes = [1], strides = [1]} : vector<16xf32> to vector<1xf32>
      %parallel_loop3A_2030 = vector.extract %parallel_loop3A_2029[0] : f32 from vector<1xf32>
      %parallel_loop3A_2031 = vector.extract_strided_slice %parallel_loop3A_2028 {offsets = [1], sizes = [1], strides = [1]} : vector<16xf32> to vector<1xf32>
      %parallel_loop3A_2032 = vector.extract %parallel_loop3A_2031[0] : f32 from vector<1xf32>
      %parallel_loop3A_2033 = arith.addf %parallel_loop3A_2030, %parallel_loop3A_2032 : f32
      %parallel_loop3A_2034 = vector.extract_strided_slice %parallel_loop3A_2028 {offsets = [2], sizes = [1], strides = [1]} : vector<16xf32> to vector<1xf32>
      %parallel_loop3A_2035 = vector.extract %parallel_loop3A_2034[0] : f32 from vector<1xf32>
      %parallel_loop3A_2036 = vector.extract_strided_slice %parallel_loop3A_2028 {offsets = [3], sizes = [1], strides = [1]} : vector<16xf32> to vector<1xf32>
      %parallel_loop3A_2037 = vector.extract %parallel_loop3A_2036[0] : f32 from vector<1xf32>
      %parallel_loop3A_2038 = arith.addf %parallel_loop3A_2035, %parallel_loop3A_2037 : f32
      %parallel_loop3A_2039 = vector.extract_strided_slice %parallel_loop3A_2028 {offsets = [4], sizes = [1], strides = [1]} : vector<16xf32> to vector<1xf32>
      %parallel_loop3A_2040 = vector.extract %parallel_loop3A_2039[0] : f32 from vector<1xf32>
      %parallel_loop3A_2041 = vector.extract_strided_slice %parallel_loop3A_2028 {offsets = [5], sizes = [1], strides = [1]} : vector<16xf32> to vector<1xf32>
      %parallel_loop3A_2042 = vector.extract %parallel_loop3A_2041[0] : f32 from vector<1xf32>
      %parallel_loop3A_2043 = arith.addf %parallel_loop3A_2040, %parallel_loop3A_2042 : f32
      %parallel_loop3A_2044 = vector.extract_strided_slice %parallel_loop3A_2028 {offsets = [6], sizes = [1], strides = [1]} : vector<16xf32> to vector<1xf32>
      %parallel_loop3A_2045 = vector.extract %parallel_loop3A_2044[0] : f32 from vector<1xf32>
      %parallel_loop3A_2046 = vector.extract_strided_slice %parallel_loop3A_2028 {offsets = [7], sizes = [1], strides = [1]} : vector<16xf32> to vector<1xf32>
      %parallel_loop3A_2047 = vector.extract %parallel_loop3A_2046[0] : f32 from vector<1xf32>
      %parallel_loop3A_2048 = arith.addf %parallel_loop3A_2045, %parallel_loop3A_2047 : f32
      %parallel_loop3A_2049 = arith.addf %parallel_loop3A_2033, %parallel_loop3A_2038 : f32
      %parallel_loop3A_2050 = arith.addf %parallel_loop3A_2043, %parallel_loop3A_2048 : f32
      %parallel_loop3A_2051 = arith.addf %parallel_loop3A_2049, %parallel_loop3A_2050 : f32
      %parallel_loop3A_2052 = arith.constant 14 : i32
      %parallel_loop3A_2053 = vector.broadcast %parallel_loop3A_2052 : i32 to vector<16xi32>
      %parallel_loop3A_2054 = arith.cmpi eq, %iota3A, %parallel_loop3A_2053 : vector<16xi32>
      %parallel_loop3A_2055 = vector.broadcast %parallel_loop3A_2051 : f32 to vector<16xf32>
      %parallel_loop3A_2056 = arith.select %parallel_loop3A_2054, %parallel_loop3A_2055, %parallel_loop3A_1922 : vector<16xi1>, vector<16xf32>
      %parallel_loop3A_2057 = arith.constant 16 : i32
      %parallel_loop3A_2058 = arith.muli %parallel_loop3A_41, %parallel_loop3A_2057 : i32
      %parallel_loop3A_2059 = arith.constant 15 : i32
      %parallel_loop3A_2060 = arith.addi %parallel_loop3A_2058, %parallel_loop3A_2059 : i32
      %parallel_loop3A_2061 = vector.extract_strided_slice %parallel_loop3A_46 {offsets = [15], sizes = [1], strides = [1]} : vector<16xf32> to vector<1xf32>
      %parallel_loop3A_2062 = vector.extract %parallel_loop3A_2061[0] : f32 from vector<1xf32>
      %parallel_loop3A_2063 = vector.broadcast %parallel_loop3A_2062 : f32 to vector<16xf32>
      %parallel_loop3A_2064 = arith.index_cast %parallel_loop3A_2060 : i32 to index
      %parallel_loop3A_2065 = arith.constant 0 : index
      %parallel_loop3A_2066 = tpu.vector_load %arg15[%parallel_loop3A_2064, %parallel_loop3A_2065] {strides = array<i32>} : memref<128x128xf32, #tpu.memory_space<vmem>>, vector<1x16xf32>,
      %parallel_loop3A_2067 = vector.shape_cast %parallel_loop3A_2066 : vector<1x16xf32> to vector<16xf32>
      %parallel_loop3A_2068 = arith.addf %parallel_loop3A_2067, %parallel_loop3A_2063 : vector<16xf32>
      %parallel_loop3A_2069 = arith.index_cast %parallel_loop3A_2060 : i32 to index
      %parallel_loop3A_2070 = arith.constant 0 : index
      %parallel_loop3A_2071 = tpu.vector_load %arg16[%parallel_loop3A_2069, %parallel_loop3A_2070] {strides = array<i32>} : memref<128x128xf32, #tpu.memory_space<vmem>>, vector<1x16xf32>,
      %parallel_loop3A_2072 = vector.shape_cast %parallel_loop3A_2071 : vector<1x16xf32> to vector<16xf32>
      %parallel_loop3A_2073 = arith.mulf %parallel_loop3A_2068, %parallel_loop3A_2072 : vector<16xf32>
      %parallel_loop3A_2074 = arith.addf %broadcast_in_dim3A_21, %parallel_loop3A_2073 : vector<16xf32>
      %parallel_loop3A_2075 = arith.index_cast %parallel_loop3A_2060 : i32 to index
      %parallel_loop3A_2076 = arith.constant 16 : index
      %parallel_loop3A_2077 = tpu.vector_load %arg15[%parallel_loop3A_2075, %parallel_loop3A_2076] {strides = array<i32>} : memref<128x128xf32, #tpu.memory_space<vmem>>, vector<1x16xf32>,
      %parallel_loop3A_2078 = vector.shape_cast %parallel_loop3A_2077 : vector<1x16xf32> to vector<16xf32>
      %parallel_loop3A_2079 = arith.addf %parallel_loop3A_2078, %parallel_loop3A_2063 : vector<16xf32>
      %parallel_loop3A_2080 = arith.index_cast %parallel_loop3A_2060 : i32 to index
      %parallel_loop3A_2081 = arith.constant 16 : index
      %parallel_loop3A_2082 = tpu.vector_load %arg16[%parallel_loop3A_2080, %parallel_loop3A_2081] {strides = array<i32>} : memref<128x128xf32, #tpu.memory_space<vmem>>, vector<1x16xf32>,
      %parallel_loop3A_2083 = vector.shape_cast %parallel_loop3A_2082 : vector<1x16xf32> to vector<16xf32>
      %parallel_loop3A_2084 = arith.mulf %parallel_loop3A_2079, %parallel_loop3A_2083 : vector<16xf32>
      %parallel_loop3A_2085 = arith.addf %parallel_loop3A_2074, %parallel_loop3A_2084 : vector<16xf32>
      %parallel_loop3A_2086 = arith.index_cast %parallel_loop3A_2060 : i32 to index
      %parallel_loop3A_2087 = arith.constant 32 : index
      %parallel_loop3A_2088 = tpu.vector_load %arg15[%parallel_loop3A_2086, %parallel_loop3A_2087] {strides = array<i32>} : memref<128x128xf32, #tpu.memory_space<vmem>>, vector<1x16xf32>,
      %parallel_loop3A_2089 = vector.shape_cast %parallel_loop3A_2088 : vector<1x16xf32> to vector<16xf32>
      %parallel_loop3A_2090 = arith.addf %parallel_loop3A_2089, %parallel_loop3A_2063 : vector<16xf32>
      %parallel_loop3A_2091 = arith.index_cast %parallel_loop3A_2060 : i32 to index
      %parallel_loop3A_2092 = arith.constant 32 : index
      %parallel_loop3A_2093 = tpu.vector_load %arg16[%parallel_loop3A_2091, %parallel_loop3A_2092] {strides = array<i32>} : memref<128x128xf32, #tpu.memory_space<vmem>>, vector<1x16xf32>,
      %parallel_loop3A_2094 = vector.shape_cast %parallel_loop3A_2093 : vector<1x16xf32> to vector<16xf32>
      %parallel_loop3A_2095 = arith.mulf %parallel_loop3A_2090, %parallel_loop3A_2094 : vector<16xf32>
      %parallel_loop3A_2096 = arith.addf %parallel_loop3A_2085, %parallel_loop3A_2095 : vector<16xf32>
      %parallel_loop3A_2097 = arith.index_cast %parallel_loop3A_2060 : i32 to index
      %parallel_loop3A_2098 = arith.constant 48 : index
      %parallel_loop3A_2099 = tpu.vector_load %arg15[%parallel_loop3A_2097, %parallel_loop3A_2098] {strides = array<i32>} : memref<128x128xf32, #tpu.memory_space<vmem>>, vector<1x16xf32>,
      %parallel_loop3A_2100 = vector.shape_cast %parallel_loop3A_2099 : vector<1x16xf32> to vector<16xf32>
      %parallel_loop3A_2101 = arith.addf %parallel_loop3A_2100, %parallel_loop3A_2063 : vector<16xf32>
      %parallel_loop3A_2102 = arith.index_cast %parallel_loop3A_2060 : i32 to index
      %parallel_loop3A_2103 = arith.constant 48 : index
      %parallel_loop3A_2104 = tpu.vector_load %arg16[%parallel_loop3A_2102, %parallel_loop3A_2103] {strides = array<i32>} : memref<128x128xf32, #tpu.memory_space<vmem>>, vector<1x16xf32>,
      %parallel_loop3A_2105 = vector.shape_cast %parallel_loop3A_2104 : vector<1x16xf32> to vector<16xf32>
      %parallel_loop3A_2106 = arith.mulf %parallel_loop3A_2101, %parallel_loop3A_2105 : vector<16xf32>
      %parallel_loop3A_2107 = arith.addf %parallel_loop3A_2096, %parallel_loop3A_2106 : vector<16xf32>
      %parallel_loop3A_2108 = arith.index_cast %parallel_loop3A_2060 : i32 to index
      %parallel_loop3A_2109 = arith.constant 64 : index
      %parallel_loop3A_2110 = tpu.vector_load %arg15[%parallel_loop3A_2108, %parallel_loop3A_2109] {strides = array<i32>} : memref<128x128xf32, #tpu.memory_space<vmem>>, vector<1x16xf32>,
      %parallel_loop3A_2111 = vector.shape_cast %parallel_loop3A_2110 : vector<1x16xf32> to vector<16xf32>
      %parallel_loop3A_2112 = arith.addf %parallel_loop3A_2111, %parallel_loop3A_2063 : vector<16xf32>
      %parallel_loop3A_2113 = arith.index_cast %parallel_loop3A_2060 : i32 to index
      %parallel_loop3A_2114 = arith.constant 64 : index
      %parallel_loop3A_2115 = tpu.vector_load %arg16[%parallel_loop3A_2113, %parallel_loop3A_2114] {strides = array<i32>} : memref<128x128xf32, #tpu.memory_space<vmem>>, vector<1x16xf32>,
      %parallel_loop3A_2116 = vector.shape_cast %parallel_loop3A_2115 : vector<1x16xf32> to vector<16xf32>
      %parallel_loop3A_2117 = arith.mulf %parallel_loop3A_2112, %parallel_loop3A_2116 : vector<16xf32>
      %parallel_loop3A_2118 = arith.addf %parallel_loop3A_2107, %parallel_loop3A_2117 : vector<16xf32>
      %parallel_loop3A_2119 = arith.index_cast %parallel_loop3A_2060 : i32 to index
      %parallel_loop3A_2120 = arith.constant 80 : index
      %parallel_loop3A_2121 = tpu.vector_load %arg15[%parallel_loop3A_2119, %parallel_loop3A_2120] {strides = array<i32>} : memref<128x128xf32, #tpu.memory_space<vmem>>, vector<1x16xf32>,
      %parallel_loop3A_2122 = vector.shape_cast %parallel_loop3A_2121 : vector<1x16xf32> to vector<16xf32>
      %parallel_loop3A_2123 = arith.addf %parallel_loop3A_2122, %parallel_loop3A_2063 : vector<16xf32>
      %parallel_loop3A_2124 = arith.index_cast %parallel_loop3A_2060 : i32 to index
      %parallel_loop3A_2125 = arith.constant 80 : index
      %parallel_loop3A_2126 = tpu.vector_load %arg16[%parallel_loop3A_2124, %parallel_loop3A_2125] {strides = array<i32>} : memref<128x128xf32, #tpu.memory_space<vmem>>, vector<1x16xf32>,
      %parallel_loop3A_2127 = vector.shape_cast %parallel_loop3A_2126 : vector<1x16xf32> to vector<16xf32>
      %parallel_loop3A_2128 = arith.mulf %parallel_loop3A_2123, %parallel_loop3A_2127 : vector<16xf32>
      %parallel_loop3A_2129 = arith.addf %parallel_loop3A_2118, %parallel_loop3A_2128 : vector<16xf32>
      %parallel_loop3A_2130 = arith.index_cast %parallel_loop3A_2060 : i32 to index
      %parallel_loop3A_2131 = arith.constant 96 : index
      %parallel_loop3A_2132 = tpu.vector_load %arg15[%parallel_loop3A_2130, %parallel_loop3A_2131] {strides = array<i32>} : memref<128x128xf32, #tpu.memory_space<vmem>>, vector<1x16xf32>,
      %parallel_loop3A_2133 = vector.shape_cast %parallel_loop3A_2132 : vector<1x16xf32> to vector<16xf32>
      %parallel_loop3A_2134 = arith.addf %parallel_loop3A_2133, %parallel_loop3A_2063 : vector<16xf32>
      %parallel_loop3A_2135 = arith.index_cast %parallel_loop3A_2060 : i32 to index
      %parallel_loop3A_2136 = arith.constant 96 : index
      %parallel_loop3A_2137 = tpu.vector_load %arg16[%parallel_loop3A_2135, %parallel_loop3A_2136] {strides = array<i32>} : memref<128x128xf32, #tpu.memory_space<vmem>>, vector<1x16xf32>,
      %parallel_loop3A_2138 = vector.shape_cast %parallel_loop3A_2137 : vector<1x16xf32> to vector<16xf32>
      %parallel_loop3A_2139 = arith.mulf %parallel_loop3A_2134, %parallel_loop3A_2138 : vector<16xf32>
      %parallel_loop3A_2140 = arith.addf %parallel_loop3A_2129, %parallel_loop3A_2139 : vector<16xf32>
      %parallel_loop3A_2141 = arith.index_cast %parallel_loop3A_2060 : i32 to index
      %parallel_loop3A_2142 = arith.constant 112 : index
      %parallel_loop3A_2143 = tpu.vector_load %arg15[%parallel_loop3A_2141, %parallel_loop3A_2142] {strides = array<i32>} : memref<128x128xf32, #tpu.memory_space<vmem>>, vector<1x16xf32>,
      %parallel_loop3A_2144 = vector.shape_cast %parallel_loop3A_2143 : vector<1x16xf32> to vector<16xf32>
      %parallel_loop3A_2145 = arith.addf %parallel_loop3A_2144, %parallel_loop3A_2063 : vector<16xf32>
      %parallel_loop3A_2146 = arith.index_cast %parallel_loop3A_2060 : i32 to index
      %parallel_loop3A_2147 = arith.constant 112 : index
      %parallel_loop3A_2148 = tpu.vector_load %arg16[%parallel_loop3A_2146, %parallel_loop3A_2147] {strides = array<i32>} : memref<128x128xf32, #tpu.memory_space<vmem>>, vector<1x16xf32>,
      %parallel_loop3A_2149 = vector.shape_cast %parallel_loop3A_2148 : vector<1x16xf32> to vector<16xf32>
      %parallel_loop3A_2150 = arith.mulf %parallel_loop3A_2145, %parallel_loop3A_2149 : vector<16xf32>
      %parallel_loop3A_2151 = arith.addf %parallel_loop3A_2140, %parallel_loop3A_2150 : vector<16xf32>
      %parallel_loop3A_2152 = arith.constant 0 : i32
      %parallel_loop3A_2153 = vector.broadcast %parallel_loop3A_2152 : i32 to vector<16xi32>
      %parallel_loop3A_2154 = arith.cmpi slt, %and3A_26, %parallel_loop3A_2153 : vector<16xi32>
      %parallel_loop3A_2155 = arith.constant 16 : i32
      %parallel_loop3A_2156 = vector.broadcast %parallel_loop3A_2155 : i32 to vector<16xi32>
      %parallel_loop3A_2157 = arith.addi %and3A_26, %parallel_loop3A_2156 : vector<16xi32>
      %parallel_loop3A_2158 = arith.select %parallel_loop3A_2154, %parallel_loop3A_2157, %and3A_26 : vector<16xi1>, vector<16xi32>
      %parallel_loop3A_2159 = vector.shape_cast %parallel_loop3A_2158 : vector<16xi32> to vector<16x1xi32>
      %parallel_loop3A_2160 = vector.shape_cast %parallel_loop3A_2159 : vector<16x1xi32> to vector<16xi32>
      %parallel_loop3A_2161 = tpu.dynamic_gather %parallel_loop3A_2151[%parallel_loop3A_2160] in [0] : vector<16xf32>, vector<16xi32> -> vector<16xf32>
      %parallel_loop3A_2162 = arith.addf %parallel_loop3A_2151, %parallel_loop3A_2161 : vector<16xf32>
      %parallel_loop3A_2163 = vector.extract_strided_slice %parallel_loop3A_2162 {offsets = [0], sizes = [1], strides = [1]} : vector<16xf32> to vector<1xf32>
      %parallel_loop3A_2164 = vector.extract %parallel_loop3A_2163[0] : f32 from vector<1xf32>
      %parallel_loop3A_2165 = vector.extract_strided_slice %parallel_loop3A_2162 {offsets = [1], sizes = [1], strides = [1]} : vector<16xf32> to vector<1xf32>
      %parallel_loop3A_2166 = vector.extract %parallel_loop3A_2165[0] : f32 from vector<1xf32>
      %parallel_loop3A_2167 = arith.addf %parallel_loop3A_2164, %parallel_loop3A_2166 : f32
      %parallel_loop3A_2168 = vector.extract_strided_slice %parallel_loop3A_2162 {offsets = [2], sizes = [1], strides = [1]} : vector<16xf32> to vector<1xf32>
      %parallel_loop3A_2169 = vector.extract %parallel_loop3A_2168[0] : f32 from vector<1xf32>
      %parallel_loop3A_2170 = vector.extract_strided_slice %parallel_loop3A_2162 {offsets = [3], sizes = [1], strides = [1]} : vector<16xf32> to vector<1xf32>
      %parallel_loop3A_2171 = vector.extract %parallel_loop3A_2170[0] : f32 from vector<1xf32>
      %parallel_loop3A_2172 = arith.addf %parallel_loop3A_2169, %parallel_loop3A_2171 : f32
      %parallel_loop3A_2173 = vector.extract_strided_slice %parallel_loop3A_2162 {offsets = [4], sizes = [1], strides = [1]} : vector<16xf32> to vector<1xf32>
      %parallel_loop3A_2174 = vector.extract %parallel_loop3A_2173[0] : f32 from vector<1xf32>
      %parallel_loop3A_2175 = vector.extract_strided_slice %parallel_loop3A_2162 {offsets = [5], sizes = [1], strides = [1]} : vector<16xf32> to vector<1xf32>
      %parallel_loop3A_2176 = vector.extract %parallel_loop3A_2175[0] : f32 from vector<1xf32>
      %parallel_loop3A_2177 = arith.addf %parallel_loop3A_2174, %parallel_loop3A_2176 : f32
      %parallel_loop3A_2178 = vector.extract_strided_slice %parallel_loop3A_2162 {offsets = [6], sizes = [1], strides = [1]} : vector<16xf32> to vector<1xf32>
      %parallel_loop3A_2179 = vector.extract %parallel_loop3A_2178[0] : f32 from vector<1xf32>
      %parallel_loop3A_2180 = vector.extract_strided_slice %parallel_loop3A_2162 {offsets = [7], sizes = [1], strides = [1]} : vector<16xf32> to vector<1xf32>
      %parallel_loop3A_2181 = vector.extract %parallel_loop3A_2180[0] : f32 from vector<1xf32>
      %parallel_loop3A_2182 = arith.addf %parallel_loop3A_2179, %parallel_loop3A_2181 : f32
      %parallel_loop3A_2183 = arith.addf %parallel_loop3A_2167, %parallel_loop3A_2172 : f32
      %parallel_loop3A_2184 = arith.addf %parallel_loop3A_2177, %parallel_loop3A_2182 : f32
      %parallel_loop3A_2185 = arith.addf %parallel_loop3A_2183, %parallel_loop3A_2184 : f32
      %parallel_loop3A_2186 = arith.constant 15 : i32
      %parallel_loop3A_2187 = vector.broadcast %parallel_loop3A_2186 : i32 to vector<16xi32>
      %parallel_loop3A_2188 = arith.cmpi eq, %iota3A, %parallel_loop3A_2187 : vector<16xi32>
      %parallel_loop3A_2189 = vector.broadcast %parallel_loop3A_2185 : f32 to vector<16xf32>
      %parallel_loop3A_2190 = arith.select %parallel_loop3A_2188, %parallel_loop3A_2189, %parallel_loop3A_2056 : vector<16xi1>, vector<16xf32>
      %parallel_loop3A_2191 = arith.index_cast %parallel_loop3A_43 : i32 to index
      %parallel_loop3A_2192 = tpu.vector_load %arg12[%parallel_loop3A_2191] {strides = array<i32>} : memref<128xf32, #tpu.memory_space<vmem>>, vector<16xf32>,
      %parallel_loop3A_2193 = vector.shape_cast %parallel_loop3A_2192 : vector<16xf32> to vector<16xf32>
      %parallel_loop3A_2194 = arith.index_cast %parallel_loop3A_43 : i32 to index
      %parallel_loop3A_2195 = tpu.vector_load %arg13[%parallel_loop3A_2194] {strides = array<i32>} : memref<128xf32, #tpu.memory_space<vmem>>, vector<16xf32>,
      %parallel_loop3A_2196 = vector.shape_cast %parallel_loop3A_2195 : vector<16xf32> to vector<16xf32>
      %parallel_loop3A_2197 = arith.addf %parallel_loop3A_2193, %parallel_loop3A_2196 : vector<16xf32>
      %parallel_loop3A_2198 = arith.constant 3.500000e+00 : f32
      %parallel_loop3A_2199 = vector.broadcast %parallel_loop3A_2198 : f32 to vector<16xf32>
      %parallel_loop3A_2200 = arith.addf %parallel_loop3A_2197, %parallel_loop3A_2199 : vector<16xf32>
      %parallel_loop3A_2201 = arith.addf %parallel_loop3A_2200, %parallel_loop3A_2190 : vector<16xf32>
      %parallel_loop3A_2202 = arith.index_cast %parallel_loop3A_43 : i32 to index
      %parallel_loop3A_2203 = tpu.vector_load %arg17[%parallel_loop3A_2202] {strides = array<i32>} : memref<128xf32, #tpu.memory_space<vmem>>, vector<16xf32>,
      %parallel_loop3A_2204 = vector.shape_cast %parallel_loop3A_2203 : vector<16xf32> to vector<16xf32>
      %parallel_loop3A_2205 = vector.shape_cast %parallel_loop3A_2201 : vector<16xf32> to vector<16xf32>
      tpu.vector_store %arg17[%parallel_loop3A_2202], %parallel_loop3A_2205 {strides = array<i32>} : memref<128xf32, #tpu.memory_space<vmem>>, vector<16xf32>,
    } {sc.loop_unroll_factor = 1 : i64, sc.parallel_access}
    "tpu.region"() ({
      %run_scoped3A = tpu.sem_alloc : memref<!tpu.dma_semaphore, #tpu.memory_space<semaphore_mem>>
      %dma_start3A_41 = tpu.memref_slice %arg9[%mul3A_2] : memref<4096xf32, #tpu.memory_space<hbm>> -> memref<128xf32, #tpu.memory_space<hbm>>
      %dma_start3A_42 = tpu.memref_slice %arg9[%mul3A_2] : memref<4096xf32, #tpu.memory_space<hbm>> -> memref<128xf32, #tpu.memory_space<hbm>>
      tpu.enqueue_dma source(%arg17 : memref<128xf32, #tpu.memory_space<vmem>>) target(%dma_start3A_42 : memref<128xf32, #tpu.memory_space<hbm>>) target_semaphore(%run_scoped3A : memref<!tpu.dma_semaphore, #tpu.memory_space<semaphore_mem>>)
      %dma_wait3A_43 = tpu.memref_slice %arg9[%mul3A_2] : memref<4096xf32, #tpu.memory_space<hbm>> -> memref<128xf32, #tpu.memory_space<hbm>>
      %dma_wait3A_44 = tpu.memref_slice %arg9[%mul3A_2] : memref<4096xf32, #tpu.memory_space<hbm>> -> memref<128xf32, #tpu.memory_space<hbm>>
      tpu.wait_dma2 semaphore(%run_scoped3A : memref<!tpu.dma_semaphore, #tpu.memory_space<semaphore_mem>>) src(%arg17 : memref<128xf32, #tpu.memory_space<vmem>>) dst(%dma_wait3A_44 : memref<128xf32, #tpu.memory_space<hbm>>)
      tpu.yield
    }) : () -> ()
    return
  }
}

</mosaic_0001>

<sc_bundles>
// kernel: kernel.3.cloned.1.call-start
scs
__scs_entry_jumppad:
0x0: {  	(pc) =	sbr.rel $0x88, $3  }
0x1: {  	(tag) =	ssettag $0x0;
	lr =	simm.s32 $0x1  }
0x2: {  	[smem:$0x3F9A] =	sst lr;
	_ =	strace $0xD0000000  }
0x3: {  	_ = 	snop  }
0x4: {  	_ = 	snop  }
0x5: {  	_ = 	snop  }
0x6: {  	_ = 	snop  }
0x7: {  	_ = 	snop  }
__scs_overlays_trampoline_lowered:
0x8: {  	[smem:$0x3FA9] =	sst s0  }
0x9: {  	[smem:$0x3FAA] =	sst s1  }
0xa: {  	[smem:$0x3FAB] =	sst s2  }
0xb: {  	[smem:$0x3FAC] =	sst s3  }
0xc: {  	[smem:$0x3FAD] =	sst s4  }
0xd: {  	[smem:$0x3FAE] =	sst s5  }
0xe: {  	[smem:$0x3FAF] =	sst s6  }
0xf: {  	[smem:$0x3FB0] =	sst s7  }
0x10: {  	[smem:$0x3FB1] =	sst s8  }
0x11: {  	[smem:$0x3FB2] =	sst s9;
	s0 =	simm.s32 @!p0 $0x0  }
0x12: {  	s1 =	sld [smem:$0x3F98];
	s0 =	simm.s32 @p0 $0x1  }
0x13: {  	[smem:$0x3FB3] =	sst s0;
	s0 =	simm.s32 @!p1 $0x0  }
0x14: {  	s2 =	sld [smem:$0x3F97];
	s0 =	simm.s32 @p1 $0x1  }
0x15: {  	[smem:$0x3FB4] =	sst s0;
	s0 =	simm.s32 @!p2 $0x0  }
0x16: {  	s3 =	sld [smem:$0x3FDB];
	s0 =	simm.s32 @p2 $0x1  }
0x17: {  	s4 =	simm.s32 $0x1BF5;
	[smem:$0x3FB6] =	sst s0  }
0x18: {  	s0 =	sld [smem:$0x3F99];
	_ =	swait.ge [sflag:s4], $0x0  }
0x19: {  	s7 =	sld [smem:$0x3F9A]  }
0x1a: {  	s8 =	sadd.s32 $0xFFFFE003, lr  }
0x1b: {  	s9 =	sadd.s32 $0xFFFFFEF7, lr;
	s5 =	simm.s32 $0xFFFFFFFF;
	p2 =	slt.u32 s8, $0xFFFFF086  }
0x1c: {  	p1 =	slt.u32 s9, $0xF7A;
	s5 =	simm.s32 @!p2 $0x0  }
0x1d: {  	s5 =	simm.s32 @p1 $0x1;
	p0 =	seq.s32 s7, s2  }
0x1e: {  	s7 =	smul.u32 @!p0 $0xF7A, s2;
	p2 =	seq.s32 @!p0 s5, $0x0  }
0x1f: {  	s9 =	smul.u32 $0xF7A, s1;
	s8 =	simm.s32 @!p0 $0x1BF5;
	p2 =	por !p2, p0  }
0x20: {  	[sflag:s8] =	ssyncset.s32 @!p0 $0xFFFFF086;
	s6 =	sadd.s32 @!p0 s3, s7;
	s7 =	simm.s32 @!p0 $0x108  }
0x21: {  	s3 =	sadd.s32 s3, s9;
	s6 =	sadd.s32 @!p0 $0x88, s6;
	s7 =	simm.s32 @p2 $0x1082  }
0x22: {  	[simem:s7], [sflag:s8] =	dma.local @!p0 [hbm:s6], $0xF7A  }
0x23: {  	s9 =	sor.u32 $0xD0000000, s2;
	s6 =	simm.s32 $0x108;
	_ =	swait.ge @!p0 [sflag:s8], $0x0  }
0x24: {  	s3 =	sadd.s32 $0x88, s3;
	s6 =	simm.s32 @!p1 $0x1082;
	[sflag:s4] =	ssyncset.s32 $0xFFFFF086  }
0x25: {  	[simem:s6], [sflag:s4] =	dma.local [hbm:s3], $0xF7A  }
0x26: {  	[smem:$0x3F9A] =	sst s1;
	(tag) =	ssettag s2;
	_ =	strace s9  }
0x27: {  	s1 =	sld [smem:$0x3FAA]  }
0x28: {  	s2 =	sld [smem:$0x3FAB]  }
0x29: {  	s4 =	sld [smem:$0x3FAD]  }
0x2a: {  	p0 =	seq.s32 s5, $0x0;
	s5 =	sld [smem:$0x3FAE]  }
0x2b: {  	s6 =	sld [smem:$0x3FAF]  }
0x2c: {  	s7 =	sld [smem:$0x3FB0]  }
0x2d: {  	s3 =	simm.s32 $0x108;
	s8 =	sld [smem:$0x3FB1]  }
0x2e: {  	s3 =	simm.s32 @!p0 $0x1082;
	s9 =	sld [smem:$0x3FB2]  }
0x2f: {  	lr =	sadd.s32 s0, s3;
	s0 =	sld [smem:$0x3FA9]  }
0x30: {  	s3 =	sld [smem:$0x3FAC]  }
0x31: {  	[smem:$0x3FB5] =	sst s10  }
0x32: {  	s10 =	sld [smem:$0x3FB3];
	_ =	sdelay $0x3  }
0x33: {  	p0 =	seq.s32 s10, $0x1;
	s10 =	sld [smem:$0x3FB5];
	_ =	sdelay $0x3  }
0x34: {  	[smem:$0x3FB5] =	sst s10  }
0x35: {  	s10 =	sld [smem:$0x3FB4];
	_ =	sdelay $0x3  }
0x36: {  	p1 =	seq.s32 s10, $0x1;
	s10 =	sld [smem:$0x3FB5];
	_ =	sdelay $0x3  }
0x37: {  	[smem:$0x3FB5] =	sst s10  }
0x38: {  	s10 =	sld [smem:$0x3FB6]  }
0x39: {  	_ = 	snop;
	(pc) =	sbr.ind lr, $3  }
0x3a: {  	_ = 	snop  }
0x3b: {  	_ = 	snop  }
0x3c: {  	p2 =	seq.s32 s10, $0x1;
	s10 =	sld [smem:$0x3FB5]  }
0x3d: {  	_ =	shalt  }
0x3e: {  	_ =	shalt  }
0x3f: {  	_ =	shalt  }
0x40: {  	_ =	shalt  }
0x41: {  	_ =	shalt  }
0x42: {  	_ =	shalt  }
0x43: {  	_ =	shalt  }
0x44: {  	_ =	shalt  }
0x45: {  	_ =	shalt  }
0x46: {  	_ =	shalt  }
0x47: {  	_ =	shalt  }
0x48: {  	_ =	shalt  }
0x49: {  	_ =	shalt  }
0x4a: {  	_ =	shalt  }
0x4b: {  	_ =	shalt  }
0x4c: {  	_ =	shalt  }
0x4d: {  	_ =	shalt  }
0x4e: {  	_ =	shalt  }
0x4f: {  	_ =	shalt  }
0x50: {  	_ =	shalt  }
0x51: {  	_ =	shalt  }
0x52: {  	_ =	shalt  }
0x53: {  	_ =	shalt  }
0x54: {  	_ =	shalt  }
0x55: {  	_ =	shalt  }
0x56: {  	_ =	shalt  }
0x57: {  	_ =	shalt  }
0x58: {  	_ =	shalt  }
0x59: {  	_ =	shalt  }
0x5a: {  	_ =	shalt  }
0x5b: {  	_ =	shalt  }
0x5c: {  	_ =	shalt  }
0x5d: {  	_ =	shalt  }
0x5e: {  	_ =	shalt  }
0x5f: {  	_ =	shalt  }
0x60: {  	_ =	shalt  }
0x61: {  	_ =	shalt  }
0x62: {  	_ =	shalt  }
0x63: {  	_ =	shalt  }
0x64: {  	_ =	shalt  }
0x65: {  	_ =	shalt  }
0x66: {  	_ =	shalt  }
0x67: {  	_ =	shalt  }
0x68: {  	_ =	shalt  }
0x69: {  	_ =	shalt  }
0x6a: {  	_ =	shalt  }
0x6b: {  	_ =	shalt  }
0x6c: {  	_ =	shalt  }
0x6d: {  	_ =	shalt  }
0x6e: {  	_ =	shalt  }
0x6f: {  	_ =	shalt  }
0x70: {  	_ =	shalt  }
0x71: {  	_ =	shalt  }
0x72: {  	_ =	shalt  }
0x73: {  	_ =	shalt  }
0x74: {  	_ =	shalt  }
0x75: {  	_ =	shalt  }
0x76: {  	_ =	shalt  }
0x77: {  	_ =	shalt  }
0x78: {  	_ =	shalt  }
0x79: {  	_ =	shalt  }
0x7a: {  	_ =	shalt  }
0x7b: {  	_ =	shalt  }
0x7c: {  	_ =	shalt  }
0x7d: {  	_ =	shalt  }
0x7e: {  	_ =	shalt  }
0x7f: {  	_ =	shalt  }
0x80: {  	_ =	shalt  }
0x81: {  	_ =	shalt  }
0x82: {  	_ =	shalt  }
0x83: {  	_ =	shalt  }
0x84: {  	_ =	shalt  }
0x85: {  	_ =	shalt  }
0x86: {  	_ =	shalt  }
0x87: {  	_ =	shalt  }
.Lfunc_end0:
.L_simem_size_0:
called_computation_lowered:
.L_overlay_start_0:
0x88: {  	s2 =	sld [smem:$0x3FD9]  }
0x89: {  	s3 =	sld [smem:$0x3FFE];
	_ =	sdelay $0x1  }
0x8a: {  	s1 =	srdreg.scid  }
0x8b: {  	s0 =	sand.u32 $0x1, s1  }
0x8c: {  	s17 =	sshll.u32 s0, $0xA;
	s2 =	sadd.s32 s3, s2  }
0x8d: {  	s2 =	sadd.s32 s2, s17  }
0x8e: {  	[smem:$0x3FC1] =	sst s2  }
0x8f: {  	_ = 	snop  }
0x90: {  	s2 =	sld [smem:$0x3FC9]  }
0x91: {  	s18 =	sld [smem:$0x3FC8]  }
0x92: {  	s4 =	sld [smem:$0x3FC7]  }
0x93: {  	s5 =	sld [smem:$0x3FC6]  }
0x94: {  	s6 =	sld [smem:$0x3FC5]  }
0x95: {  	s7 =	sld [smem:$0x3FC4]  }
0x96: {  	s8 =	sld [smem:$0x3FD0];
	(tm) =	ssettm $0x1  }
0x97: {  	s9 =	sld [smem:$0x3FFB];
	_ =	sdelay $0x3  }
0x98: {  	_ =	strace s9  }
0x99: {  	s9 =	sld [smem:$0x3FFC];
	_ =	sdelay $0x3  }
0x9a: {  	_ =	strace s9  }
0x9b: {  	s9 =	sld [smem:$0x3FFD];
	_ =	sdelay $0x3  }
0x9c: {  	_ =	strace s9  }
0x9d: {  	_ =	strace $0x8FFFFFFF  }
0x9e: {  	s19 =	sld [smem:$0x3FDB];
	_ =	sdelay $0x1  }
0x9f: {  	s10 =	simm.s32 $_scs_section_size  }
0xa0: {  	s11 =	simm.s32 $_size__tile_overlayer_lowered;
	s12 =	simm.s32 $_tile_overlayer_lowered  }
0xa1: {  	s22 =	simm.s32 $0x1BFF;
	s21 =	sshll.u32 s12, $0x1;
	s9 =	sadd.s32 s10, s19  }
0xa2: {  	s13 =	simm.s32 $0x0;
	s20 =	sshll.u32 s11, $0x1;
	s11 =	sadd.s32 s21, s9  }
0xa3: {  	[timem:s13], [sflag:s22] =	dma.local [hbm:s11], s20  }
0xa4: {  	_ =	swait.ge [sflag:s22], s20  }
0xa5: {  	s10 =	ssub.s32 $0x0, s20;
	[sflag:s22] =	ssyncset.done $0x0  }
0xa6: {  	[sflag:s22] =	ssyncadd.s32 s10;
	_ =	sdelay $0x1  }
0xa7: {  	s23 =	simm.s32 $0x1B8B  }
0xa8: {  	_ =	swait.ge [sflag:s23], $0x1  }
0xa9: {  	[sflag:s23] =	ssyncset.done $0x0  }
0xaa: {  	s25 =	simm.s32 $0x1B8E;
	s24 =	sld [smem:$0x3FFE];
	[sflag:s23] =	ssyncadd.s32 $0xFFFFFFFF  }
0xab: {  	s26 =	simm.s32 $execute0_lowered;
	[smem:$0x3FD2] =	sst s25  }
0xac: {  	s11 =	sshll.u32 s26, $0x1;
	_ =	strace $0x80000046;
	[dreg:$0x1] =	wrdreg $0xFFFFFFFF  }
0xad: {  	s28 =	simm.s32 $_size_execute0_lowered;
	s9 =	sadd.s32 s9, s11;
	[dreg:$0x0] =	wrdreg $0x0  }
0xae: {  	s11 =	sshll.u32 s28, $0x1;
	[dreg:$0x2] =	wrdreg s9  }
0xaf: {  	[dreg:$0x3] =	wrdreg s11  }
0xb0: {  	[dreg:$0x4] =	wrdreg $0xC0  }
0xb1: {  	_ =	task [dreg:s13], $0x5FFFF  }
0xb2: {  	[dreg:$0x1] =	wrdreg $0xFFFFFFFF  }
0xb3: {  	[dreg:$0x0] =	wrdreg $0x60  }
0xb4: {  	[dreg:$0x2] =	wrdreg s2  }
0xb5: {  	[dreg:$0x3] =	wrdreg s18  }
0xb6: {  	[dreg:$0x4] =	wrdreg s4  }
0xb7: {  	[dreg:$0x5] =	wrdreg s5  }
0xb8: {  	[dreg:$0x6] =	wrdreg s6  }
0xb9: {  	[dreg:$0x7] =	wrdreg s7  }
0xba: {  	[dreg:$0x8] =	wrdreg s24  }
0xbb: {  	[dreg:$0x9] =	wrdreg s8  }
0xbc: {  	[dreg:$0xa] =	wrdreg $0x9  }
0xbd: {  	_ =	task.clear_ibuf [dreg:s13], $0xBFFFF;
	_ =	strace $0x90000046  }
0xbe: {  	s29 =	simm.s32 $0x9;
	_ =	strace $0x80000048  }
0xbf: {  	_ =	swait.ge [sflag:s29], $0x1  }
0xc0: {  	[sflag:s29] =	ssyncadd.s32 $0xFFFFFFFF  }
0xc1: {  	_ =	strace $0x90000048  }
0xc2: {  	_ =	sfence  }
0xc3: {  	s30 =	sld [smem:$0x0];
	_ =	sdelay $0x2  }
0xc4: {  	s31 =	sshll.u32 s1, $0xD;
	s1 =	sshrl.u32 s1, $0x2  }
0xc5: {  	s3 =	sand.u32 $0x4000, s31;
	s1 =	sadd.s32 s1, s30  }
0xc6: {  	s0 =	sor.u32 s3, s0;
	s1 =	sshll.u32 s1, $0x11  }
0xc7: {  	s0 =	sor.u32 s1, s0  }
0xc8: {  	s0 =	sadd.s32 $0x8F2B, s0  }
0xc9: {  	[sflag:s0] =	ssyncadd.remote.s32 $0x1  }
0xca: {  	_ =	sfence.sel $0xFFFF  }
0xcb: {  	[dreg:$0x0] =	wrdreg $0xFFFFFFFF;
	(pc) =	sbr.abs _section_cstart, $3  }
0xcc: {  	[dreg:$0x1] =	wrdreg $0xFFFFFFFF  }
0xcd: {  	_ =	task.clear_ibuf [dreg:s13], $0x2FFFF;
	_ =	strace $0x9FFFFFFF  }
0xce: {  	(tm) =	ssettm $0x7FFFFFFF  }
0xcf: {  	_ =	shalt  }
tec
execute0_lowered:
.L_overlay_start_1:
0x0: {  	(tag) =	ssettag $0x1  }
0x1: {  	s0 =	rddreg [dreg:$0x0]  }
0x2: {  	s1 =	rddreg [dreg:$0x1];
	s3 =	srdreg.scid  }
0x3: {  	v0 =	vimm.s32 $0xFEDCBA98;
	v1 =	vimm.s32 $0x76543210;
	s7 =	simm.s32 $0x0;
	s5 =	stileid.u32;
	s3 =	sand.u32 $0x1, s3  }
0x4: {  	vm0 =	vcmask $0x300;
	vm1 =	vcmask $0x704;
	vm2 =	vcmask $0xB08;
	s5 =	sshll.u32 s5, $0x5;
	s4 =	ssub.s32 $0x2, s3;
	s3 =	sshll.u32 s3, $0x4  }
0x5: {  	vm3 =	vcmask $0xF0C;
	vm4 =	vcmask $0x1310;
	v0 =	vunpack.c.l.s4.s8 v0;
	[smem:$0x7FF] =	sst s7;
	s3 =	sor.u32 s3, s5  }
0x6: {  	s2 =	rddreg [dreg:$0x7];
	vm5 =	vcmask $0x1714;
	vm6 =	vcmask $0x1B18;
	v1 =	vunpack.c.l.s4.s8 v1;
	_ =	strace $0x80000047;
	s0 =	sadd.s32 s0, s3  }
0x7: {  	vm7 =	vcmask $0x1F1C;
	vm8 =	vcmask $0x2320;
	v0 =	vunpack.c.0.s8.s32 v0;
	s6 =	sshrl.u32 s4, $0x1;
	s29 =	sadd.s32 s1, s3;
	[dreg:$0x9] =	wrdreg s0  }
0x8: {  	vm9 =	vcmask $0x2724;
	vm10 =	vcmask $0x2B28;
	v1 =	vunpack.c.0.s8.s32 v1;
	s4 =	ssub.s32 s4, s6;
	s30 =	sadd.s32 s2, s3;
	[dreg:$0xa] =	wrdreg s29  }
0x9: {  	vm11 =	vcmask $0x2F2C;
	vm12 =	vcmask $0x3330;
	v0 =	vand.u32 $0xF, v0;
	[dreg:$0xb] =	wrdreg s30;
	s31 =	smax.u32 s4, $0x1  }
0xa: {  	vm13 =	vcmask $0x3734;
	vm14 =	vcmask $0x3B38;
	s2 =	simm.s32 $0x0;
	v12 =	vcombine.low v0, v1;
	[dreg:$0xc] =	wrdreg s31  }
.LBB2_1:
0xb: {  	[dreg:$0xd] =	wrdreg s2  }
0xc: {  	s0 =	rddreg [dreg:$0x9]  }
0xd: {  	[tilespmem:s7], [sflag:$0x1] =	stream.linear.gather [hbm4b:s0+s7], $0x80, $0x38;
	[tilespmem:$0x8300] =	vst v63  }
0xe: {  	s20 =	rddreg [dreg:$0xa];
	s1 =	simm.s32 $0x80;
	s21 =	simm.s32 $0x1  }
0xf: {  	[tilespmem:s1], [sflag:$0x1] =	stream.linear.gather [hbm4b:s20+s7], $0x80, $0x38;
	[tilespmem:$0x8300] =	vst v63  }
0x10: {  	_ =	swait.ge [sflag:s21], $0x80  }
0x11: {  	[sflag:s21] =	ssyncset.done $0x0  }
0x12: {  	[sflag:s21] =	ssyncadd.s32 $0xFFFFFF80  }
0x13: {  	_ =	swait.ge [sflag:s21], $0x80  }
0x14: {  	[sflag:s21] =	ssyncset.done $0x0  }
0x15: {  	[sflag:s21] =	ssyncadd.s32 $0xFFFFFF80  }
0x16: {  	s3 =	simm.s32 $0x280;
	s22 =	rddreg [dreg:$0x4]  }
0x17: {  	[tilespmem:s3], [sflag:$0x1] =	stream.indirect.gather [hbm4b:s22+s1], $0x80, s7, s1, $0xb8;
	[tilespmem:$0x8300] =	vst v63  }
0x18: {  	s24 =	simm.s32 $0x4280;
	s23 =	rddreg [dreg:$0x5]  }
0x19: {  	[tilespmem:s24], [sflag:$0x1] =	stream.indirect.gather [hbm4b:s23+s1], $0x80, s1, s1, $0xb8;
	[tilespmem:$0x8300] =	vst v63  }
0x1a: {  	s26 =	simm.s32 $0x100;
	s25 =	rddreg [dreg:$0x2]  }
0x1b: {  	[tilespmem:s26], [sflag:$0x1] =	stream.indirect.gather [hbm4b:s25+s1], $0x1, s7, s1, $0xb8;
	[tilespmem:$0x8300] =	vst v63  }
0x1c: {  	s29 =	simm.s32 $0x180;
	s28 =	rddreg [dreg:$0x3]  }
0x1d: {  	[tilespmem:s29], [sflag:$0x1] =	stream.indirect.gather [hbm4b:s28+s1], $0x1, s1, s1, $0xb8;
	[tilespmem:$0x8300] =	vst v63  }
0x1e: {  	s31 =	simm.s32 $0x200;
	s30 =	rddreg [dreg:$0x6]  }
0x1f: {  	[tilespmem:s31], [sflag:$0x1] =	stream.indirect.gather [hbm4b:s30+s1], $0x1, s7, s1, $0xb8;
	[tilespmem:$0x8300] =	vst v63  }
0x20: {  	_ =	swait.ge [sflag:s21], $0x4000  }
0x21: {  	[sflag:s21] =	ssyncset.done $0x0  }
0x22: {  	[sflag:s21] =	ssyncadd.s32 $0xFFFFC000  }
0x23: {  	_ =	swait.ge [sflag:s21], $0x4000  }
0x24: {  	[sflag:s21] =	ssyncset.done $0x0  }
0x25: {  	[sflag:s21] =	ssyncadd.s32 $0xFFFFC000  }
0x26: {  	_ =	swait.ge [sflag:s21], $0x80  }
0x27: {  	[sflag:s21] =	ssyncset.done $0x0  }
0x28: {  	[sflag:s21] =	ssyncadd.s32 $0xFFFFFF80  }
0x29: {  	_ =	swait.ge [sflag:s21], $0x80  }
0x2a: {  	[sflag:s21] =	ssyncset.done $0x0  }
0x2b: {  	[sflag:s21] =	ssyncadd.s32 $0xFFFFFF80  }
0x2c: {  	_ =	swait.ge [sflag:s21], $0x80  }
0x2d: {  	[sflag:s21] =	ssyncset.done $0x0  }
0x2e: {  	s0 =	simm.s32 $0x0;
	[sflag:s21] =	ssyncadd.s32 $0xFFFFFF80  }
.LBB2_2:
0x2f: {  	s1 =	sshll.u32 s0, $0x4  }
0x30: {  	s24 =	sshll.u32 s0, $0xB;
	v1 =	vld [tilespmem:s1+$0x200]  }
0x31: {  	v2 =	vld [tilespmem:s24+$0x280]  }
0x32: {  	v3 =	vld [tilespmem:s24+$0x4280]  }
0x33: {  	v4 =	vld [tilespmem:s24+$0x290]  }
0x34: {  	v6 =	vld [tilespmem:s24+$0x4290]  }
0x35: {  	v8 =	vld [tilespmem:s24+$0x2A0]  }
0x36: {  	v9 =	vld [tilespmem:s24+$0x42A0]  }
0x37: {  	v10 =	vld [tilespmem:s24+$0x2B0]  }
0x38: {  	v14 =	vld [tilespmem:s24+$0x42B0]  }
0x39: {  	v15 =	vld [tilespmem:s24+$0x2C0]  }
0x3a: {  	v17 =	vld [tilespmem:s24+$0x42C0]  }
0x3b: {  	v18 =	vld [tilespmem:s24+$0x2D0]  }
0x3c: {  	v19 =	vld [tilespmem:s24+$0x42D0]  }
0x3d: {  	v20 =	vld [tilespmem:s24+$0x2E0]  }
0x3e: {  	v23 =	vld [tilespmem:s24+$0x42E0]  }
0x3f: {  	v24 =	vld [tilespmem:s24+$0x2F0]  }
0x40: {  	v25 =	vld [tilespmem:s24+$0x42F0]  }
0x41: {  	v26 =	vld [tilespmem:s24+$0x300]  }
0x42: {  	v29 =	vld [tilespmem:s24+$0x4300]  }
0x43: {  	v30 =	vld [tilespmem:s24+$0x310]  }
0x44: {  	v31 =	vld [tilespmem:s24+$0x4310]  }
0x45: {  	v32 =	vld [tilespmem:s24+$0x320]  }
0x46: {  	v34 =	vld [tilespmem:s24+$0x4320]  }
0x47: {  	v36 =	vld [tilespmem:s24+$0x330]  }
0x48: {  	v37 =	vld [tilespmem:s24+$0x4330]  }
0x49: {  	v43 =	vld [tilespmem:s24+$0x340]  }
0x4a: {  	v45 =	vld [tilespmem:s24+$0x4340]  }
0x4b: {  	v49 =	vld [tilespmem:s24+$0x350]  }
0x4c: {  	v50 =	vld [tilespmem:s24+$0x4350]  }
0x4d: {  	v51 =	vld [tilespmem:s24+$0x360]  }
0x4e: {  	v52 =	vld [tilespmem:s24+$0x4360]  }
0x4f: {  	v53 =	vld [tilespmem:s24+$0x370]  }
0x50: {  	v54 =	vld [tilespmem:s24+$0x4370]  }
0x51: {  	v55 =	vld [tilespmem:s24+$0x380]  }
0x52: {  	v56 =	vld [tilespmem:s24+$0x4380]  }
0x53: {  	v57 =	vld [tilespmem:s24+$0x390]  }
0x54: {  	v58 =	vld [tilespmem:s24+$0x4390]  }
0x55: {  	v59 =	vld [tilespmem:s24+$0x3A0]  }
0x56: {  	v60 =	vld [tilespmem:s24+$0x43A0]  }
0x57: {  	v61 =	vld [tilespmem:s24+$0x3B0]  }
0x58: {  	v62 =	vld [tilespmem:s24+$0x43B0]  }
0x59: {  	v63 =	vld [tilespmem:s24+$0x3C0]  }
0x5a: {  	v0 =	vld [tilespmem:s24+$0x43C0]  }
0x5b: {  	v5 =	vld [tilespmem:s24+$0x3D0]  }
0x5c: {  	v11 =	vld [tilespmem:s24+$0x43D0]  }
0x5d: {  	v13 =	vld [tilespmem:s24+$0x3E0]  }
0x5e: {  	v16 =	vld [tilespmem:s24+$0x43E0]  }
0x5f: {  	v21 =	vld [tilespmem:s24+$0x3F0]  }
0x60: {  	v7 =	vld [tilespmem:s24+$0x43F0]  }
0x61: {  	v47 =	vld [tilespmem:s24+$0x4400]  }
0x62: {  	v48 =	vld [tilespmem:s24+$0x410]  }
0x63: {  	v44 =	vld [tilespmem:s24+$0x4410]  }
0x64: {  	v46 =	vld [tilespmem:s24+$0x420];
	v33 =	vbroadcast v1, $0x0  }
0x65: {  	v38 =	vld [tilespmem:s24+$0x4420]  }
0x66: {  	v39 =	vld [tilespmem:s24+$0x430];
	v2 =	vadd.f32 v33, v2  }
0x67: {  	v27 =	vld [tilespmem:s24+$0x4430]  }
0x68: {  	v28 =	vld [tilespmem:s24+$0x440];
	v40 =	vadd.f32 v4, v33;
	v2 =	vmul.f32 v3, v2  }
0x69: {  	v22 =	vld [tilespmem:s24+$0x450];
	v41 =	vadd.f32 v8, v33;
	v42 =	vadd.f32 v10, v33  }
0x6a: {  	[tilespmem:$0x1FFF0] =	vst v7;
	v7 =	vld [tilespmem:s24+$0x400];
	v3 =	vmul.f32 v6, v40;
	v2 =	vadd.f32 $0.0e+00, v2  }
0x6b: {  	v4 =	vld [tilespmem:s24+$0x4450];
	v8 =	vmul.f32 v9, v41;
	v10 =	vmul.f32 v14, v42  }
0x6c: {  	v6 =	vld [tilespmem:s24+$0x4440];
	v14 =	vadd.f32 v15, v33;
	v15 =	vbroadcast v1, $0x1;
	v3 =	vadd.f32 v3, v2  }
0x6d: {  	v35 =	vadd.f32 v18, v33;
	v9 =	vld [tilespmem:s24+$0x470]  }
0x6e: {  	v40 =	vld [tilespmem:s24+$0x480];
	v26 =	vadd.f32 v26, v15;
	v3 =	vadd.f32 v8, v3  }
0x6f: {  	v41 =	vld [tilespmem:s24+$0x490];
	v14 =	vmul.f32 v17, v14;
	v17 =	vadd.f32 v20, v33;
	v43 =	vadd.f32 v43, v15  }
0x70: {  	v42 =	vld [tilespmem:s24+$0x4A0];
	v18 =	vmul.f32 v29, v26;
	v26 =	vadd.f32 v30, v15;
	v10 =	vadd.f32 v10, v3  }
0x71: {  	v2 =	vld [tilespmem:s24+$0x460];
	v29 =	vadd.f32 v24, v33;
	v30 =	vadd.f32 v32, v15;
	v20 =	vmul.f32 v45, v43  }
0x72: {  	v33 =	vld [tilespmem:s24+$0x4490];
	v24 =	vbroadcast v1, $0x2;
	v10 =	vadd.f32 v14, v10;
	v14 =	vmul.f32 v19, v35  }
0x73: {  	v45 =	vld [tilespmem:s24+$0x500];
	v18 =	vadd.f32 $0.0e+00, v18;
	v32 =	vmul.f32 v34, v30;
	v34 =	vadd.f32 v36, v15  }
0x74: {  	v8 =	vld [tilespmem:s24+$0x4460];
	v43 =	vadd.f32 v57, v24;
	v10 =	vadd.f32 v14, v10;
	v14 =	vmul.f32 v23, v17  }
0x75: {  	v36 =	vld [tilespmem:s24+$0x4B0];
	v57 =	vadd.f32 v59, v24;
	v37 =	vmul.f32 v37, v34;
	v19 =	vmul.f32 v31, v26  }
0x76: {  	v3 =	vld [tilespmem:s24+$0x4470];
	v34 =	vadd.f32 v55, v24;
	v10 =	vadd.f32 v14, v10;
	v14 =	vmul.f32 v25, v29  }
0x77: {  	v5 =	vadd.f32 v5, v24;
	v55 =	vld [tilespmem:s24+$0x44F0];
	v59 =	vmul.f32 v60, v57;
	v31 =	vadd.f32 v19, v18  }
0x78: {  	v60 =	vadd.f32 v61, v24;
	v35 =	vld [tilespmem:s24+$0x4480];
	v26 =	vmul.f32 v56, v34;
	v10 =	vadd.f32 v14, v10  }
0x79: {  	v34 =	vld [tilespmem:s24+$0x4500];
	v56 =	vadd.f32 v63, v24;
	v14 =	vadd.f32 v32, v31  }
0x7a: {  	v18 =	vld [tilespmem:s24+$0x44B0];
	v26 =	vadd.f32 $0.0e+00, v26;
	v31 =	vadd.f32 v49, v15;
	v30 =	vperm.xlane v10, v12  }
0x7b: {  	v17 =	vld [tilespmem:s24+$0x44C0];
	v19 =	vadd.f32 v37, v14;
	v37 =	vadd.f32 v51, v15  }
0x7c: {  	v23 =	vld [tilespmem:s24+$0x4D0];
	v15 =	vadd.f32 v53, v15;
	v49 =	vadd.f32 v10, v30  }
0x7d: {  	v25 =	vld [tilespmem:s24+$0x44A0];
	v32 =	vmul.f32 v50, v31;
	v19 =	vadd.f32 v20, v19;
	v30 =	vmul.f32 v58, v43  }
0x7e: {  	v29 =	vld [tilespmem:s24+$0x4C0];
	v15 =	vmul.f32 v54, v15;
	v54 =	vbroadcast v1, $0x3;
	(v2sf) =	vpush v49, $0x0  }
0x7f: {  	v62 =	vmul.f32 v62, v60;
	v14 =	vld [tilespmem:s24+$0x44D0];
	v19 =	vadd.f32 v32, v19;
	v58 =	vadd.f32 v30, v26  }
0x80: {  	v50 =	vld [tilespmem:s24+$0x44E0];
	v20 =	vmul.f32 v52, v37;
	v7 =	vadd.f32 v7, v54;
	v60 =	vadd.f32 v48, v54  }
0x81: {  	v51 =	vld [tilespmem:s24+$0x4F0];
	v48 =	vadd.f32 v46, v54;
	v2 =	vadd.f32 v2, v54  }
0x82: {  	v31 =	vld [tilespmem:s24+$0x530];
	(v2sf) =	vpush v49, $0x1;
	v19 =	vadd.f32 v20, v19  }
0x83: {  	v10 =	vld [tilespmem:s24+$0x4E0];
	(v2sf) =	vpush v49, $0x2;
	v61 =	vadd.f32 v59, v58  }
0x84: {  	v43 =	vld [tilespmem:s24+$0x510];
	v58 =	vadd.f32 v13, v24;
	v15 =	vadd.f32 v15, v19  }
0x85: {  	v37 =	vld [tilespmem:s24+$0x520];
	v63 =	vmul.f32 v44, v60;
	v60 =	vadd.f32 v28, v54;
	(v2sf) =	vpush v49, $0x3  }
0x86: {  	v52 =	vld [tilespmem:s24+$0x4520];
	(v2sf) =	vpush v49, $0x4;
	v20 =	vadd.f32 v62, v61;
	v57 =	vperm.xlane v15, v12  }
0x87: {  	v30 =	vld [tilespmem:s24+$0x4510];
	v59 =	vmul.f32 v47, v7;
	v61 =	vadd.f32 v21, v24;
	(v2sf) =	vpush v49, $0x5  }
0x88: {  	[dreg:$0xe] =	wrdreg s0;
	v0 =	vmul.f32 v0, v56;
	v32 =	vld [tilespmem:s24+$0x540];
	(v2sf) =	vpush v49, $0x6;
	v53 =	vadd.f32 v15, v57  }
0x89: {  	[dreg:$0xf] =	wrdreg s1;
	v19 =	vld [tilespmem:s24+$0x4530];
	v62 =	vadd.f32 $0.0e+00, v59;
	(v2sf) =	vpush v49, $0x7  }
0x8a: {  	v5 =	vmul.f32 v11, v5;
	v0 =	vadd.f32 v0, v20;
	v20 =	vld [tilespmem:s24+$0x4540];
	(v2sf) =	vpush v53, $0x0  }
0x8b: {  	v21 =	vadd.f32 v63, v62;
	v62 =	vadd.f32 v22, v54;
	v49 =	vld [tilespmem:$0x1FFF0]  }
0x8c: {  	v56 =	vmul.f32 v38, v48;
	v0 =	vadd.f32 v5, v0;
	(v2sf) =	vpush v53, $0x1  }
0x8d: {  	v57 =	vadd.f32 v39, v54;
	(v2sf) =	vpush v53, $0x2  }
0x8e: {  	v5 =	vmul.f32 v16, v58;
	v58 =	vadd.f32 v56, v21;
	(v2sf) =	vpush v53, $0x3  }
0x8f: {  	v56 =	vadd.f32 v9, v54;
	(v2sf) =	vpush v53, $0x4  }
0x90: {  	v0 =	vadd.f32 v5, v0;
	(v2sf) =	vpush v53, $0x5;
	v16 =	vmul.f32 v49, v61  }
0x91: {  	v59 =	vmul.f32 v27, v57;
	v26 =	vld [tilespmem:s24+$0x550];
	(v2sf) =	vpush v53, $0x6;
	v49 =	vbroadcast v1, $0x4  }
0x92: {  	v15 =	vld [tilespmem:s24+$0x4550];
	(v2sf) =	vpush v53, $0x7;
	v0 =	vadd.f32 v16, v0  }
0x93: {  	v6 =	vmul.f32 v6, v60;
	v13 =	vld [tilespmem:s24+$0x560];
	v16 =	vadd.f32 v59, v58;
	v53 =	vadd.f32 v41, v49  }
0x94: {  	v7 =	vld [tilespmem:s24+$0x4560];
	v57 =	vadd.f32 v42, v49;
	v59 =	vadd.f32 v36, v49;
	v41 =	vbroadcast v1, $0x5  }
0x95: {  	v3 =	vmul.f32 v3, v56;
	v11 =	vld [tilespmem:s24+$0x570];
	v23 =	vadd.f32 v23, v49;
	v63 =	vadd.f32 v6, v16  }
0x96: {  	v5 =	vld [tilespmem:s24+$0x4570];
	v61 =	vperm.xlane v0, v12;
	v16 =	vadd.f32 v40, v49;
	v45 =	vadd.f32 v45, v41  }
0x97: {  	v48 =	vld [tilespmem:s24+$0x580];
	v6 =	vmul.f32 v33, v53;
	v53 =	vadd.f32 v10, v49;
	v54 =	vadd.f32 v43, v41  }
0x98: {  	v39 =	vld [tilespmem:s24+$0x4580];
	v60 =	vmul.f32 v18, v59;
	v56 =	vadd.f32 v37, v41;
	v59 =	vadd.f32 v31, v41  }
0x99: {  	v4 =	vmul.f32 v4, v62;
	v47 =	vld [tilespmem:s24+$0x590];
	v26 =	vadd.f32 v26, v41;
	v13 =	vadd.f32 v13, v41  }
0x9a: {  	v28 =	vld [tilespmem:s24+$0x4590];
	v11 =	vadd.f32 v11, v41;
	v24 =	vadd.f32 v0, v61;
	v40 =	vmul.f32 v35, v16  }
0x9b: {  	v2 =	vmul.f32 v8, v2;
	v46 =	vld [tilespmem:s24+$0x5A0];
	v0 =	vadd.f32 v4, v63;
	v61 =	vadd.f32 v29, v49  }
0x9c: {  	v27 =	vld [tilespmem:s24+$0x45A0];
	v29 =	vmul.f32 v14, v23;
	v14 =	vadd.f32 v51, v49;
	v4 =	vadd.f32 $0.0e+00, v40  }
0x9d: {  	v44 =	vld [tilespmem:s24+$0x5B0];
	(v2sf) =	vpush v24, $0x0;
	v2 =	vadd.f32 v2, v0  }
0x9e: {  	v22 =	vld [tilespmem:s24+$0x45B0];
	v58 =	vmul.f32 v25, v57;
	(v2sf) =	vpush v24, $0x1;
	v4 =	vadd.f32 v6, v4  }
0x9f: {  	v38 =	vld [tilespmem:s24+$0x5C0];
	(v2sf) =	vpush v24, $0x2;
	v2 =	vadd.f32 v3, v2;
	v6 =	vmul.f32 v34, v45  }
0xa0: {  	v42 =	vld [tilespmem:s24+$0x610];
	v10 =	vmul.f32 v30, v54;
	(v2sf) =	vpush v24, $0x3;
	v4 =	vadd.f32 v58, v4  }
0xa1: {  	s0 =	spop (v2sf);
	v34 =	vld [tilespmem:s24+$0x640];
	(v2sf) =	vpush v24, $0x4;
	v62 =	vperm.xlane v2, v12;
	v6 =	vadd.f32 $0.0e+00, v6  }
0xa2: {  	v21 =	vld [tilespmem:s24+$0x45C0];
	s1 =	spop (v2sf);
	v58 =	vmul.f32 v52, v56;
	(v2sf) =	vpush v24, $0x5;
	v4 =	vadd.f32 v60, v4  }
0xa3: {  	s2 =	spop (v2sf);
	v33 =	vld [tilespmem:s24+$0x600];
	v56 =	vbroadcast v1, $0x7;
	(v2sf) =	vpush v24, $0x6;
	v40 =	vadd.f32 v2, v62  }
0xa4: {  	v8 =	vld [tilespmem:s24+$0x45E0];
	v63 =	vmul.f32 v17, v61;
	v6 =	vadd.f32 v10, v6;
	v60 =	vadd.f32 v32, v41  }
0xa5: {  	v9 =	vld [tilespmem:s24+$0x5F0];
	s3 =	spop (v2sf);
	v19 =	vmul.f32 v19, v59;
	v59 =	vadd.f32 v42, v56;
	(v2sf) =	vpush v24, $0x7  }
0xa6: {  	v36 =	vld [tilespmem:s24+$0x620];
	v34 =	vadd.f32 v34, v56;
	v25 =	vadd.f32 v63, v4  }
0xa7: {  	s4 =	spop (v2sf);
	v18 =	vld [tilespmem:s24+$0x4620];
	(v2sf) =	vpush v40, $0x0;
	v6 =	vadd.f32 v58, v6  }
0xa8: {  	s6 =	spop (v2sf);
	v35 =	vld [tilespmem:s24+$0x5D0];
	v63 =	vbroadcast v1, $0x6;
	v58 =	vadd.f32 v33, v56;
	(v2sf) =	vpush v40, $0x1  }
0xa9: {  	v31 =	vld [tilespmem:s24+$0x650];
	s5 =	spop (v2sf);
	v15 =	vmul.f32 v15, v26;
	v2 =	vadd.f32 v29, v25;
	(v2sf) =	vpush v40, $0x2  }
0xaa: {  	v37 =	vld [tilespmem:s24+$0x4680];
	v7 =	vmul.f32 v7, v13;
	v19 =	vadd.f32 v19, v6;
	v45 =	vadd.f32 v48, v63  }
0xab: {  	v43 =	vld [tilespmem:s24+$0x6E0];
	v4 =	vmul.f32 v50, v53;
	v48 =	vadd.f32 v47, v63;
	v49 =	vadd.f32 v46, v63  }
0xac: {  	v0 =	vld [tilespmem:s24+$0x5E0];
	v20 =	vmul.f32 v20, v60;
	v51 =	vadd.f32 v44, v63;
	v53 =	vadd.f32 v38, v63  }
0xad: {  	v16 =	vld [tilespmem:s24+$0x45D0];
	v57 =	vmul.f32 v55, v14;
	v55 =	vadd.f32 v35, v63;
	v2 =	vadd.f32 v4, v2  }
0xae: {  	v23 =	vld [tilespmem:s24+$0x4610];
	s13 =	spop (v2sf);
	(v2sf) =	vpush v40, $0x3;
	v19 =	vadd.f32 v20, v19;
	v26 =	vmul.f32 v39, v45  }
0xaf: {  	v13 =	vld [tilespmem:s24+$0x6A0];
	v5 =	vmul.f32 v5, v11;
	s11 =	spop (v2sf);
	(v2sf) =	vpush v40, $0x4;
	v2 =	vadd.f32 v57, v2  }
0xb0: {  	v11 =	vld [tilespmem:s24+$0x6B0];
	s16 =	spop (v2sf);
	v28 =	vmul.f32 v28, v48;
	v15 =	vadd.f32 v15, v19;
	v26 =	vadd.f32 $0.0e+00, v26  }
0xb1: {  	v17 =	vld [tilespmem:s24+$0x4600];
	s17 =	spop (v2sf);
	v0 =	vadd.f32 v0, v63;
	(v2sf) =	vpush v40, $0x5;
	v61 =	vperm.xlane v2, v12  }
0xb2: {  	s0 =	sadd.f32 s1, s0;
	v14 =	vld [tilespmem:s24+$0x4650];
	s19 =	spop (v2sf);
	v50 =	vmul.f32 v27, v49;
	v7 =	vadd.f32 v7, v15;
	v15 =	vadd.f32 v28, v26  }
0xb3: {  	s1 =	sadd.f32 s3, s2;
	v3 =	vld [tilespmem:s24+$0x45F0];
	s22 =	spop (v2sf);
	(v2sf) =	vpush v40, $0x6;
	v62 =	vadd.f32 v2, v61  }
0xb4: {  	s4 =	sadd.f32 s6, s4;
	s28 =	spop (v2sf);
	v24 =	vld [tilespmem:s24+$0x630];
	(v2sf) =	vpush v40, $0x7;
	v52 =	vadd.f32 v50, v15;
	v15 =	vmul.f32 v22, v51  }
0xb5: {  	s5 =	sadd.f32 s13, s5;
	v10 =	vld [tilespmem:s24+$0x660];
	s23 =	spop (v2sf);
	v5 =	vadd.f32 v5, v7;
	(v2sf) =	vpush v62, $0x0  }
0xb6: {  	s6 =	sadd.f32 s1, s0;
	v41 =	vld [tilespmem:s24+$0x46A0];
	s7 =	spop (v2sf);
	v7 =	vadd.f32 v15, v52;
	v15 =	vmul.f32 v21, v53;
	(v2sf) =	vpush v62, $0x1  }
0xb7: {  	s2 =	sadd.f32 s5, s4;
	v60 =	vld [tilespmem:s24+$0x700];
	v44 =	vadd.f32 v31, v56;
	s20 =	spop (v2sf);
	(v2sf) =	vpush v62, $0x2  }
0xb8: {  	s16 =	sadd.f32 s16, s11;
	v25 =	vld [tilespmem:s24+$0x4630];
	s26 =	spop (v2sf);
	v57 =	vadd.f32 v15, v7;
	v15 =	vmul.f32 v16, v55;
	(v2sf) =	vpush v62, $0x3  }
0xb9: {  	s2 =	sadd.f32 s2, s6;
	v29 =	vld [tilespmem:s24+$0x4640];
	v24 =	vadd.f32 v24, v56;
	s30 =	spop (v2sf);
	v16 =	vmul.f32 v17, v58;
	(v2sf) =	vpush v62, $0x4  }
0xba: {  	s17 =	sadd.f32 s19, s17;
	v6 =	vld [tilespmem:s24+$0x670];
	v0 =	vmul.f32 v8, v0;
	s31 =	spop (v2sf);
	v15 =	vadd.f32 v15, v57;
	(v2sf) =	vpush v62, $0x5  }
0xbb: {  	[dreg:$0x10] =	wrdreg s2;
	v38 =	vld [tilespmem:s24+$0x6D0];
	s18 =	spop (v2sf);
	v54 =	vperm.xlane v5, v12;
	v16 =	vadd.f32 $0.0e+00, v16;
	(v2sf) =	vpush v62, $0x6  }
0xbc: {  	s19 =	sadd.f32 s28, s22;
	v47 =	vld [tilespmem:s24+$0x4740];
	s21 =	spop (v2sf);
	v17 =	vmul.f32 v23, v59;
	(v2sf) =	vpush v62, $0x7;
	v62 =	vadd.f32 v36, v56  }
0xbd: {  	s5 =	sadd.f32 s17, s16;
	v46 =	vbroadcast v1, $0x8;
	v35 =	vld [tilespmem:s24+$0x47A0];
	v61 =	vadd.f32 v9, v63;
	s25 =	spop (v2sf);
	v27 =	vadd.f32 v5, v54  }
0xbe: {  	[dreg:$0x13] =	wrdreg s7;
	v31 =	vld [tilespmem:s24+$0x940];
	s29 =	spop (v2sf);
	v0 =	vadd.f32 v0, v15;
	v15 =	vadd.f32 v17, v16;
	v23 =	vmul.f32 v18, v62  }
0xbf: {  	s22 =	rddreg [dreg:$0x13];
	v10 =	vadd.f32 v10, v56;
	v4 =	vld [tilespmem:s24+$0x4660];
	v13 =	vadd.f32 v13, v46;
	v3 =	vmul.f32 v3, v61;
	s8 =	spop (v2sf)  }
0xc0: {  	s23 =	sadd.f32 s22, s23;
	v20 =	vld [tilespmem:s24+$0x680];
	v33 =	vmul.f32 v25, v24;
	s9 =	spop (v2sf);
	(v2sf) =	vpush v27, $0x0;
	v15 =	vadd.f32 v23, v15  }
0xc1: {  	v39 =	vld [tilespmem:s24+$0x6C0];
	s17 =	sadd.f32 s31, s30;
	s10 =	spop (v2sf);
	v0 =	vadd.f32 v3, v0;
	(v2sf) =	vpush v27, $0x1  }
0xc2: {  	v8 =	vld [tilespmem:s24+$0x4710];
	v42 =	vmul.f32 v29, v34;
	[dreg:$0x12] =	wrdreg s18;
	s12 =	spop (v2sf);
	(v2sf) =	vpush v27, $0x2;
	v15 =	vadd.f32 v33, v15  }
0xc3: {  	v6 =	vadd.f32 v6, v56;
	v2 =	vld [tilespmem:s24+$0x4670];
	[dreg:$0x15] =	wrdreg s21;
	s14 =	spop (v2sf);
	v36 =	vperm.xlane v0, v12;
	(v2sf) =	vpush v27, $0x3  }
0xc4: {  	v45 =	vld [tilespmem:s24+$0x740];
	v14 =	vmul.f32 v14, v44;
	[dreg:$0x14] =	wrdreg s25;
	s15 =	spop (v2sf);
	(v2sf) =	vpush v27, $0x4;
	v15 =	vadd.f32 v42, v15  }
0xc5: {  	v48 =	vld [tilespmem:s24+$0x750];
	[dreg:$0x17] =	wrdreg s29;
	s18 =	spop (v2sf);
	v0 =	vadd.f32 v0, v36;
	(v2sf) =	vpush v27, $0x5  }
0xc6: {  	v19 =	vld [tilespmem:s24+$0x690];
	v4 =	vmul.f32 v4, v10;
	[dreg:$0x16] =	wrdreg s8;
	s29 =	spop (v2sf);
	(v2sf) =	vpush v27, $0x6;
	v14 =	vadd.f32 v14, v15  }
0xc7: {  	v13 =	vmul.f32 v41, v13;
	v41 =	vld [tilespmem:s24+$0x800];
	[dreg:$0x18] =	wrdreg s9;
	(v2sf) =	vpush v27, $0x7;
	s21 =	spop (v2sf)  }
0xc8: {  	v40 =	vld [tilespmem:s24+$0x4690];
	v2 =	vmul.f32 v2, v6;
	s30 =	rddreg [dreg:$0x16];
	(v2sf) =	vpush v0, $0x0;
	s25 =	spop (v2sf);
	v4 =	vadd.f32 v4, v14  }
0xc9: {  	v25 =	vld [tilespmem:s24+$0x4730];
	[dreg:$0x19] =	wrdreg s10;
	(v2sf) =	vpush v0, $0x1;
	s8 =	spop (v2sf)  }
0xca: {  	v34 =	vld [tilespmem:s24+$0x47B0];
	s31 =	rddreg [dreg:$0x18];
	(v2sf) =	vpush v0, $0x2;
	s9 =	spop (v2sf);
	v2 =	vadd.f32 v2, v4  }
0xcb: {  	v28 =	vld [tilespmem:s24+$0x46B0];
	[dreg:$0x1a] =	wrdreg s12;
	(v2sf) =	vpush v0, $0x3;
	s10 =	spop (v2sf)  }
0xcc: {  	v26 =	vld [tilespmem:s24+$0x46C0];
	[dreg:$0x1b] =	wrdreg s14;
	(v2sf) =	vpush v0, $0x4;
	s12 =	spop (v2sf);
	v56 =	vperm.xlane v2, v12  }
0xcd: {  	v49 =	vadd.f32 v20, v46;
	v10 =	vld [tilespmem:s24+$0x770];
	[dreg:$0x1d] =	wrdreg s15;
	(v2sf) =	vpush v0, $0x5;
	s14 =	spop (v2sf)  }
0xce: {  	v22 =	vld [tilespmem:s24+$0x46D0];
	[dreg:$0x1e] =	wrdreg s18;
	(v2sf) =	vpush v0, $0x6;
	s15 =	spop (v2sf);
	v2 =	vadd.f32 v2, v56  }
0xcf: {  	v9 =	vld [tilespmem:s24+$0x4700];
	v19 =	vadd.f32 v19, v46;
	v17 =	vmul.f32 v37, v49;
	[dreg:$0x1c] =	wrdreg s21;
	(v2sf) =	vpush v0, $0x7;
	s18 =	spop (v2sf)  }
0xd0: {  	v63 =	vld [tilespmem:s24+$0x710];
	[dreg:$0x1f] =	wrdreg s25;
	s21 =	spop (v2sf);
	(v2sf) =	vpush v2, $0x0  }
0xd1: {  	v50 =	vld [tilespmem:s24+$0x4750];
	v19 =	vmul.f32 v40, v19;
	v17 =	vadd.f32 $0.0e+00, v17;
	[smem:$0x7E6] =	sst s8;
	s25 =	spop (v2sf);
	(v2sf) =	vpush v2, $0x1  }
0xd2: {  	v11 =	vadd.f32 v11, v46;
	v51 =	vld [tilespmem:s24+$0x780];
	[smem:$0x7EE] =	sst s25;
	s25 =	spop (v2sf);
	(v2sf) =	vpush v2, $0x2  }
0xd3: {  	v21 =	vld [tilespmem:s24+$0x6F0];
	v14 =	vadd.f32 v19, v17;
	[smem:$0x7ED] =	sst s21;
	s21 =	spop (v2sf);
	(v2sf) =	vpush v2, $0x3  }
0xd4: {  	v44 =	vbroadcast v1, $0xA;
	v52 =	vld [tilespmem:s24+$0x4780];
	[smem:$0x7EC] =	sst s18;
	s18 =	spop (v2sf);
	(v2sf) =	vpush v2, $0x4  }
0xd5: {  	v53 =	vld [tilespmem:s24+$0x790];
	v11 =	vmul.f32 v28, v11;
	v54 =	vadd.f32 v13, v14;
	v14 =	vadd.f32 v39, v46;
	[smem:$0x7EB] =	sst s15;
	s15 =	spop (v2sf)  }
0xd6: {  	v7 =	vld [tilespmem:s24+$0x46E0];
	v58 =	vadd.f32 v38, v46;
	v57 =	vbroadcast v1, $0x9;
	[smem:$0x7E7] =	sst s9;
	s9 =	spop (v2sf)  }
0xd7: {  	v5 =	vld [tilespmem:s24+$0x46F0];
	v6 =	vadd.f32 v51, v44;
	[smem:$0x7E8] =	sst s10;
	v4 =	vadd.f32 v11, v54;
	v14 =	vmul.f32 v26, v14;
	s8 =	spop (v2sf)  }
0xd8: {  	v55 =	vld [tilespmem:s24+$0x7A0];
	v30 =	vadd.f32 v60, v57;
	v62 =	vadd.f32 v63, v57;
	[smem:$0x7E9] =	sst s12;
	s10 =	spop (v2sf)  }
0xd9: {  	v59 =	vld [tilespmem:s24+$0x7B0];
	v61 =	vmul.f32 v22, v58;
	v63 =	vadd.f32 v43, v46;
	[smem:$0x7EA] =	sst s14;
	v60 =	vadd.f32 v14, v4;
	s12 =	spop (v2sf)  }
0xda: {  	v22 =	vld [tilespmem:s24+$0x47D0];
	v21 =	vadd.f32 v21, v46;
	s9 =	sadd.f32 s9, s15;
	s14 =	spop (v2sf)  }
0xdb: {  	v6 =	vmul.f32 v52, v6;
	v52 =	vld [tilespmem:s24+$0x4830];
	v7 =	vmul.f32 v7, v63;
	v0 =	vadd.f32 v61, v60;
	[smem:$0x7EF] =	sst s8;
	s8 =	spop (v2sf)  }
0xdc: {  	v51 =	vadd.f32 v53, v44;
	v53 =	vld [tilespmem:s24+$0x840];
	(v2sf) =	vpush v2, $0x5;
	[smem:$0x7F2] =	sst s14;
	s14 =	spop (v2sf)  }
0xdd: {  	v37 =	vld [tilespmem:s24+$0x7E0];
	v5 =	vmul.f32 v5, v21;
	v0 =	vadd.f32 v7, v0;
	(v2sf) =	vpush v2, $0x6;
	[smem:$0x7F1] =	sst s12;
	s12 =	spop (v2sf)  }
0xde: {  	v40 =	vadd.f32 v45, v57;
	v45 =	vld [tilespmem:s24+$0x4810];
	(v2sf) =	vpush v2, $0x7;
	[smem:$0x7F3] =	sst s8;
	s8 =	spop (v2sf)  }
0xdf: {  	v16 =	vadd.f32 v48, v57;
	v48 =	vld [tilespmem:s24+$0x820];
	v0 =	vadd.f32 v5, v0;
	[smem:$0x7F0] =	sst s10;
	s10 =	spop (v2sf)  }
0xe0: {  	v49 =	vld [tilespmem:s24+$0x4820];
	[smem:$0x7F4] =	sst s10;
	s10 =	spop (v2sf)  }
0xe1: {  	v58 =	vadd.f32 v59, v44;
	v59 =	vld [tilespmem:s24+$0x4850];
	v43 =	vperm.xlane v0, v12;
	s1 =	sadd.f32 s8, s12;
	s3 =	spop (v2sf)  }
0xe2: {  	v3 =	vld [tilespmem:s24+$0x4720];
	[smem:$0x7F5] =	sst s3;
	s7 =	spop (v2sf)  }
0xe3: {  	v18 =	vld [tilespmem:s24+$0x720];
	v0 =	vadd.f32 v0, v43;
	s13 =	spop (v2sf);
	s8 =	sld [smem:$0x7F5]  }
0xe4: {  	v23 =	vld [tilespmem:s24+$0x730];
	[smem:$0x7F6] =	sst s13  }
0xe5: {  	v9 =	vmul.f32 v9, v30;
	v63 =	vld [tilespmem:s24+$0x870];
	(v2sf) =	vpush v0, $0x0;
	s13 =	sadd.f32 s23, s19  }
0xe6: {  	v8 =	vmul.f32 v8, v62;
	v62 =	vmul.f32 v34, v58;
	v58 =	vld [tilespmem:s24+$0x4910];
	s19 =	rddreg [dreg:$0x12]  }
0xe7: {  	v9 =	vadd.f32 $0.0e+00, v9;
	v36 =	vld [tilespmem:s24+$0x890];
	s23 =	rddreg [dreg:$0x14]  }
0xe8: {  	v33 =	vld [tilespmem:s24+$0x4770];
	(v2sf) =	vpush v0, $0x1;
	s6 =	sadd.f32 s13, s5  }
0xe9: {  	v8 =	vadd.f32 v8, v9;
	v9 =	vld [tilespmem:s24+$0x47E0];
	(v2sf) =	vpush v0, $0x2;
	s13 =	sadd.f32 s26, s20  }
0xea: {  	v27 =	vld [tilespmem:s24+$0x4760];
	s20 =	rddreg [dreg:$0x15]  }
0xeb: {  	v42 =	vmul.f32 v47, v40;
	v40 =	vld [tilespmem:s24+$0x8A0];
	s3 =	spop (v2sf);
	s26 =	rddreg [dreg:$0x17]  }
0xec: {  	v18 =	vadd.f32 v18, v57;
	v13 =	vld [tilespmem:s24+$0x4790];
	s11 =	spop (v2sf);
	s22 =	sadd.f32 s20, s19  }
0xed: {  	v38 =	vadd.f32 v23, v57;
	v23 =	vld [tilespmem:s24+$0x7F0];
	s0 =	spop (v2sf);
	s19 =	rddreg [dreg:$0x1a]  }
0xee: {  	v3 =	vmul.f32 v3, v18;
	v18 =	vld [tilespmem:s24+$0x810];
	s0 =	sadd.f32 s0, s11  }
0xef: {  	v15 =	vld [tilespmem:s24+$0x760];
	[dreg:$0x11] =	wrdreg s6  }
0xf0: {  	v3 =	vadd.f32 v3, v8;
	v19 =	vld [tilespmem:s24+$0x48F0];
	v39 =	vmul.f32 v25, v38;
	s5 =	sadd.f32 s17, s13  }
0xf1: {  	v6 =	vadd.f32 $0.0e+00, v6;
	v54 =	vadd.f32 v55, v44;
	v14 =	vld [tilespmem:s24+$0x7C0];
	v13 =	vmul.f32 v13, v51;
	s6 =	sadd.f32 s31, s30  }
0xf2: {  	v3 =	vadd.f32 v39, v3;
	v4 =	vld [tilespmem:s24+$0x7D0];
	s17 =	rddreg [dreg:$0x19]  }
0xf3: {  	v26 =	vld [tilespmem:s24+$0x47C0];
	v6 =	vadd.f32 v13, v6;
	v13 =	vmul.f32 v35, v54;
	s20 =	sadd.f32 s19, s17  }
0xf4: {  	v47 =	vmul.f32 v50, v16;
	v38 =	vld [tilespmem:s24+$0x4890];
	v50 =	vadd.f32 v15, v57;
	v46 =	vadd.f32 v42, v3;
	s28 =	spop (v2sf);
	s17 =	sld [smem:$0x7E7]  }
0xf5: {  	v25 =	vld [tilespmem:s24+$0x9F0];
	v61 =	vadd.f32 v13, v6;
	[smem:$0x7F7] =	sst s28  }
0xf6: {  	v15 =	vld [tilespmem:s24+$0x830];
	v3 =	vmul.f32 v27, v50;
	v14 =	vadd.f32 v14, v44;
	v2 =	vadd.f32 v47, v46;
	s28 =	sadd.f32 s26, s23  }
0xf7: {  	v10 =	vadd.f32 v10, v57;
	v57 =	vld [tilespmem:s24+$0x850];
	v4 =	vadd.f32 v4, v44;
	s4 =	spop (v2sf);
	s23 =	rddreg [dreg:$0x1d]  }
0xf8: {  	v55 =	vld [tilespmem:s24+$0x4840];
	v14 =	vmul.f32 v26, v14;
	v2 =	vadd.f32 v3, v2;
	v3 =	vadd.f32 v62, v61;
	[smem:$0x7F8] =	sst s4;
	s16 =	spop (v2sf)  }
0xf9: {  	v56 =	vmul.f32 v33, v10;
	v33 =	vld [tilespmem:s24+$0x880];
	[smem:$0x7F9] =	sst s16  }
0xfa: {  	v42 =	vld [tilespmem:s24+$0x8B0];
	v4 =	vmul.f32 v22, v4;
	v3 =	vadd.f32 v14, v3;
	v14 =	vadd.f32 v37, v44;
	s13 =	sadd.f32 s28, s22  }
0xfb: {  	v60 =	vld [tilespmem:s24+$0x860];
	v2 =	vadd.f32 v56, v2;
	v37 =	vbroadcast v1, $0xB;
	(v2sf) =	vpush v0, $0x3;
	s22 =	rddreg [dreg:$0x1b]  }
0xfc: {  	v35 =	vld [tilespmem:s24+$0x4880];
	v3 =	vadd.f32 v4, v3;
	v39 =	vmul.f32 v9, v14;
	v14 =	vadd.f32 v23, v44;
	s28 =	rddreg [dreg:$0x1e]  }
0xfd: {  	v54 =	vld [tilespmem:s24+$0x4900];
	v21 =	vadd.f32 v41, v37;
	v8 =	vadd.f32 v48, v37;
	s16 =	sadd.f32 s20, s6  }
0xfe: {  	v7 =	vld [tilespmem:s24+$0x47F0];
	v15 =	vadd.f32 v15, v37;
	(v2sf) =	vpush v0, $0x4;
	s6 =	rddreg [dreg:$0x1f]  }
0xff: {  	v13 =	vld [tilespmem:s24+$0x4860];
	v56 =	vbroadcast v1, $0xC;
	v11 =	vadd.f32 v53, v37;
	(v2sf) =	vpush v0, $0x5;
	s20 =	sld [smem:$0x7E8]  }
0x100: {  	v5 =	vld [tilespmem:s24+$0x4800];
	v10 =	vadd.f32 v57, v37;
	v27 =	vadd.f32 v60, v37;
	s26 =	sadd.f32 s23, s22  }
0x101: {  	v6 =	vld [tilespmem:s24+$0x4870];
	v17 =	vadd.f32 v63, v37;
	v62 =	vadd.f32 v36, v56;
	s29 =	sadd.f32 s29, s28  }
0x102: {  	v46 =	vld [tilespmem:s24+$0x8D0];
	v32 =	vperm.xlane v2, v12;
	v9 =	vadd.f32 v40, v56;
	(v2sf) =	vpush v0, $0x6;
	s22 =	sld [smem:$0x7E9]  }
0x103: {  	v43 =	vld [tilespmem:s24+$0x48B0];
	v4 =	vadd.f32 v42, v56;
	(v2sf) =	vpush v0, $0x7;
	s28 =	sld [smem:$0x7EB]  }
0x104: {  	v53 =	vld [tilespmem:s24+$0x900];
	v34 =	vadd.f32 v2, v32;
	v3 =	vadd.f32 v39, v3;
	v7 =	vmul.f32 v7, v14;
	s31 =	sadd.f32 s13, s5  }
0x105: {  	v60 =	vld [tilespmem:s24+$0x920];
	v5 =	vmul.f32 v5, v21;
	v14 =	vadd.f32 v18, v37;
	v51 =	vmul.f32 v52, v15;
	s5 =	rddreg [dreg:$0x1c]  }
0x106: {  	v15 =	vld [tilespmem:s24+$0x8F0];
	v52 =	vmul.f32 v55, v11;
	v55 =	vmul.f32 v59, v10;
	v59 =	vadd.f32 v33, v56;
	s30 =	sadd.f32 s29, s26  }
0x107: {  	v32 =	vbroadcast v1, $0xD;
	v39 =	vld [tilespmem:s24+$0x960];
	v3 =	vadd.f32 v7, v3;
	v5 =	vadd.f32 $0.0e+00, v5;
	s13 =	sadd.f32 s6, s5  }
0x108: {  	v61 =	vld [tilespmem:s24+$0x4920];
	v45 =	vmul.f32 v45, v14;
	v2 =	vmul.f32 v35, v59;
	(v2sf) =	vpush v34, $0x0;
	s26 =	sld [smem:$0x7EA]  }
0x109: {  	v44 =	vld [tilespmem:s24+$0x8C0];
	v11 =	vadd.f32 v53, v32;
	(v2sf) =	vpush v34, $0x1;
	[smem:$0x7FA] =	sst s31  }
0x10a: {  	v41 =	vld [tilespmem:s24+$0x48A0];
	v5 =	vadd.f32 v45, v5;
	v2 =	vadd.f32 $0.0e+00, v2;
	s23 =	sadd.f32 s22, s20  }
0x10b: {  	v48 =	vld [tilespmem:s24+$0x48D0];
	v47 =	vperm.xlane v3, v12;
	v45 =	vadd.f32 v60, v32;
	(v2sf) =	vpush v34, $0x2;
	s20 =	sld [smem:$0x7ED]  }
0x10c: {  	v8 =	vmul.f32 v49, v8;
	v49 =	vld [tilespmem:s24+$0x8E0];
	v53 =	vadd.f32 v15, v56;
	v23 =	vadd.f32 v39, v32;
	s4 =	spop (v2sf);
	s2 =	sadd.f32 s30, s16  }
0x10d: {  	v63 =	vld [tilespmem:s24+$0x930];
	(v2sf) =	vpush v34, $0x3;
	v50 =	vadd.f32 v3, v47;
	s31 =	spop (v2sf);
	s16 =	sld [smem:$0x7E6]  }
0x10e: {  	v57 =	vld [tilespmem:s24+$0x910];
	v5 =	vadd.f32 v8, v5;
	v8 =	vmul.f32 v38, v62;
	v38 =	vadd.f32 v44, v56;
	s29 =	spop (v2sf);
	s6 =	sadd.f32 s28, s26  }
0x10f: {  	v42 =	vld [tilespmem:s24+$0x4960];
	v44 =	vadd.f32 v46, v56;
	(v2sf) =	vpush v34, $0x4;
	s31 =	sadd.f32 s29, s31  }
0x110: {  	v35 =	vld [tilespmem:s24+$0x950];
	(v2sf) =	vpush v34, $0x5;
	v5 =	vadd.f32 v51, v5;
	[smem:$0x7FB] =	sst s2  }
0x111: {  	v37 =	vld [tilespmem:s24+$0x4950];
	v2 =	vadd.f32 v8, v2;
	v47 =	vmul.f32 v48, v44;
	v48 =	vadd.f32 v49, v56;
	s30 =	spop (v2sf);
	s19 =	sadd.f32 s17, s16  }
0x112: {  	v21 =	vld [tilespmem:s24+$0x9C0];
	v51 =	vadd.f32 v63, v32;
	(v2sf) =	vpush v34, $0x6;
	s26 =	spop (v2sf);
	s16 =	sld [smem:$0x7F3]  }
0x113: {  	v14 =	vld [tilespmem:s24+$0x48C0];
	v40 =	vmul.f32 v54, v11;
	v56 =	vadd.f32 v31, v32;
	(v2sf) =	vpush v34, $0x7;
	s30 =	sadd.f32 s26, s30  }
0x114: {  	v54 =	vld [tilespmem:s24+$0x990];
	v5 =	vadd.f32 v52, v5;
	v34 =	vmul.f32 v41, v9;
	v41 =	vadd.f32 v57, v32;
	s5 =	sadd.f32 s19, s13  }
0x115: {  	v62 =	vld [tilespmem:s24+$0x9B0];
	v9 =	vadd.f32 v35, v32;
	(v2sf) =	vpush v50, $0x0;
	s13 =	sadd.f32 s6, s23  }
0x116: {  	v13 =	vmul.f32 v13, v27;
	v27 =	vld [tilespmem:s24+$0xA00];
	(v2sf) =	vpush v50, $0x1;
	v5 =	vadd.f32 v55, v5;
	s19 =	sld [smem:$0x7EC]  }
0x117: {  	v4 =	vmul.f32 v43, v4;
	v15 =	vld [tilespmem:s24+$0x9A0];
	v2 =	vadd.f32 v34, v2;
	(v2sf) =	vpush v50, $0x2;
	s6 =	sadd.f32 s18, s21  }
0x118: {  	v3 =	vld [tilespmem:s24+$0x48E0];
	v11 =	vmul.f32 v58, v41;
	v58 =	vbroadcast v1, $0xE;
	(v2sf) =	vpush v50, $0x3;
	s23 =	sld [smem:$0x7EE]  }
0x119: {  	v43 =	vmul.f32 v14, v38;
	v14 =	vld [tilespmem:s24+$0x970];
	v5 =	vadd.f32 v13, v5;
	v2 =	vadd.f32 v4, v2;
	s9 =	sadd.f32 s9, s6  }
0x11a: {  	v9 =	vmul.f32 v37, v9;
	v37 =	vld [tilespmem:s24+$0xA20];
	v7 =	vadd.f32 v54, v58;
	v8 =	vadd.f32 v62, v58;
	s6 =	sld [smem:$0x7F1]  }
0x11b: {  	v6 =	vmul.f32 v6, v17;
	v46 =	vld [tilespmem:s24+$0x4970];
	v26 =	vadd.f32 v21, v58;
	(v2sf) =	vpush v50, $0x4;
	s22 =	sadd.f32 s20, s19  }
0x11c: {  	v49 =	vld [tilespmem:s24+$0x980];
	v4 =	vadd.f32 v25, v58;
	(v2sf) =	vpush v50, $0x5;
	s2 =	sadd.f32 s25, s23  }
0x11d: {  	v52 =	vld [tilespmem:s24+$0x4980];
	v1 =	vbroadcast v1, $0xF;
	v5 =	vadd.f32 v6, v5;
	v2 =	vadd.f32 v43, v2;
	s28 =	spop (v2sf);
	s20 =	sadd.f32 s13, s5  }
0x11e: {  	v17 =	vmul.f32 v42, v23;
	v13 =	vld [tilespmem:s24+$0x4930];
	v6 =	vadd.f32 v14, v32;
	v14 =	vadd.f32 v15, v58;
	s25 =	spop (v2sf);
	s5 =	sld [smem:$0x7F0]  }
0x11f: {  	v32 =	vld [tilespmem:s24+$0xA10];
	(v2sf) =	vpush v50, $0x6;
	v42 =	vadd.f32 v37, v1;
	v36 =	vperm.xlane v5, v12;
	s25 =	sadd.f32 s25, s28  }
0x120: {  	v57 =	vmul.f32 v19, v53;
	(v2sf) =	vpush v50, $0x7;
	v2 =	vadd.f32 v47, v2;
	s17 =	sadd.f32 s2, s22  }
0x121: {  	v33 =	vld [tilespmem:s24+$0x4940];
	v3 =	vmul.f32 v3, v48;
	v0 =	vadd.f32 v5, v36;
	v5 =	vadd.f32 $0.0e+00, v40;
	s18 =	spop (v2sf);
	[smem:$0x7FC] =	sst s20  }
0x122: {  	v43 =	vld [tilespmem:s24+$0xA40];
	v50 =	vmul.f32 v61, v45;
	v61 =	vadd.f32 v49, v58;
	v6 =	vmul.f32 v46, v6;
	s21 =	spop (v2sf);
	s2 =	sld [smem:$0x7EF]  }
0x123: {  	v46 =	vld [tilespmem:s24+$0xA50];
	v55 =	vmul.f32 v13, v51;
	v2 =	vadd.f32 v3, v2;
	v5 =	vadd.f32 v11, v5;
	s18 =	sadd.f32 s21, s18  }
0x124: {  	v13 =	vld [tilespmem:s24+$0x4990];
	v3 =	vmul.f32 v52, v61;
	v36 =	vadd.f32 v27, v1;
	v39 =	vadd.f32 v32, v1;
	s22 =	sadd.f32 s9, s17  }
0x125: {  	v40 =	vld [tilespmem:s24+$0xA30];
	v2 =	vadd.f32 v57, v2;
	v5 =	vadd.f32 v50, v5;
	s9 =	sld [smem:$0x7F2]  }
0x126: {  	(v2sf) =	vpush v0, $0x0;
	v3 =	vadd.f32 $0.0e+00, v3;
	s23 =	spop (v2sf);
	s5 =	sadd.f32 s5, s2  }
0x127: {  	v60 =	vld [tilespmem:s24+$0x49A0];
	v59 =	vmul.f32 v33, v56;
	(v2sf) =	vpush v0, $0x1;
	v5 =	vadd.f32 v55, v5;
	s19 =	spop (v2sf);
	s2 =	sld [smem:$0x7F4]  }
0x128: {  	v54 =	vadd.f32 v46, v1;
	(v2sf) =	vpush v0, $0x2;
	s19 =	sadd.f32 s19, s23  }
0x129: {  	v63 =	vld [tilespmem:s24+$0x49B0];
	v7 =	vmul.f32 v13, v7;
	v50 =	vadd.f32 v43, v1;
	v5 =	vadd.f32 v59, v5;
	[smem:$0x7FD] =	sst s22  }
0x12a: {  	v13 =	vld [tilespmem:s24+$0x9D0];
	v28 =	vperm.xlane v2, v12;
	(v2sf) =	vpush v0, $0x3;
	v45 =	vadd.f32 v40, v1;
	s20 =	spop (v2sf);
	s22 =	sadd.f32 s14, s16  }
0x12b: {  	v22 =	vld [tilespmem:s24+$0x49C0];
	v3 =	vadd.f32 v7, v3;
	v5 =	vadd.f32 v9, v5;
	s17 =	spop (v2sf);
	s13 =	sadd.f32 s9, s6  }
0x12c: {  	v24 =	vld [tilespmem:s24+$0x9E0];
	v11 =	vmul.f32 v60, v14;
	(v2sf) =	vpush v0, $0x4;
	v2 =	vadd.f32 v2, v28;
	s17 =	sadd.f32 s17, s20  }
0x12d: {  	v15 =	vld [tilespmem:s24+$0x49D0];
	(v2sf) =	vpush v0, $0x5;
	v5 =	vadd.f32 v17, v5;
	s9 =	sadd.f32 s1, s22  }
0x12e: {  	v29 =	vld [tilespmem:s24+$0x4A00];
	v8 =	vmul.f32 v63, v8;
	v3 =	vadd.f32 v11, v3;
	(v2sf) =	vpush v0, $0x6;
	s6 =	sadd.f32 s10, s2  }
0x12f: {  	v14 =	vld [tilespmem:s24+$0x49E0];
	v31 =	vadd.f32 v13, v58;
	v5 =	vadd.f32 v6, v5;
	s2 =	sld [smem:$0x7F6]  }
0x130: {  	v35 =	vld [tilespmem:s24+$0x4A10];
	v30 =	vmul.f32 v22, v26;
	(v2sf) =	vpush v0, $0x7;
	v3 =	vadd.f32 v8, v3;
	s15 =	spop (v2sf);
	s22 =	sadd.f32 s7, s8  }
0x131: {  	v38 =	vld [tilespmem:s24+$0x4A20];
	v7 =	vadd.f32 v24, v58;
	(v2sf) =	vpush v2, $0x0;
	s14 =	spop (v2sf);
	s5 =	sadd.f32 s13, s5;
	v33 =	vperm.xlane v5, v12  }
0x132: {  	v51 =	vld [tilespmem:s24+$0xA60];
	v34 =	vmul.f32 v15, v31;
	(v2sf) =	vpush v2, $0x1;
	v3 =	vadd.f32 v30, v3;
	s12 =	spop (v2sf);
	s1 =	sadd.f32 s3, s2  }
0x133: {  	v13 =	vld [tilespmem:s24+$0x49F0];
	(v2sf) =	vpush v2, $0x2;
	s16 =	spop (v2sf);
	s3 =	sadd.f32 s22, s6;
	v0 =	vadd.f32 v5, v33;
	v5 =	vmul.f32 v29, v36  }
0x134: {  	v41 =	vld [tilespmem:s24+$0x4A30];
	v7 =	vmul.f32 v14, v7;
	(v2sf) =	vpush v2, $0x3;
	v3 =	vadd.f32 v34, v3;
	s10 =	spop (v2sf);
	s2 =	sld [smem:$0x7F8]  }
0x135: {  	v6 =	vmul.f32 v35, v39;
	(v2sf) =	vpush v2, $0x4;
	s8 =	spop (v2sf);
	s0 =	sadd.f32 s0, s1;
	v5 =	vadd.f32 $0.0e+00, v5  }
0x136: {  	v44 =	vld [tilespmem:s24+$0x4A40];
	(v2sf) =	vpush v2, $0x5;
	v3 =	vadd.f32 v7, v3;
	s7 =	spop (v2sf);
	s1 =	sld [smem:$0x7F7]  }
0x137: {  	v55 =	vld [tilespmem:s24+$0xA70];
	v7 =	vmul.f32 v38, v42;
	(v2sf) =	vpush v2, $0x6;
	s22 =	sadd.f32 s9, s5;
	s11 =	spop (v2sf);
	v5 =	vadd.f32 v6, v5  }
0x138: {  	v49 =	vld [tilespmem:s24+$0x4A50];
	v58 =	vadd.f32 v51, v1;
	v4 =	vmul.f32 v13, v4;
	(v2sf) =	vpush v2, $0x7;
	s6 =	spop (v2sf);
	s9 =	sadd.f32 s0, s3  }
0x139: {  	v48 =	vmul.f32 v41, v45;
	(v2sf) =	vpush v0, $0x0;
	s13 =	spop (v2sf);
	s0 =	sadd.f32 s2, s1;
	v47 =	vadd.f32 v7, v5  }
0x13a: {  	v53 =	vld [tilespmem:s24+$0x4A60];
	v3 =	vadd.f32 v4, v3;
	(v2sf) =	vpush v0, $0x1;
	s2 =	sld [smem:$0x7F9];
	s5 =	spop (v2sf)  }
0x13b: {  	s18 =	sadd.f32 s18, s25;
	v2 =	vmul.f32 v44, v50;
	(v2sf) =	vpush v0, $0x2;
	s3 =	spop (v2sf);
	v4 =	vadd.f32 v48, v47  }
0x13c: {  	v56 =	vld [tilespmem:s24+$0x4A70];
	v1 =	vadd.f32 v55, v1;
	s19 =	sadd.f32 s17, s19;
	v52 =	vperm.xlane v3, v12;
	(v2sf) =	vpush v0, $0x3;
	s24 =	spop (v2sf)  }
0x13d: {  	v57 =	vmul.f32 v49, v54;
	s4 =	sadd.f32 s4, s2;
	(v2sf) =	vpush v0, $0x4;
	s2 =	spop (v2sf);
	v2 =	vadd.f32 v2, v4  }
0x13e: {  	s14 =	sadd.f32 s14, s15;
	v3 =	vadd.f32 v3, v52;
	(v2sf) =	vpush v0, $0x5;
	s29 =	spop (v2sf)  }
0x13f: {  	v59 =	vmul.f32 v53, v58;
	s12 =	sadd.f32 s16, s12;
	(v2sf) =	vpush v0, $0x6;
	s1 =	spop (v2sf);
	v2 =	vadd.f32 v57, v2  }
0x140: {  	s0 =	sadd.f32 s4, s0;
	(v2sf) =	vpush v0, $0x7;
	s26 =	spop (v2sf)  }
0x141: {  	v1 =	vmul.f32 v56, v1;
	s4 =	sadd.f32 s30, s31;
	(v2sf) =	vpush v3, $0x0;
	s30 =	spop (v2sf);
	v60 =	vadd.f32 v59, v2  }
0x142: {  	s8 =	sadd.f32 s8, s10;
	(v2sf) =	vpush v3, $0x1;
	s28 =	spop (v2sf)  }
0x143: {  	s7 =	sadd.f32 s11, s7;
	(v2sf) =	vpush v3, $0x2;
	s21 =	spop (v2sf);
	v0 =	vadd.f32 v1, v60  }
0x144: {  	s12 =	sadd.f32 s12, s14;
	(v2sf) =	vpush v3, $0x3;
	s23 =	spop (v2sf)  }
0x145: {  	s7 =	sadd.f32 s7, s8;
	(v2sf) =	vpush v3, $0x4;
	s20 =	spop (v2sf);
	v1 =	vperm.xlane v0, v12  }
0x146: {  	s6 =	sadd.f32 s13, s6;
	(v2sf) =	vpush v3, $0x5;
	s25 =	spop (v2sf)  }
0x147: {  	s3 =	sadd.f32 s3, s5;
	(v2sf) =	vpush v3, $0x6;
	s31 =	spop (v2sf);
	v0 =	vadd.f32 v0, v1  }
0x148: {  	s17 =	sadd.f32 s4, s0;
	(v2sf) =	vpush v3, $0x7;
	s0 =	spop (v2sf)  }
0x149: {  	s4 =	sadd.f32 s19, s18;
	s18 =	spop (v2sf);
	(v2sf) =	vpush v0, $0x0  }
0x14a: {  	s7 =	sadd.f32 s7, s12;
	s15 =	spop (v2sf);
	(v2sf) =	vpush v0, $0x1  }
0x14b: {  	s2 =	sadd.f32 s2, s24;
	s16 =	spop (v2sf);
	(v2sf) =	vpush v0, $0x2  }
0x14c: {  	s1 =	sadd.f32 s1, s29;
	s10 =	spop (v2sf);
	(v2sf) =	vpush v0, $0x3  }
0x14d: {  	s3 =	sadd.f32 s3, s6;
	s11 =	spop (v2sf);
	(v2sf) =	vpush v0, $0x4  }
0x14e: {  	s1 =	sadd.f32 s1, s2;
	s14 =	spop (v2sf);
	(v2sf) =	vpush v0, $0x5  }
0x14f: {  	s26 =	sadd.f32 s30, s26;
	s8 =	spop (v2sf);
	(v2sf) =	vpush v0, $0x6  }
0x150: {  	s1 =	sadd.f32 s1, s3;
	s13 =	spop (v2sf);
	(v2sf) =	vpush v0, $0x7  }
0x151: {  	s21 =	sadd.f32 s21, s28;
	s5 =	spop (v2sf)  }
0x152: {  	s20 =	sadd.f32 s20, s23;
	s19 =	spop (v2sf)  }
0x153: {  	s25 =	sadd.f32 s31, s25;
	s24 =	spop (v2sf)  }
0x154: {  	s21 =	sadd.f32 s21, s26;
	s6 =	spop (v2sf)  }
0x155: {  	s20 =	sadd.f32 s25, s20;
	s2 =	spop (v2sf)  }
0x156: {  	s0 =	sadd.f32 s18, s0;
	s12 =	spop (v2sf)  }
0x157: {  	s18 =	rddreg [dreg:$0x11];
	s3 =	spop (v2sf)  }
0x158: {  	s25 =	sld [smem:$0x7FC];
	s29 =	spop (v2sf)  }
0x159: {  	s20 =	sadd.f32 s20, s21;
	s28 =	spop (v2sf)  }
0x15a: {  	s15 =	sadd.f32 s16, s15;
	s23 =	spop (v2sf)  }
0x15b: {  	s21 =	sld [smem:$0x7FA];
	s30 =	spop (v2sf)  }
0x15c: {  	s10 =	sadd.f32 s11, s10;
	s26 =	spop (v2sf)  }
0x15d: {  	s28 =	sadd.f32 s28, s29;
	s31 =	spop (v2sf)  }
0x15e: {  	s23 =	sadd.f32 s30, s23;
	s30 =	spop (v2sf)  }
0x15f: {  	s26 =	sadd.f32 s31, s26;
	s31 =	spop (v2sf)  }
0x160: {  	s29 =	sadd.f32 s31, s30  }
0x161: {  	s23 =	sadd.f32 s23, s28  }
0x162: {  	s26 =	sadd.f32 s29, s26  }
0x163: {  	s0 =	sadd.f32 s15, s0  }
0x164: {  	s23 =	sadd.f32 s26, s23  }
0x165: {  	s8 =	sadd.f32 s8, s14  }
0x166: {  	s31 =	rddreg [dreg:$0x10];
	v61 =	vmov s23  }
0x167: {  	s23 =	sld [smem:$0x7FB];
	v0 =	vsel vm0, s31, v61  }
0x168: {  	s8 =	sadd.f32 s8, s10;
	v0 =	vsel vm1, s18, v0  }
0x169: {  	s26 =	sld [smem:$0x7FD];
	v0 =	vsel vm2, s21, v0  }
0x16a: {  	s5 =	sadd.f32 s5, s13;
	v0 =	vsel vm3, s23, v0  }
0x16b: {  	s28 =	rddreg [dreg:$0xf];
	v0 =	vsel vm4, s25, v0  }
0x16c: {  	s0 =	sadd.f32 s8, s0;
	v62 =	vld [tilespmem:s28+$0x100];
	v0 =	vsel vm5, s26, v0  }
0x16d: {  	s2 =	sadd.f32 s2, s6;
	v63 =	vld [tilespmem:s28+$0x180];
	v0 =	vsel vm6, s22, v0  }
0x16e: {  	s3 =	sadd.f32 s3, s12;
	v0 =	vsel vm7, s9, v0  }
0x16f: {  	s29 =	sadd.f32 s24, s19;
	v0 =	vsel vm8, s17, v0  }
0x170: {  	s2 =	sadd.f32 s3, s2;
	v0 =	vsel vm9, s4, v0  }
0x171: {  	s5 =	sadd.f32 s29, s5;
	v0 =	vsel vm10, s7, v0  }
0x172: {  	v1 =	vadd.f32 v63, v62;
	s31 =	rddreg [dreg:$0xe];
	v0 =	vsel vm11, s1, v0  }
0x173: {  	s30 =	sadd.f32 s2, s5;
	p0 =	sne.s32 s31, $0x7;
	v0 =	vsel vm12, s20, v0  }
.Ltmp0:
0x174: {  	v1 =	vadd.f32 $3.500000000e+00, v1;
	v0 =	vsel vm13, s0, v0;
	(pc) =	sbr.rel @p0 .LBB2_2-.Ltmp0, $3  }
0x175: {  	v0 =	vsel vm14, s30, v0  }
0x176: {  	v0 =	vadd.f32 v0, v1;
	_ =	sdelay $0x1  }
0x177: {  	s0 =	sadd.s32 $0x1, s31;
	[tilespmem:s28+$0x8280] =	vst v0  }
0x178: {  	s7 =	simm.s32 $0x0  }
0x179: {  	s0 =	rddreg [dreg:$0xb];
	s1 =	simm.s32 $0x8280;
	s30 =	simm.s32 $0x2  }
0x17a: {  	[hbm4b:s0+s7] =	stream.linear.scatter [tilespmem:s1], [sflag:$0x2], $0x80, $0x38;
	[tilespmem:$0x8300] =	vst v63  }
0x17b: {  	_ =	swait.ge [sflag:s30], $0x80  }
0x17c: {  	s2 =	rddreg [dreg:$0xd]  }
0x17d: {  	s31 =	rddreg [dreg:$0xc];
	s2 =	sadd.s32 $0x1, s2  }
0x17e: {  	p0 =	sne.s32 s2, s31  }
.Ltmp1:
0x17f: {  	_ = 	snop;
	(pc) =	sbr.rel @p0 .LBB2_1-.Ltmp1, $3  }
0x180: {  	_ =	sdelay $0x1  }
0x181: {  	[sflag:s30] =	ssyncset.done $0x0  }
0x182: {  	[sflag:s30] =	ssyncadd.s32 $0xFFFFFF80  }
0x183: {  	_ =	sfence.sel $0x180000  }
0x184: {  	[bflag:$0x0] =	sbarrier.arrive $0xFFFF  }
0x185: {  	_ =	strace $0x90000047  }
0x186: {  	s0 =	stileid.u32;
	[bflag:$0x2] =	sbarrier.arrive $0xFFFF  }
0x187: {  	p0 =	sne.s32 s0, $0x0;
	s0 =	rddreg [dreg:$0x8]  }
0x188: {  	s0 =	sadd.s32 @!p0 $0x100000, s0  }
0x189: {  	[sflag:s0] =	ssyncadd.tile.s32 @!p0 $0x1;
	_ =	shalt  }
.Lfunc_end2:
_tile_overlayer_lowered:
.L_overlay_start_2:
0x18a: {  	(tag) =	ssettag $0x2  }
0x18b: {  	s0 =	rddreg [dreg:$0x0];
	s2 =	stileid.u32  }
0x18c: {  	s1 =	rddreg [dreg:$0x1];
	p0 =	sne.s32 s2, $0x0  }
0x18d: {  	s3 =	rddreg [dreg:$0x2];
	[bflag:$0x3] =	sbarrier.arrive $0xFFFF;
	s2 =	simm.s32 @!p0 $0x1C02  }
0x18e: {  	[timem:s3], [sflag:s2] =	dma.local @!p0 [hbm:s0], s1  }
0x18f: {  	s0 =	simm.s32 @!p0 $0x2  }
0x190: {  	_ =	swait.ge @!p0 [sflag:s0], s1  }
0x191: {  	s1 =	ssub.s32 @!p0 $0x0, s1;
	[sflag:s0] =	ssyncset.done @!p0 $0x0  }
0x192: {  	[sflag:s0] =	ssyncadd.s32 @!p0 s1  }
0x193: {  	[bflag:$0x3] =	sbarrier.arrive $0xFFFF  }
0x194: {  	_ =	shalt  }

</sc_bundles>
